<compile_context>
chip_gen: v7x
topology: tpu7x:2x2x1
jax: 0.10.2.dev20260603
libtpu: 0.0.44.dev20260713+nightly
codegen_flags: <defaults>
</compile_context>

<pallas_src>
import functools

import jax
import jax.numpy as jnp
from jax import lax
from jax.experimental import pallas as pl
from jax.experimental.pallas import tpu as pltpu
from jax.experimental.pallas import tpu_sc as plsc
import numpy as np

N = 10000
E = 320000
G = 512
NF = 128
NBINS = 50
STEP = 0.1
GAMMA = 10.0
LOG2 = float(np.log(2.0))

NC, NS = 2, 16
NW = NC * NS
EPW = E // NW
CHUNK = 80
NCHUNK = EPW // CHUNK
NPAD = 10240
STRIPE = NPAD // NS

NODE_BLK = 1000
EDGE_BLK = 4000


def _ssp(x):
    return jax.nn.softplus(x) - LOG2


def _mesh():
    return plsc.VectorSubcoreMesh(core_axis_name="c", subcore_axis_name="s",
                                  num_cores=NC, num_subcores=NS)


_SC_PARAMS = pltpu.CompilerParams(needs_layout_passes=False)



def _sc_edge_geom(src, dst, px, py, pz, zv):
    @functools.partial(
        pl.kernel,
        out_type=[jax.ShapeDtypeStruct((E,), jnp.float32),
                  jax.ShapeDtypeStruct((E,), jnp.int32)],
        mesh=_mesh(),
        compiler_params=_SC_PARAMS,
        scratch_types=[
            pltpu.VMEM((N,), jnp.float32),
            pltpu.VMEM((N,), jnp.float32),
            pltpu.VMEM((N,), jnp.float32),
            pltpu.VMEM((N,), jnp.int32),
            pltpu.VMEM((EPW,), jnp.int32),
            pltpu.VMEM((EPW,), jnp.int32),
            pltpu.VMEM((EPW,), jnp.float32),
            pltpu.VMEM((EPW,), jnp.int32),
        ],
    )
    def k(src_h, dst_h, px_h, py_h, pz_h, z_h, d2_h, pair_h,
          px_v, py_v, pz_v, z_v, src_v, dst_v, d2_v, pair_v):
        cid = lax.axis_index("c")
        sid = lax.axis_index("s")
        wid = cid * NS + sid
        base = wid * EPW
        pltpu.sync_copy(px_h, px_v)
        pltpu.sync_copy(py_h, py_v)
        pltpu.sync_copy(pz_h, pz_v)
        pltpu.sync_copy(z_h, z_v)
        pltpu.sync_copy(src_h.at[pl.ds(base, EPW)], src_v)
        pltpu.sync_copy(dst_h.at[pl.ds(base, EPW)], dst_v)

        def body(e, _):
            off = e * 16
            s16 = src_v[pl.ds(off, 16)]
            d16 = dst_v[pl.ds(off, 16)]
            dx = (plsc.load_gather(px_v, [d16]) - plsc.load_gather(px_v, [s16]))
            dy = (plsc.load_gather(py_v, [d16]) - plsc.load_gather(py_v, [s16]))
            dz = (plsc.load_gather(pz_v, [d16]) - plsc.load_gather(pz_v, [s16]))
            d2_v[pl.ds(off, 16)] = dx * dx + dy * dy + dz * dz
            zs = plsc.load_gather(z_v, [s16])
            zd = plsc.load_gather(z_v, [d16])
            pair_v[pl.ds(off, 16)] = zs * 100 + zd
            return _

        lax.fori_loop(0, EPW // 16, body, None)
        pltpu.sync_copy(d2_v, d2_h.at[pl.ds(base, EPW)])
        pltpu.sync_copy(pair_v, pair_h.at[pl.ds(base, EPW)])

    return k(src, dst, px, py, pz, zv)



def _sc_gather_rows(pair, src, zz_table, m):
    @functools.partial(
        pl.kernel,
        out_type=[jax.ShapeDtypeStruct((E, NF), jnp.float32),
                  jax.ShapeDtypeStruct((E, NF), jnp.float32)],
        mesh=_mesh(),
        compiler_params=_SC_PARAMS,
        scratch_types=[
            pltpu.VMEM((CHUNK,), jnp.int32),
            pltpu.VMEM((CHUNK,), jnp.int32),
            pltpu.VMEM((CHUNK, NF), jnp.float32),
            pltpu.VMEM((CHUNK, NF), jnp.float32),
            pltpu.SemaphoreType.DMA,
            pltpu.SemaphoreType.DMA,
        ],
    )
    def k(pair_h, src_h, table_h, m_h, zz_out, m_out,
          idx_p, idx_s, rows_a, rows_b, sem_a, sem_b):
        cid = lax.axis_index("c")
        sid = lax.axis_index("s")
        wid = cid * NS + sid
        base = wid * EPW

        def body(c, _):
            off = base + c * CHUNK
            pltpu.sync_copy(pair_h.at[pl.ds(off, CHUNK)], idx_p)
            pltpu.sync_copy(src_h.at[pl.ds(off, CHUNK)], idx_s)
            cp_a = pltpu.async_copy(table_h.at[idx_p], rows_a, sem_a)
            cp_b = pltpu.async_copy(m_h.at[idx_s], rows_b, sem_b)
            cp_a.wait()
            cp_b.wait()
            pltpu.sync_copy(rows_a, zz_out.at[pl.ds(off, CHUNK)])
            pltpu.sync_copy(rows_b, m_out.at[pl.ds(off, CHUNK)])
            return _

        lax.fori_loop(0, NCHUNK, body, None)

    return k(pair, src, zz_table, m)



def _sc_scatter_add(out_e, dst, zeros):
    @functools.partial(
        pl.kernel,
        out_type=[jax.ShapeDtypeStruct((NPAD, NF), jnp.float32),
                  jax.ShapeDtypeStruct((NPAD, NF), jnp.float32)],
        mesh=_mesh(),
        compiler_params=_SC_PARAMS,
        scratch_types=[
            pltpu.VMEM_SHARED((NPAD, NF), jnp.float32),
            pltpu.VMEM((CHUNK,), jnp.int32),
            pltpu.VMEM((CHUNK, NF), jnp.float32),
        ],
    )
    def k(oute_h, dst_h, zeros_h, vh0, vh1, accum, idx_d, rows):
        cid = lax.axis_index("c")
        sid = lax.axis_index("s")
        wid = cid * NS + sid
        base = wid * EPW
        pltpu.sync_copy(zeros_h.at[pl.ds(sid * STRIPE, STRIPE)],
                        accum.at[pl.ds(sid * STRIPE, STRIPE)])
        plsc.subcore_barrier()

        def body(c, _):
            off = base + c * CHUNK
            pltpu.sync_copy(dst_h.at[pl.ds(off, CHUNK)], idx_d)
            pltpu.sync_copy(oute_h.at[pl.ds(off, CHUNK)], rows)
            pltpu.sync_copy(rows, accum.at[idx_d], add=True)
            return _

        lax.fori_loop(0, NCHUNK, body, None)
        plsc.subcore_barrier()

        @pl.when(cid == 0)
        def _():
            pltpu.sync_copy(accum.at[pl.ds(sid * STRIPE, STRIPE)],
                            vh0.at[pl.ds(sid * STRIPE, STRIPE)])

        @pl.when(cid == 1)
        def _():
            pltpu.sync_copy(accum.at[pl.ds(sid * STRIPE, STRIPE)],
                            vh1.at[pl.ds(sid * STRIPE, STRIPE)])

    return k(out_e, dst, zeros)



def _tc_embed(z2d, batch2d, emb_z):
    nb = N // NODE_BLK

    def body(z_ref, b_ref, emb_ref, x_ref, cnt_ref):
        i = pl.program_id(0)
        oh = (z_ref[...] == lax.broadcasted_iota(jnp.int32, (NODE_BLK, 100), 1)
              ).astype(jnp.float32)
        x_ref[...] = jnp.dot(oh, emb_ref[...], preferred_element_type=jnp.float32)
        ohb = (b_ref[...] == lax.broadcasted_iota(jnp.int32, (NODE_BLK, G), 1)
               ).astype(jnp.float32)
        cnt = lax.dot_general(ohb, jnp.ones((NODE_BLK, 1), jnp.float32),
                              (((0,), (0,)), ((), ())),
                              preferred_element_type=jnp.float32)

        @pl.when(i == 0)
        def _():
            cnt_ref[...] = jnp.zeros_like(cnt_ref)

        cnt_ref[...] += cnt

    return pl.pallas_call(
        body,
        grid=(nb,),
        in_specs=[pl.BlockSpec((NODE_BLK, 1), lambda i: (i, 0)),
                  pl.BlockSpec((NODE_BLK, 1), lambda i: (i, 0)),
                  pl.BlockSpec((100, NF), lambda i: (0, 0))],
        out_specs=[pl.BlockSpec((NODE_BLK, NF), lambda i: (i, 0)),
                   pl.BlockSpec((G, 1), lambda i: (0, 0))],
        out_shape=[jax.ShapeDtypeStruct((N, NF), jnp.float32),
                   jax.ShapeDtypeStruct((G, 1), jnp.float32)],
    )(z2d, batch2d, emb_z)


def _tc_zz_tables(cf0, g0, cf1, g1):
    npair = 100 * 100
    blk = 1000
    w00, b00, w01, b01 = g0
    w10, b10, w11, b11 = g1

    def body(cf0_r, w00_r, b00_r, w01_r, b01_r,
             cf1_r, w10_r, b10_r, w11_r, b11_r, t0_r, t1_r):
        i = pl.program_id(0)
        r = lax.broadcasted_iota(jnp.int32, (blk, 1), 0)
        a = i * (blk // 100) + r // 100
        b = r % 100
        col = lax.broadcasted_iota(jnp.int32, (blk, 100), 1)
        oha = (a == col).astype(jnp.float32)
        ohb = (b == col).astype(jnp.float32)
        for cf_r, w0_r, bb0_r, w1_r, bb1_r, t_r in (
                (cf0_r, w00_r, b00_r, w01_r, b01_r, t0_r),
                (cf1_r, w10_r, b10_r, w11_r, b11_r, t1_r)):
            za = jnp.dot(oha, cf_r[...], preferred_element_type=jnp.float32)
            zb = jnp.dot(ohb, cf_r[...], preferred_element_type=jnp.float32)
            h = _ssp(jnp.dot(za * zb, w0_r[...],
                             preferred_element_type=jnp.float32) + bb0_r[...])
            t_r[...] = _ssp(jnp.dot(h, w1_r[...],
                                    preferred_element_type=jnp.float32) + bb1_r[...])

    full = lambda s: pl.BlockSpec(s, lambda i: tuple(0 for _ in s))
    in_specs = [full((100, NF)), full((NF, NF)), full((1, NF)), full((NF, NF)),
                full((1, NF)),
                full((100, NF)), full((NF, NF)), full((1, NF)), full((NF, NF)),
                full((1, NF))]
    return pl.pallas_call(
        body,
        grid=(npair // blk,),
        in_specs=in_specs,
        out_specs=[pl.BlockSpec((blk, NF), lambda i: (i, 0)),
                   pl.BlockSpec((blk, NF), lambda i: (i, 0))],
        out_shape=[jax.ShapeDtypeStruct((npair, NF), jnp.float32),
                   jax.ShapeDtypeStruct((npair, NF), jnp.float32)],
    )(cf0, w00, b00, w01, b01, cf1, w10, b10, w11, b11)


def _tc_small_heads(sol2d, emb_solv, ps, cdft, pu):
    ws0, bs0, ws1, bs1 = ps
    wu0, bu0, wu1, bu1 = pu

    def body(sol_r, es_r, ws0_r, bs0_r, ws1_r, bs1_r,
             cd_r, wu0_r, bu0_r, wu1_r, bu1_r, sv_r, u0_r):
        oh = (sol_r[...] == lax.broadcasted_iota(jnp.int32, (G, 4), 1)
              ).astype(jnp.float32)
        se = jnp.dot(oh, es_r[...], preferred_element_type=jnp.float32)
        h = _ssp(jnp.dot(se, ws0_r[...], preferred_element_type=jnp.float32)
                 + bs0_r[...])
        sv_r[...] = jnp.dot(h, ws1_r[...], preferred_element_type=jnp.float32) \
            + bs1_r[...]
        hu = _ssp(jnp.dot(cd_r[...], wu0_r[...],
                          preferred_element_type=jnp.float32) + bu0_r[...])
        u0_r[...] = jnp.dot(hu, wu1_r[...], preferred_element_type=jnp.float32) \
            + bu1_r[...]

    return pl.pallas_call(
        body,
        out_shape=[jax.ShapeDtypeStruct((G, 32), jnp.float32),
                   jax.ShapeDtypeStruct((G, NF), jnp.float32)],
    )(sol2d, emb_solv, ws0, bs0, ws1, bs1, cdft, wu0, bu0, wu1, bu1)


def _tc_lin1(x, w, b):
    nb = N // NODE_BLK

    def body(x_r, w_r, b_r, o_r):
        o_r[...] = jnp.dot(x_r[...], w_r[...],
                           preferred_element_type=jnp.float32) + b_r[...]

    return pl.pallas_call(
        body,
        grid=(nb,),
        in_specs=[pl.BlockSpec((NODE_BLK, NF), lambda i: (i, 0)),
                  pl.BlockSpec((NF, NF), lambda i: (0, 0)),
                  pl.BlockSpec((1, NF), lambda i: (0, 0))],
        out_specs=pl.BlockSpec((NODE_BLK, NF), lambda i: (i, 0)),
        out_shape=jax.ShapeDtypeStruct((N, NF), jnp.float32),
    )(x, w, b)


def _tc_edge_mlp(d2e, zz_e, m_e, pg):
    wg0, bg0, wg1, bg1 = pg
    nb = E // EDGE_BLK

    def body(d2_r, zz_r, m_r, wg0_r, bg0_r, wg1_r, bg1_r, o_r):
        d = jnp.sqrt(d2_r[...])
        uk = lax.broadcasted_iota(jnp.int32, (EDGE_BLK, NBINS), 1
                                  ).astype(jnp.float32) * STEP
        g = jnp.exp(-GAMMA * jnp.square(d - uk))
        g = _ssp(jnp.dot(g, wg0_r[...], preferred_element_type=jnp.float32)
                 + bg0_r[...])
        g = _ssp(jnp.dot(g, wg1_r[...], preferred_element_type=jnp.float32)
                 + bg1_r[...])
        o_r[...] = g * zz_r[...] * m_r[...]

    return pl.pallas_call(
        body,
        grid=(nb,),
        in_specs=[pl.BlockSpec((EDGE_BLK, 1), lambda i: (i, 0)),
                  pl.BlockSpec((EDGE_BLK, NF), lambda i: (i, 0)),
                  pl.BlockSpec((EDGE_BLK, NF), lambda i: (i, 0)),
                  pl.BlockSpec((NBINS, NF), lambda i: (0, 0)),
                  pl.BlockSpec((1, NF), lambda i: (0, 0)),
                  pl.BlockSpec((NF, NF), lambda i: (0, 0)),
                  pl.BlockSpec((1, NF), lambda i: (0, 0))],
        out_specs=pl.BlockSpec((EDGE_BLK, NF), lambda i: (i, 0)),
        out_shape=jax.ShapeDtypeStruct((E, NF), jnp.float32),
    )(d2e, zz_e, m_e, wg0, bg0, wg1, bg1)


def _tc_update(vh0, vh1, x, batch2d, pm):
    wm0, bm0, wm1, bm1 = pm
    nb = N // NODE_BLK

    def body(v0_r, v1_r, x_r, b_r, wm0_r, bm0_r, wm1_r, bm1_r, xn_r, s_r):
        i = pl.program_id(0)
        v = v0_r[...] + v1_r[...]
        h = _ssp(jnp.dot(v, wm0_r[...], preferred_element_type=jnp.float32)
                 + bm0_r[...])
        v2 = jnp.dot(h, wm1_r[...], preferred_element_type=jnp.float32) \
            + bm1_r[...]
        xn = x_r[...] + v2
        xn_r[...] = xn
        ohb = (b_r[...] == lax.broadcasted_iota(jnp.int32, (NODE_BLK, G), 1)
               ).astype(jnp.float32)
        contrib = lax.dot_general(ohb, xn, (((0,), (0,)), ((), ())),
                                  preferred_element_type=jnp.float32)

        @pl.when(i == 0)
        def _():
            s_r[...] = jnp.zeros_like(s_r)

        s_r[...] += contrib

    return pl.pallas_call(
        body,
        grid=(nb,),
        in_specs=[pl.BlockSpec((NODE_BLK, NF), lambda i: (i, 0)),
                  pl.BlockSpec((NODE_BLK, NF), lambda i: (i, 0)),
                  pl.BlockSpec((NODE_BLK, NF), lambda i: (i, 0)),
                  pl.BlockSpec((NODE_BLK, 1), lambda i: (i, 0)),
                  pl.BlockSpec((NF, NF), lambda i: (0, 0)),
                  pl.BlockSpec((1, NF), lambda i: (0, 0)),
                  pl.BlockSpec((NF, NF), lambda i: (0, 0)),
                  pl.BlockSpec((1, NF), lambda i: (0, 0))],
        out_specs=[pl.BlockSpec((NODE_BLK, NF), lambda i: (i, 0)),
                   pl.BlockSpec((G, NF), lambda i: (0, 0))],
        out_shape=[jax.ShapeDtypeStruct((N, NF), jnp.float32),
                   jax.ShapeDtypeStruct((G, NF), jnp.float32)],
    )(vh0, vh1, x, batch2d, wm0, bm0, wm1, bm1)


def _tc_u_update(sums, cnt, u, p1, p2, p3):
    w1a, b1a, w1b, b1b = p1
    w2a, b2a, w2b, b2b = p2
    w3a, b3a, w3b, b3b = p3

    def mid(x, wa, ba, wb, bb):
        h = _ssp(jnp.dot(x, wa, preferred_element_type=jnp.float32) + ba)
        return jnp.dot(h, wb, preferred_element_type=jnp.float32) + bb

    def body(s_r, c_r, u_r, w1a_r, b1a_r, w1b_r, b1b_r,
             w2a_r, b2a_r, w2b_r, b2b_r, w3a_r, b3a_r, w3b_r, b3b_r, o_r):
        mean = s_r[...] / jnp.maximum(c_r[...], 1.0)
        u = u_r[...]
        m = mid(mean, w1a_r[...], b1a_r[...], w1b_r[...], b1b_r[...]) \
            + mid(u, w2a_r[...], b2a_r[...], w2b_r[...], b2b_r[...])
        m = mid(m, w3a_r[...], b3a_r[...], w3b_r[...], b3b_r[...])
        o_r[...] = u + m

    return pl.pallas_call(
        body,
        out_shape=jax.ShapeDtypeStruct((G, NF), jnp.float32),
    )(sums, cnt, u, w1a, b1a, w1b, b1b, w2a, b2a, w2b, b2b, w3a, b3a, w3b, b3b)


def _tc_pick_rows(idx2d, x):
    nb = N // NODE_BLK

    def body(i_r, x_r, o_r):
        i = pl.program_id(0)
        col = lax.broadcasted_iota(jnp.int32, (G, NODE_BLK), 1) + i * NODE_BLK
        oh = (i_r[...] == col).astype(jnp.float32)
        contrib = lax.dot_general(oh, x_r[...], (((1,), (0,)), ((), ())),
                                  preferred_element_type=jnp.float32)

        @pl.when(i == 0)
        def _():
            o_r[...] = jnp.zeros_like(o_r)

        o_r[...] += contrib

    return pl.pallas_call(
        body,
        grid=(nb,),
        in_specs=[pl.BlockSpec((G, 1), lambda i: (0, 0)),
                  pl.BlockSpec((NODE_BLK, NF), lambda i: (i, 0))],
        out_specs=pl.BlockSpec((G, NF), lambda i: (0, 0)),
        out_shape=jax.ShapeDtypeStruct((G, NF), jnp.float32),
    )(idx2d, x)


def _tc_final(xs, u, sv, w0a, w0b, w0c, b0, w1, b1, w2, b2):
    def body(xs_r, u_r, sv_r, w0a_r, w0b_r, w0c_r, b0_r, w1_r, b1_r,
             w2_r, b2_r, o_r):
        h = _ssp(jnp.dot(xs_r[...], w0a_r[...], preferred_element_type=jnp.float32)
                 + jnp.dot(u_r[...], w0b_r[...], preferred_element_type=jnp.float32)
                 + jnp.dot(sv_r[...], w0c_r[...], preferred_element_type=jnp.float32)
                 + b0_r[...])
        h = _ssp(jnp.dot(h, w1_r[...], preferred_element_type=jnp.float32)
                 + b1_r[...])
        o_r[...] = jnp.dot(h, w2_r[...], preferred_element_type=jnp.float32) \
            + b2_r[...]

    return pl.pallas_call(
        body,
        out_shape=jax.ShapeDtypeStruct((G, 1), jnp.float32),
    )(xs, u, sv, w0a, w0b, w0c, b0, w1, b1, w2, b2)



def _row(b):
    return b.reshape(1, -1)


def kernel(edge_index, position, z, batch, solvent, nuc_index, cdft, params):
    src = edge_index[0]
    dst = edge_index[1]
    px = jnp.asarray(position[:, 0])
    py = jnp.asarray(position[:, 1])
    pz = jnp.asarray(position[:, 2])
    z2d = z.reshape(N, 1)
    batch2d = batch.reshape(N, 1)
    sol2d = solvent.reshape(G, 1)
    zeros = jnp.zeros((NPAD, NF), jnp.float32)

    p = params
    convs = p['convs']

    def lin4(ps):
        (wa, ba), (wb, bb) = ps
        return (wa, _row(ba), wb, _row(bb))

    d2, pair = _sc_edge_geom(src, dst, px, py, pz, z)
    d2e = d2.reshape(E, 1)

    x, cnt = _tc_embed(z2d, batch2d, p['emb_z'])
    t0, t1 = _tc_zz_tables(convs[0]['cf_emb_z'], lin4(convs[0]['mlp_z']),
                           convs[1]['cf_emb_z'], lin4(convs[1]['mlp_z']))
    sv, u = _tc_small_heads(sol2d, p['emb_solv'], lin4(p['mlp_solv']),
                            cdft, lin4(p['mlp_u0']))

    tables = (t0, t1)
    for ci, cp in enumerate(convs):
        w1, b1 = cp['lin1']
        m = _tc_lin1(x, w1, _row(b1))
        zz_e, m_e = _sc_gather_rows(pair, src, tables[ci], m)
        out_e = _tc_edge_mlp(d2e, zz_e, m_e, lin4(cp['mlp_g']))
        vh0, vh1 = _sc_scatter_add(out_e, dst, zeros)
        x, sums = _tc_update(vh0, vh1, x, batch2d, lin4(cp['mlp']))
        u = _tc_u_update(sums, cnt, u, lin4(p['mlp_u1']), lin4(p['mlp_u2']),
                         lin4(p['mlp_u3']))

    idx2d = ((nuc_index - 1) % N).reshape(G, 1).astype(jnp.int32)
    xs = _tc_pick_rows(idx2d, x)

    (w0, b0), (wp1, bp1), (wp2, bp2) = p['post']
    out = _tc_final(xs, u, sv, w0[:NF], w0[NF:2 * NF], w0[2 * NF:], _row(b0),
                    wp1, _row(bp1), wp2, _row(bp2))
    return out

# --- scband reference (transcript-rebuilt; emitter-appended) ---
"""Pipeline reference for scband-zsch-net-cdft-15676630630711 (READ-ONLY COPY).

The authoritative reference and input builder live on the scoring server;
editing this copy changes nothing except your own understanding.
"""

import jax, jax.numpy as jnp
import numpy as np

N_NODES = 10000
N_EDGES = 320000
N_GRAPHS = 512
NF = 128
U_MAX = 5.0
STEP = 0.1
GAMMA = 10.0
NBINS = int(U_MAX / STEP)  # 50
LOG2 = float(np.log(2.0))


def ssp(x):
    return jax.nn.softplus(x) - LOG2


def linear(p, x):
    return x @ p[0] + p[1]


def mlp_act_both(ps, x):
    # Linear -> SSPlus -> Linear -> SSPlus
    for p in ps:
        x = ssp(linear(p, x))
    return x


def mlp_mid(ps, x):
    # Linear -> SSPlus -> Linear
    x = ssp(linear(ps[0], x))
    return linear(ps[1], x)


def _lin(key, din, dout):
    W = jax.random.normal(key, (din, dout), jnp.float32) / np.sqrt(din)
    b = jnp.zeros((dout,), jnp.float32)
    return (W, b)


def make_params(key):
    keys = list(jax.random.split(key, 64))
    it = iter(keys)

    def lin(di, do):
        return _lin(next(it), di, do)

    emb_z = (jax.random.normal(next(it), (100, NF), jnp.float32) * 0.05).at[0].set(0.0)
    emb_solv = jax.random.normal(next(it), (4, 64), jnp.float32) * 0.05
    params = {
        'emb_z': emb_z,
        'emb_solv': emb_solv,
        'mlp_solv': [lin(64, 64), lin(64, 32)],
        'mlp_u0': [lin(10, NF), lin(NF, NF)],
        'mlp_u1': [lin(NF, NF), lin(NF, NF)],
        'mlp_u2': [lin(NF, NF), lin(NF, NF)],
        'mlp_u3': [lin(NF, NF), lin(NF, NF)],
        'post': [lin(NF + NF + 32, 256), lin(256, 32), lin(32, 1)],
        'convs': [],
    }
    for _ in range(2):
        conv = {
            'lin1': lin(NF, NF),
            'mlp': [lin(NF, NF), lin(NF, NF)],
            'cf_emb_z': (jax.random.normal(next(it), (100, NF), jnp.float32) * 0.05).at[0].set(0.0),
            'mlp_g': [lin(NBINS, NF), lin(NF, NF)],
            'mlp_z': [lin(NF, NF), lin(NF, NF)],
        }
        params['convs'].append(conv)
    return params


def setup_inputs(seed: int = 0):
    key = jax.random.key(seed)
    k = lambda i: jax.random.fold_in(key, i)
    edge_index = jax.random.randint(k(1), (2, N_EDGES), 0, N_NODES, dtype=jnp.int32)
    position = jax.random.normal(k(2), (N_NODES, 3), jnp.float32) * 3.0
    z = jax.random.randint(k(3), (N_NODES,), 0, 100, dtype=jnp.int32)
    batch = jnp.sort(jax.random.randint(k(4), (N_NODES,), 0, N_GRAPHS, dtype=jnp.int32))
    solvent = jax.random.randint(k(5), (N_GRAPHS,), 0, 4, dtype=jnp.int32)
    nuc_index = jax.random.randint(k(6), (N_GRAPHS,), 0, N_NODES, dtype=jnp.int32)
    cdft = jax.random.normal(k(7), (N_GRAPHS, 10), jnp.float32)
    params = make_params(k(8))
    return {'edge_index': edge_index, 'position': position, 'z': z, 'batch': batch,
            'solvent': solvent, 'nuc_index': nuc_index, 'cdft': cdft, 'params': params}


def cfconv(cp, x, edge_index, z, position):
    src = edge_index[0]
    dst = edge_index[1]
    pi = position[dst]
    pj = position[src]
    d = jnp.linalg.norm(pi - pj, axis=1, keepdims=True)
    u_k = (jnp.arange(NBINS, dtype=jnp.float32) * STEP)[None, :]
    g = jnp.exp(-GAMMA * jnp.square(d - u_k))
    g = mlp_act_both(cp['mlp_g'], g)
    zj = cp['cf_emb_z'][z[src]]
    zi = cp['cf_emb_z'][z[dst]]
    zz = mlp_act_both(cp['mlp_z'], zj * zi)
    w = g * zz
    out = x[src] * w
    return jax.ops.segment_sum(out, dst, num_segments=x.shape[0])


def interaction(cp, x, edge_index, z, position):
    m = linear(cp['lin1'], x)
    v = cfconv(cp, m, edge_index, z, position)
    v = mlp_mid(cp['mlp'], v)
    return x + v


def forward(params, position, cdft, edge_index, z, batch, solvent, nuc_index):
    x = params['emb_z'][z]
    sv = params['emb_solv'][solvent]
    sv = mlp_mid(params['mlp_solv'], sv)
    u = mlp_mid(params['mlp_u0'], cdft)
    for cp in params['convs']:
        x = interaction(cp, x, edge_index, z, position)
        sums = jax.ops.segment_sum(x, batch, num_segments=N_GRAPHS)
        cnt = jax.ops.segment_sum(jnp.ones((x.shape[0], 1), jnp.float32), batch, num_segments=N_GRAPHS)
        mean = sums / jnp.maximum(cnt, 1.0)
        m = mlp_mid(params['mlp_u1'], mean) + mlp_mid(params['mlp_u2'], u)
        m = mlp_mid(params['mlp_u3'], m)
        u = u + m
    idx = (nuc_index - 1) % N_NODES  # torch wraps -1 to last row
    xs = x[idx]
    out = jnp.concatenate([xs, u, sv], axis=1)
    h = ssp(linear(params['post'][0], out))
    h = ssp(linear(params['post'][1], h))
    return linear(params['post'][2], h)


def reference(edge_index, position, z, batch, solvent, nuc_index, cdft, params):
    return forward(params, position, cdft, edge_index, z, batch, solvent, nuc_index)

if __name__ == "__main__":
    import jax
    _d = setup_inputs()
    print(jax.jit(kernel)(*tuple(_d.values())))

</pallas_src>

<mosaic_0001>
#map = affine_map<(d0, d1) -> (0)>
module attributes {stable_mosaic.version = 14 : i64} {
  func.func @k(%arg0: i32, %arg1: i32, %arg2: memref<320000xi32, #tpu.memory_space<hbm>>, %arg3: memref<320000xi32, #tpu.memory_space<hbm>>, %arg4: memref<10000xf32, #tpu.memory_space<hbm>>, %arg5: memref<10000xf32, #tpu.memory_space<hbm>>, %arg6: memref<10000xf32, #tpu.memory_space<hbm>>, %arg7: memref<10000xi32, #tpu.memory_space<hbm>>, %arg8: memref<320000xf32, #tpu.memory_space<hbm>>, %arg9: memref<320000xi32, #tpu.memory_space<hbm>>, %arg10: memref<10000xf32, #tpu.memory_space<vmem>>, %arg11: memref<10000xf32, #tpu.memory_space<vmem>>, %arg12: memref<10000xf32, #tpu.memory_space<vmem>>, %arg13: memref<10000xi32, #tpu.memory_space<vmem>>, %arg14: memref<10000xi32, #tpu.memory_space<vmem>>, %arg15: memref<10000xi32, #tpu.memory_space<vmem>>, %arg16: memref<10000xf32, #tpu.memory_space<vmem>>, %arg17: memref<10000xi32, #tpu.memory_space<vmem>>) attributes {dimension_semantics = [#tpu.dimension_semantics<core_parallel>, #tpu.dimension_semantics<subcore_parallel>], iteration_bounds = array<i64: 2, 16>, scalar_prefetch = 0 : i64, scratch_operands = 8 : i64, tpu.core_type = #tpu.core_type<sc_vector_subcore>, window_params = [{transform_indices = #map}, {transform_indices = #map}, {transform_indices = #map}, {transform_indices = #map}, {transform_indices = #map}, {transform_indices = #map}, {transform_indices = #map}, {transform_indices = #map}]} {
    %mul3A = arith.constant 16 : i32
    %mul3A_0 = arith.muli %arg0, %mul3A : i32
    %add3A = arith.addi %mul3A_0, %arg1 : i32
    %mul3A_1 = arith.constant 10000 : i32
    %mul3A_2 = arith.muli %add3A, %mul3A_1 : i32
    "tpu.region"() ({
      %run_scoped3A = tpu.sem_alloc : memref<!tpu.dma_semaphore, #tpu.memory_space<semaphore_mem>>
      tpu.enqueue_dma source(%arg4 : memref<10000xf32, #tpu.memory_space<hbm>>) target(%arg10 : memref<10000xf32, #tpu.memory_space<vmem>>) target_semaphore(%run_scoped3A : memref<!tpu.dma_semaphore, #tpu.memory_space<semaphore_mem>>)
      tpu.wait_dma2 semaphore(%run_scoped3A : memref<!tpu.dma_semaphore, #tpu.memory_space<semaphore_mem>>) src(%arg4 : memref<10000xf32, #tpu.memory_space<hbm>>) dst(%arg10 : memref<10000xf32, #tpu.memory_space<vmem>>)
      tpu.yield
    }) : () -> ()
    "tpu.region"() ({
      %run_scoped3A = tpu.sem_alloc : memref<!tpu.dma_semaphore, #tpu.memory_space<semaphore_mem>>
      tpu.enqueue_dma source(%arg5 : memref<10000xf32, #tpu.memory_space<hbm>>) target(%arg11 : memref<10000xf32, #tpu.memory_space<vmem>>) target_semaphore(%run_scoped3A : memref<!tpu.dma_semaphore, #tpu.memory_space<semaphore_mem>>)
      tpu.wait_dma2 semaphore(%run_scoped3A : memref<!tpu.dma_semaphore, #tpu.memory_space<semaphore_mem>>) src(%arg5 : memref<10000xf32, #tpu.memory_space<hbm>>) dst(%arg11 : memref<10000xf32, #tpu.memory_space<vmem>>)
      tpu.yield
    }) : () -> ()
    "tpu.region"() ({
      %run_scoped3A = tpu.sem_alloc : memref<!tpu.dma_semaphore, #tpu.memory_space<semaphore_mem>>
      tpu.enqueue_dma source(%arg6 : memref<10000xf32, #tpu.memory_space<hbm>>) target(%arg12 : memref<10000xf32, #tpu.memory_space<vmem>>) target_semaphore(%run_scoped3A : memref<!tpu.dma_semaphore, #tpu.memory_space<semaphore_mem>>)
      tpu.wait_dma2 semaphore(%run_scoped3A : memref<!tpu.dma_semaphore, #tpu.memory_space<semaphore_mem>>) src(%arg6 : memref<10000xf32, #tpu.memory_space<hbm>>) dst(%arg12 : memref<10000xf32, #tpu.memory_space<vmem>>)
      tpu.yield
    }) : () -> ()
    "tpu.region"() ({
      %run_scoped3A = tpu.sem_alloc : memref<!tpu.dma_semaphore, #tpu.memory_space<semaphore_mem>>
      tpu.enqueue_dma source(%arg7 : memref<10000xi32, #tpu.memory_space<hbm>>) target(%arg13 : memref<10000xi32, #tpu.memory_space<vmem>>) target_semaphore(%run_scoped3A : memref<!tpu.dma_semaphore, #tpu.memory_space<semaphore_mem>>)
      tpu.wait_dma2 semaphore(%run_scoped3A : memref<!tpu.dma_semaphore, #tpu.memory_space<semaphore_mem>>) src(%arg7 : memref<10000xi32, #tpu.memory_space<hbm>>) dst(%arg13 : memref<10000xi32, #tpu.memory_space<vmem>>)
      tpu.yield
    }) : () -> ()
    "tpu.region"() ({
      %run_scoped3A = tpu.sem_alloc : memref<!tpu.dma_semaphore, #tpu.memory_space<semaphore_mem>>
      %dma_start3A = tpu.memref_slice %arg2[%mul3A_2] : memref<320000xi32, #tpu.memory_space<hbm>> -> memref<10000xi32, #tpu.memory_space<hbm>>
      %dma_start3A_7 = tpu.memref_slice %arg2[%mul3A_2] : memref<320000xi32, #tpu.memory_space<hbm>> -> memref<10000xi32, #tpu.memory_space<hbm>>
      tpu.enqueue_dma source(%dma_start3A_7 : memref<10000xi32, #tpu.memory_space<hbm>>) target(%arg14 : memref<10000xi32, #tpu.memory_space<vmem>>) target_semaphore(%run_scoped3A : memref<!tpu.dma_semaphore, #tpu.memory_space<semaphore_mem>>)
      %dma_wait3A = tpu.memref_slice %arg2[%mul3A_2] : memref<320000xi32, #tpu.memory_space<hbm>> -> memref<10000xi32, #tpu.memory_space<hbm>>
      %dma_wait3A_8 = tpu.memref_slice %arg2[%mul3A_2] : memref<320000xi32, #tpu.memory_space<hbm>> -> memref<10000xi32, #tpu.memory_space<hbm>>
      tpu.wait_dma2 semaphore(%run_scoped3A : memref<!tpu.dma_semaphore, #tpu.memory_space<semaphore_mem>>) src(%dma_wait3A_8 : memref<10000xi32, #tpu.memory_space<hbm>>) dst(%arg14 : memref<10000xi32, #tpu.memory_space<vmem>>)
      tpu.yield
    }) : () -> ()
    "tpu.region"() ({
      %run_scoped3A = tpu.sem_alloc : memref<!tpu.dma_semaphore, #tpu.memory_space<semaphore_mem>>
      %dma_start3A = tpu.memref_slice %arg3[%mul3A_2] : memref<320000xi32, #tpu.memory_space<hbm>> -> memref<10000xi32, #tpu.memory_space<hbm>>
      %dma_start3A_7 = tpu.memref_slice %arg3[%mul3A_2] : memref<320000xi32, #tpu.memory_space<hbm>> -> memref<10000xi32, #tpu.memory_space<hbm>>
      tpu.enqueue_dma source(%dma_start3A_7 : memref<10000xi32, #tpu.memory_space<hbm>>) target(%arg15 : memref<10000xi32, #tpu.memory_space<vmem>>) target_semaphore(%run_scoped3A : memref<!tpu.dma_semaphore, #tpu.memory_space<semaphore_mem>>)
      %dma_wait3A = tpu.memref_slice %arg3[%mul3A_2] : memref<320000xi32, #tpu.memory_space<hbm>> -> memref<10000xi32, #tpu.memory_space<hbm>>
      %dma_wait3A_8 = tpu.memref_slice %arg3[%mul3A_2] : memref<320000xi32, #tpu.memory_space<hbm>> -> memref<10000xi32, #tpu.memory_space<hbm>>
      tpu.wait_dma2 semaphore(%run_scoped3A : memref<!tpu.dma_semaphore, #tpu.memory_space<semaphore_mem>>) src(%dma_wait3A_8 : memref<10000xi32, #tpu.memory_space<hbm>>) dst(%arg15 : memref<10000xi32, #tpu.memory_space<vmem>>)
      tpu.yield
    }) : () -> ()
    %scan3A = arith.constant 0 : i32
    %scan3A_3 = arith.constant 625 : i32
    %scan3A_4 = arith.addi %scan3A, %scan3A_3 : i32
    %scan3A_5 = arith.constant 1 : i32
    scf.for %scan3A_7 = %scan3A to %scan3A_4 step %scan3A_5  : i32 {
      %mul3A_8 = arith.constant 16 : i32
      %mul3A_9 = arith.muli %scan3A_7, %mul3A_8 : i32
      %get3A = arith.index_cast %mul3A_9 : i32 to index
      %get3A_10 = tpu.vector_load %arg14[%get3A] {strides = array<i32>} : memref<10000xi32, #tpu.memory_space<vmem>>, vector<16xi32>,
      %get3A_11 = arith.index_cast %mul3A_9 : i32 to index
      %get3A_12 = tpu.vector_load %arg15[%get3A_11] {strides = array<i32>} : memref<10000xi32, #tpu.memory_space<vmem>>, vector<16xi32>,
      %gather3A = tpu.vector_load_idx %arg10[%get3A_12] : memref<10000xf32, #tpu.memory_space<vmem>>[vector<16xi32>], vector<16xf32>,
      %gather3A_13 = tpu.vector_load_idx %arg10[%get3A_10] : memref<10000xf32, #tpu.memory_space<vmem>>[vector<16xi32>], vector<16xf32>,
      %sub3A = arith.subf %gather3A, %gather3A_13 : vector<16xf32>
      %gather3A_14 = tpu.vector_load_idx %arg11[%get3A_12] : memref<10000xf32, #tpu.memory_space<vmem>>[vector<16xi32>], vector<16xf32>,
      %gather3A_15 = tpu.vector_load_idx %arg11[%get3A_10] : memref<10000xf32, #tpu.memory_space<vmem>>[vector<16xi32>], vector<16xf32>,
      %sub3A_16 = arith.subf %gather3A_14, %gather3A_15 : vector<16xf32>
      %gather3A_17 = tpu.vector_load_idx %arg12[%get3A_12] : memref<10000xf32, #tpu.memory_space<vmem>>[vector<16xi32>], vector<16xf32>,
      %gather3A_18 = tpu.vector_load_idx %arg12[%get3A_10] : memref<10000xf32, #tpu.memory_space<vmem>>[vector<16xi32>], vector<16xf32>,
      %sub3A_19 = arith.subf %gather3A_17, %gather3A_18 : vector<16xf32>
      %mul3A_20 = arith.mulf %sub3A, %sub3A : vector<16xf32>
      %mul3A_21 = arith.mulf %sub3A_16, %sub3A_16 : vector<16xf32>
      %add3A_22 = arith.addf %mul3A_20, %mul3A_21 : vector<16xf32>
      %mul3A_23 = arith.mulf %sub3A_19, %sub3A_19 : vector<16xf32>
      %add3A_24 = arith.addf %add3A_22, %mul3A_23 : vector<16xf32>
      %swap3A = arith.index_cast %mul3A_9 : i32 to index
      %swap3A_25 = tpu.vector_load %arg16[%swap3A] {strides = array<i32>} : memref<10000xf32, #tpu.memory_space<vmem>>, vector<16xf32>,
      tpu.vector_store %arg16[%swap3A], %add3A_24 {strides = array<i32>} : memref<10000xf32, #tpu.memory_space<vmem>>, vector<16xf32>,
      %gather3A_26 = tpu.vector_load_idx %arg13[%get3A_10] : memref<10000xi32, #tpu.memory_space<vmem>>[vector<16xi32>], vector<16xi32>,
      %gather3A_27 = tpu.vector_load_idx %arg13[%get3A_12] : memref<10000xi32, #tpu.memory_space<vmem>>[vector<16xi32>], vector<16xi32>,
      %mul3A_28 = arith.constant 100 : i32
      %mul3A_29 = vector.broadcast %mul3A_28 : i32 to vector<16xi32>
      %mul3A_30 = arith.muli %gather3A_26, %mul3A_29 : vector<16xi32>
      %add3A_31 = arith.addi %mul3A_30, %gather3A_27 : vector<16xi32>
      %swap3A_32 = arith.index_cast %mul3A_9 : i32 to index
      %swap3A_33 = tpu.vector_load %arg17[%swap3A_32] {strides = array<i32>} : memref<10000xi32, #tpu.memory_space<vmem>>, vector<16xi32>,
      tpu.vector_store %arg17[%swap3A_32], %add3A_31 {strides = array<i32>} : memref<10000xi32, #tpu.memory_space<vmem>>, vector<16xi32>,
    }
    %scan3A_6 = arith.constant 625 : i32
    "tpu.region"() ({
      %run_scoped3A = tpu.sem_alloc : memref<!tpu.dma_semaphore, #tpu.memory_space<semaphore_mem>>
      %dma_start3A = tpu.memref_slice %arg8[%mul3A_2] : memref<320000xf32, #tpu.memory_space<hbm>> -> memref<10000xf32, #tpu.memory_space<hbm>>
      %dma_start3A_7 = tpu.memref_slice %arg8[%mul3A_2] : memref<320000xf32, #tpu.memory_space<hbm>> -> memref<10000xf32, #tpu.memory_space<hbm>>
      tpu.enqueue_dma source(%arg16 : memref<10000xf32, #tpu.memory_space<vmem>>) target(%dma_start3A_7 : memref<10000xf32, #tpu.memory_space<hbm>>) target_semaphore(%run_scoped3A : memref<!tpu.dma_semaphore, #tpu.memory_space<semaphore_mem>>)
      %dma_wait3A = tpu.memref_slice %arg8[%mul3A_2] : memref<320000xf32, #tpu.memory_space<hbm>> -> memref<10000xf32, #tpu.memory_space<hbm>>
      %dma_wait3A_8 = tpu.memref_slice %arg8[%mul3A_2] : memref<320000xf32, #tpu.memory_space<hbm>> -> memref<10000xf32, #tpu.memory_space<hbm>>
      tpu.wait_dma2 semaphore(%run_scoped3A : memref<!tpu.dma_semaphore, #tpu.memory_space<semaphore_mem>>) src(%arg16 : memref<10000xf32, #tpu.memory_space<vmem>>) dst(%dma_wait3A_8 : memref<10000xf32, #tpu.memory_space<hbm>>)
      tpu.yield
    }) : () -> ()
    "tpu.region"() ({
      %run_scoped3A = tpu.sem_alloc : memref<!tpu.dma_semaphore, #tpu.memory_space<semaphore_mem>>
      %dma_start3A = tpu.memref_slice %arg9[%mul3A_2] : memref<320000xi32, #tpu.memory_space<hbm>> -> memref<10000xi32, #tpu.memory_space<hbm>>
      %dma_start3A_7 = tpu.memref_slice %arg9[%mul3A_2] : memref<320000xi32, #tpu.memory_space<hbm>> -> memref<10000xi32, #tpu.memory_space<hbm>>
      tpu.enqueue_dma source(%arg17 : memref<10000xi32, #tpu.memory_space<vmem>>) target(%dma_start3A_7 : memref<10000xi32, #tpu.memory_space<hbm>>) target_semaphore(%run_scoped3A : memref<!tpu.dma_semaphore, #tpu.memory_space<semaphore_mem>>)
      %dma_wait3A = tpu.memref_slice %arg9[%mul3A_2] : memref<320000xi32, #tpu.memory_space<hbm>> -> memref<10000xi32, #tpu.memory_space<hbm>>
      %dma_wait3A_8 = tpu.memref_slice %arg9[%mul3A_2] : memref<320000xi32, #tpu.memory_space<hbm>> -> memref<10000xi32, #tpu.memory_space<hbm>>
      tpu.wait_dma2 semaphore(%run_scoped3A : memref<!tpu.dma_semaphore, #tpu.memory_space<semaphore_mem>>) src(%arg17 : memref<10000xi32, #tpu.memory_space<vmem>>) dst(%dma_wait3A_8 : memref<10000xi32, #tpu.memory_space<hbm>>)
      tpu.yield
    }) : () -> ()
    return
  }
}

#map = affine_map<(d0, d1) -> (0)>
#map1 = affine_map<(d0, d1) -> (0, 0)>
module attributes {stable_mosaic.version = 14 : i64} {
  func.func @k(%arg0: i32, %arg1: i32, %arg2: memref<320000xi32, #tpu.memory_space<hbm>>, %arg3: memref<320000xi32, #tpu.memory_space<hbm>>, %arg4: memref<10000x128xf32, #tpu.memory_space<hbm>>, %arg5: memref<10000x128xf32, #tpu.memory_space<hbm>>, %arg6: memref<320000x128xf32, #tpu.memory_space<hbm>>, %arg7: memref<320000x128xf32, #tpu.memory_space<hbm>>, %arg8: memref<80xi32, #tpu.memory_space<vmem>>, %arg9: memref<80xi32, #tpu.memory_space<vmem>>, %arg10: memref<80x128xf32, #tpu.memory_space<vmem>>, %arg11: memref<80x128xf32, #tpu.memory_space<vmem>>, %arg12: memref<!tpu.dma_semaphore, #tpu.memory_space<semaphore_mem>>, %arg13: memref<!tpu.dma_semaphore, #tpu.memory_space<semaphore_mem>>) attributes {dimension_semantics = [#tpu.dimension_semantics<core_parallel>, #tpu.dimension_semantics<subcore_parallel>], iteration_bounds = array<i64: 2, 16>, scalar_prefetch = 0 : i64, scratch_operands = 6 : i64, tpu.core_type = #tpu.core_type<sc_vector_subcore>, window_params = [{transform_indices = #map}, {transform_indices = #map}, {transform_indices = #map1}, {transform_indices = #map1}, {transform_indices = #map1}, {transform_indices = #map1}]} {
    %mul3A = arith.constant 16 : i32
    %mul3A_0 = arith.muli %arg0, %mul3A : i32
    %add3A = arith.addi %mul3A_0, %arg1 : i32
    %mul3A_1 = arith.constant 10000 : i32
    %mul3A_2 = arith.muli %add3A, %mul3A_1 : i32
    %scan3A = arith.constant 0 : i32
    %scan3A_3 = arith.constant 125 : i32
    %scan3A_4 = arith.addi %scan3A, %scan3A_3 : i32
    %scan3A_5 = arith.constant 1 : i32
    scf.for %scan3A_7 = %scan3A to %scan3A_4 step %scan3A_5  : i32 {
      %mul3A_8 = arith.constant 80 : i32
      %mul3A_9 = arith.muli %scan3A_7, %mul3A_8 : i32
      %add3A_10 = arith.addi %mul3A_2, %mul3A_9 : i32
      "tpu.region"() ({
        %run_scoped3A = tpu.sem_alloc : memref<!tpu.dma_semaphore, #tpu.memory_space<semaphore_mem>>
        %dma_start3A_21 = tpu.memref_slice %arg2[%add3A_10] : memref<320000xi32, #tpu.memory_space<hbm>> -> memref<80xi32, #tpu.memory_space<hbm>>
        %dma_start3A_22 = tpu.memref_slice %arg2[%add3A_10] : memref<320000xi32, #tpu.memory_space<hbm>> -> memref<80xi32, #tpu.memory_space<hbm>>
        tpu.enqueue_dma source(%dma_start3A_22 : memref<80xi32, #tpu.memory_space<hbm>>) target(%arg8 : memref<80xi32, #tpu.memory_space<vmem>>) target_semaphore(%run_scoped3A : memref<!tpu.dma_semaphore, #tpu.memory_space<semaphore_mem>>)
        %dma_wait3A_23 = tpu.memref_slice %arg2[%add3A_10] : memref<320000xi32, #tpu.memory_space<hbm>> -> memref<80xi32, #tpu.memory_space<hbm>>
        %dma_wait3A_24 = tpu.memref_slice %arg2[%add3A_10] : memref<320000xi32, #tpu.memory_space<hbm>> -> memref<80xi32, #tpu.memory_space<hbm>>
        tpu.wait_dma2 semaphore(%run_scoped3A : memref<!tpu.dma_semaphore, #tpu.memory_space<semaphore_mem>>) src(%dma_wait3A_24 : memref<80xi32, #tpu.memory_space<hbm>>) dst(%arg8 : memref<80xi32, #tpu.memory_space<vmem>>)
        tpu.yield
      }) : () -> ()
      "tpu.region"() ({
        %run_scoped3A = tpu.sem_alloc : memref<!tpu.dma_semaphore, #tpu.memory_space<semaphore_mem>>
        %dma_start3A_21 = tpu.memref_slice %arg3[%add3A_10] : memref<320000xi32, #tpu.memory_space<hbm>> -> memref<80xi32, #tpu.memory_space<hbm>>
        %dma_start3A_22 = tpu.memref_slice %arg3[%add3A_10] : memref<320000xi32, #tpu.memory_space<hbm>> -> memref<80xi32, #tpu.memory_space<hbm>>
        tpu.enqueue_dma source(%dma_start3A_22 : memref<80xi32, #tpu.memory_space<hbm>>) target(%arg9 : memref<80xi32, #tpu.memory_space<vmem>>) target_semaphore(%run_scoped3A : memref<!tpu.dma_semaphore, #tpu.memory_space<semaphore_mem>>)
        %dma_wait3A_23 = tpu.memref_slice %arg3[%add3A_10] : memref<320000xi32, #tpu.memory_space<hbm>> -> memref<80xi32, #tpu.memory_space<hbm>>
        %dma_wait3A_24 = tpu.memref_slice %arg3[%add3A_10] : memref<320000xi32, #tpu.memory_space<hbm>> -> memref<80xi32, #tpu.memory_space<hbm>>
        tpu.wait_dma2 semaphore(%run_scoped3A : memref<!tpu.dma_semaphore, #tpu.memory_space<semaphore_mem>>) src(%dma_wait3A_24 : memref<80xi32, #tpu.memory_space<hbm>>) dst(%arg9 : memref<80xi32, #tpu.memory_space<vmem>>)
        tpu.yield
      }) : () -> ()
      %dma_start3A = arith.constant 0 : i32
      %dma_start3A_11 = arith.constant 0 : i32
      %dma_start3A_12 = tpu.memref_slice %arg4[%dma_start3A, %dma_start3A_11] : memref<10000x128xf32, #tpu.memory_space<hbm>> -> memref<10000x128xf32, #tpu.memory_space<hbm>>
      tpu.enqueue_indirect_dma source(%dma_start3A_12 : memref<10000x128xf32, #tpu.memory_space<hbm>>) target(%arg10 : memref<80x128xf32, #tpu.memory_space<vmem>>) offsets(%arg8 : memref<80xi32, #tpu.memory_space<vmem>>) semaphore(%arg12 : memref<!tpu.dma_semaphore, #tpu.memory_space<semaphore_mem>>)
      %dma_start3A_13 = arith.constant 0 : i32
      %dma_start3A_14 = arith.constant 0 : i32
      %dma_start3A_15 = tpu.memref_slice %arg5[%dma_start3A_13, %dma_start3A_14] : memref<10000x128xf32, #tpu.memory_space<hbm>> -> memref<10000x128xf32, #tpu.memory_space<hbm>>
      tpu.enqueue_indirect_dma source(%dma_start3A_15 : memref<10000x128xf32, #tpu.memory_space<hbm>>) target(%arg11 : memref<80x128xf32, #tpu.memory_space<vmem>>) offsets(%arg9 : memref<80xi32, #tpu.memory_space<vmem>>) semaphore(%arg13 : memref<!tpu.dma_semaphore, #tpu.memory_space<semaphore_mem>>)
      %dma_wait3A = arith.constant 0 : i32
      %dma_wait3A_16 = arith.constant 0 : i32
      %dma_wait3A_17 = tpu.memref_slice %arg4[%dma_wait3A, %dma_wait3A_16] : memref<10000x128xf32, #tpu.memory_space<hbm>> -> memref<10000x128xf32, #tpu.memory_space<hbm>>
      tpu.wait_indirect_dma semaphore(%arg12 : memref<!tpu.dma_semaphore, #tpu.memory_space<semaphore_mem>>) src(%dma_wait3A_17 : memref<10000x128xf32, #tpu.memory_space<hbm>>) dst(%arg10 : memref<80x128xf32, #tpu.memory_space<vmem>>)
      %dma_wait3A_18 = arith.constant 0 : i32
      %dma_wait3A_19 = arith.constant 0 : i32
      %dma_wait3A_20 = tpu.memref_slice %arg5[%dma_wait3A_18, %dma_wait3A_19] : memref<10000x128xf32, #tpu.memory_space<hbm>> -> memref<10000x128xf32, #tpu.memory_space<hbm>>
      tpu.wait_indirect_dma semaphore(%arg13 : memref<!tpu.dma_semaphore, #tpu.memory_space<semaphore_mem>>) src(%dma_wait3A_20 : memref<10000x128xf32, #tpu.memory_space<hbm>>) dst(%arg11 : memref<80x128xf32, #tpu.memory_space<vmem>>)
      "tpu.region"() ({
        %run_scoped3A = tpu.sem_alloc : memref<!tpu.dma_semaphore, #tpu.memory_space<semaphore_mem>>
        %dma_start3A_21 = arith.constant 0 : i32
        %dma_start3A_22 = tpu.memref_slice %arg6[%add3A_10, %dma_start3A_21] : memref<320000x128xf32, #tpu.memory_space<hbm>> -> memref<80x128xf32, #tpu.memory_space<hbm>>
        %dma_start3A_23 = arith.constant 0 : i32
        %dma_start3A_24 = tpu.memref_slice %arg6[%add3A_10, %dma_start3A_23] : memref<320000x128xf32, #tpu.memory_space<hbm>> -> memref<80x128xf32, #tpu.memory_space<hbm>>
        tpu.enqueue_dma source(%arg10 : memref<80x128xf32, #tpu.memory_space<vmem>>) target(%dma_start3A_24 : memref<80x128xf32, #tpu.memory_space<hbm>>) target_semaphore(%run_scoped3A : memref<!tpu.dma_semaphore, #tpu.memory_space<semaphore_mem>>)
        %dma_wait3A_25 = arith.constant 0 : i32
        %dma_wait3A_26 = tpu.memref_slice %arg6[%add3A_10, %dma_wait3A_25] : memref<320000x128xf32, #tpu.memory_space<hbm>> -> memref<80x128xf32, #tpu.memory_space<hbm>>
        %dma_wait3A_27 = arith.constant 0 : i32
        %dma_wait3A_28 = tpu.memref_slice %arg6[%add3A_10, %dma_wait3A_27] : memref<320000x128xf32, #tpu.memory_space<hbm>> -> memref<80x128xf32, #tpu.memory_space<hbm>>
        tpu.wait_dma2 semaphore(%run_scoped3A : memref<!tpu.dma_semaphore, #tpu.memory_space<semaphore_mem>>) src(%arg10 : memref<80x128xf32, #tpu.memory_space<vmem>>) dst(%dma_wait3A_28 : memref<80x128xf32, #tpu.memory_space<hbm>>)
        tpu.yield
      }) : () -> ()
      "tpu.region"() ({
        %run_scoped3A = tpu.sem_alloc : memref<!tpu.dma_semaphore, #tpu.memory_space<semaphore_mem>>
        %dma_start3A_21 = arith.constant 0 : i32
        %dma_start3A_22 = tpu.memref_slice %arg7[%add3A_10, %dma_start3A_21] : memref<320000x128xf32, #tpu.memory_space<hbm>> -> memref<80x128xf32, #tpu.memory_space<hbm>>
        %dma_start3A_23 = arith.constant 0 : i32
        %dma_start3A_24 = tpu.memref_slice %arg7[%add3A_10, %dma_start3A_23] : memref<320000x128xf32, #tpu.memory_space<hbm>> -> memref<80x128xf32, #tpu.memory_space<hbm>>
        tpu.enqueue_dma source(%arg11 : memref<80x128xf32, #tpu.memory_space<vmem>>) target(%dma_start3A_24 : memref<80x128xf32, #tpu.memory_space<hbm>>) target_semaphore(%run_scoped3A : memref<!tpu.dma_semaphore, #tpu.memory_space<semaphore_mem>>)
        %dma_wait3A_25 = arith.constant 0 : i32
        %dma_wait3A_26 = tpu.memref_slice %arg7[%add3A_10, %dma_wait3A_25] : memref<320000x128xf32, #tpu.memory_space<hbm>> -> memref<80x128xf32, #tpu.memory_space<hbm>>
        %dma_wait3A_27 = arith.constant 0 : i32
        %dma_wait3A_28 = tpu.memref_slice %arg7[%add3A_10, %dma_wait3A_27] : memref<320000x128xf32, #tpu.memory_space<hbm>> -> memref<80x128xf32, #tpu.memory_space<hbm>>
        tpu.wait_dma2 semaphore(%run_scoped3A : memref<!tpu.dma_semaphore, #tpu.memory_space<semaphore_mem>>) src(%arg11 : memref<80x128xf32, #tpu.memory_space<vmem>>) dst(%dma_wait3A_28 : memref<80x128xf32, #tpu.memory_space<hbm>>)
        tpu.yield
      }) : () -> ()
    }
    %scan3A_6 = arith.constant 125 : i32
    return
  }
}

#map = affine_map<(d0, d1) -> (0)>
#map1 = affine_map<(d0, d1) -> (0, 0)>
module attributes {stable_mosaic.version = 14 : i64} {
  func.func @k(%arg0: i32, %arg1: i32, %arg2: memref<320000xi32, #tpu.memory_space<hbm>>, %arg3: memref<320000xi32, #tpu.memory_space<hbm>>, %arg4: memref<10000x128xf32, #tpu.memory_space<hbm>>, %arg5: memref<10000x128xf32, #tpu.memory_space<hbm>>, %arg6: memref<320000x128xf32, #tpu.memory_space<hbm>>, %arg7: memref<320000x128xf32, #tpu.memory_space<hbm>>, %arg8: memref<80xi32, #tpu.memory_space<vmem>>, %arg9: memref<80xi32, #tpu.memory_space<vmem>>, %arg10: memref<80x128xf32, #tpu.memory_space<vmem>>, %arg11: memref<80x128xf32, #tpu.memory_space<vmem>>, %arg12: memref<!tpu.dma_semaphore, #tpu.memory_space<semaphore_mem>>, %arg13: memref<!tpu.dma_semaphore, #tpu.memory_space<semaphore_mem>>) attributes {dimension_semantics = [#tpu.dimension_semantics<core_parallel>, #tpu.dimension_semantics<subcore_parallel>], iteration_bounds = array<i64: 2, 16>, scalar_prefetch = 0 : i64, scratch_operands = 6 : i64, tpu.core_type = #tpu.core_type<sc_vector_subcore>, window_params = [{transform_indices = #map}, {transform_indices = #map}, {transform_indices = #map1}, {transform_indices = #map1}, {transform_indices = #map1}, {transform_indices = #map1}]} {
    %mul3A = arith.constant 16 : i32
    %mul3A_0 = arith.muli %arg0, %mul3A : i32
    %add3A = arith.addi %mul3A_0, %arg1 : i32
    %mul3A_1 = arith.constant 10000 : i32
    %mul3A_2 = arith.muli %add3A, %mul3A_1 : i32
    %scan3A = arith.constant 0 : i32
    %scan3A_3 = arith.constant 125 : i32
    %scan3A_4 = arith.addi %scan3A, %scan3A_3 : i32
    %scan3A_5 = arith.constant 1 : i32
    scf.for %scan3A_7 = %scan3A to %scan3A_4 step %scan3A_5  : i32 {
      %mul3A_8 = arith.constant 80 : i32
      %mul3A_9 = arith.muli %scan3A_7, %mul3A_8 : i32
      %add3A_10 = arith.addi %mul3A_2, %mul3A_9 : i32
      "tpu.region"() ({
        %run_scoped3A = tpu.sem_alloc : memref<!tpu.dma_semaphore, #tpu.memory_space<semaphore_mem>>
        %dma_start3A_21 = tpu.memref_slice %arg2[%add3A_10] : memref<320000xi32, #tpu.memory_space<hbm>> -> memref<80xi32, #tpu.memory_space<hbm>>
        %dma_start3A_22 = tpu.memref_slice %arg2[%add3A_10] : memref<320000xi32, #tpu.memory_space<hbm>> -> memref<80xi32, #tpu.memory_space<hbm>>
        tpu.enqueue_dma source(%dma_start3A_22 : memref<80xi32, #tpu.memory_space<hbm>>) target(%arg8 : memref<80xi32, #tpu.memory_space<vmem>>) target_semaphore(%run_scoped3A : memref<!tpu.dma_semaphore, #tpu.memory_space<semaphore_mem>>)
        %dma_wait3A_23 = tpu.memref_slice %arg2[%add3A_10] : memref<320000xi32, #tpu.memory_space<hbm>> -> memref<80xi32, #tpu.memory_space<hbm>>
        %dma_wait3A_24 = tpu.memref_slice %arg2[%add3A_10] : memref<320000xi32, #tpu.memory_space<hbm>> -> memref<80xi32, #tpu.memory_space<hbm>>
        tpu.wait_dma2 semaphore(%run_scoped3A : memref<!tpu.dma_semaphore, #tpu.memory_space<semaphore_mem>>) src(%dma_wait3A_24 : memref<80xi32, #tpu.memory_space<hbm>>) dst(%arg8 : memref<80xi32, #tpu.memory_space<vmem>>)
        tpu.yield
      }) : () -> ()
      "tpu.region"() ({
        %run_scoped3A = tpu.sem_alloc : memref<!tpu.dma_semaphore, #tpu.memory_space<semaphore_mem>>
        %dma_start3A_21 = tpu.memref_slice %arg3[%add3A_10] : memref<320000xi32, #tpu.memory_space<hbm>> -> memref<80xi32, #tpu.memory_space<hbm>>
        %dma_start3A_22 = tpu.memref_slice %arg3[%add3A_10] : memref<320000xi32, #tpu.memory_space<hbm>> -> memref<80xi32, #tpu.memory_space<hbm>>
        tpu.enqueue_dma source(%dma_start3A_22 : memref<80xi32, #tpu.memory_space<hbm>>) target(%arg9 : memref<80xi32, #tpu.memory_space<vmem>>) target_semaphore(%run_scoped3A : memref<!tpu.dma_semaphore, #tpu.memory_space<semaphore_mem>>)
        %dma_wait3A_23 = tpu.memref_slice %arg3[%add3A_10] : memref<320000xi32, #tpu.memory_space<hbm>> -> memref<80xi32, #tpu.memory_space<hbm>>
        %dma_wait3A_24 = tpu.memref_slice %arg3[%add3A_10] : memref<320000xi32, #tpu.memory_space<hbm>> -> memref<80xi32, #tpu.memory_space<hbm>>
        tpu.wait_dma2 semaphore(%run_scoped3A : memref<!tpu.dma_semaphore, #tpu.memory_space<semaphore_mem>>) src(%dma_wait3A_24 : memref<80xi32, #tpu.memory_space<hbm>>) dst(%arg9 : memref<80xi32, #tpu.memory_space<vmem>>)
        tpu.yield
      }) : () -> ()
      %dma_start3A = arith.constant 0 : i32
      %dma_start3A_11 = arith.constant 0 : i32
      %dma_start3A_12 = tpu.memref_slice %arg4[%dma_start3A, %dma_start3A_11] : memref<10000x128xf32, #tpu.memory_space<hbm>> -> memref<10000x128xf32, #tpu.memory_space<hbm>>
      tpu.enqueue_indirect_dma source(%dma_start3A_12 : memref<10000x128xf32, #tpu.memory_space<hbm>>) target(%arg10 : memref<80x128xf32, #tpu.memory_space<vmem>>) offsets(%arg8 : memref<80xi32, #tpu.memory_space<vmem>>) semaphore(%arg12 : memref<!tpu.dma_semaphore, #tpu.memory_space<semaphore_mem>>)
      %dma_start3A_13 = arith.constant 0 : i32
      %dma_start3A_14 = arith.constant 0 : i32
      %dma_start3A_15 = tpu.memref_slice %arg5[%dma_start3A_13, %dma_start3A_14] : memref<10000x128xf32, #tpu.memory_space<hbm>> -> memref<10000x128xf32, #tpu.memory_space<hbm>>
      tpu.enqueue_indirect_dma source(%dma_start3A_15 : memref<10000x128xf32, #tpu.memory_space<hbm>>) target(%arg11 : memref<80x128xf32, #tpu.memory_space<vmem>>) offsets(%arg9 : memref<80xi32, #tpu.memory_space<vmem>>) semaphore(%arg13 : memref<!tpu.dma_semaphore, #tpu.memory_space<semaphore_mem>>)
      %dma_wait3A = arith.constant 0 : i32
      %dma_wait3A_16 = arith.constant 0 : i32
      %dma_wait3A_17 = tpu.memref_slice %arg4[%dma_wait3A, %dma_wait3A_16] : memref<10000x128xf32, #tpu.memory_space<hbm>> -> memref<10000x128xf32, #tpu.memory_space<hbm>>
      tpu.wait_indirect_dma semaphore(%arg12 : memref<!tpu.dma_semaphore, #tpu.memory_space<semaphore_mem>>) src(%dma_wait3A_17 : memref<10000x128xf32, #tpu.memory_space<hbm>>) dst(%arg10 : memref<80x128xf32, #tpu.memory_space<vmem>>)
      %dma_wait3A_18 = arith.constant 0 : i32
      %dma_wait3A_19 = arith.constant 0 : i32
      %dma_wait3A_20 = tpu.memref_slice %arg5[%dma_wait3A_18, %dma_wait3A_19] : memref<10000x128xf32, #tpu.memory_space<hbm>> -> memref<10000x128xf32, #tpu.memory_space<hbm>>
      tpu.wait_indirect_dma semaphore(%arg13 : memref<!tpu.dma_semaphore, #tpu.memory_space<semaphore_mem>>) src(%dma_wait3A_20 : memref<10000x128xf32, #tpu.memory_space<hbm>>) dst(%arg11 : memref<80x128xf32, #tpu.memory_space<vmem>>)
      "tpu.region"() ({
        %run_scoped3A = tpu.sem_alloc : memref<!tpu.dma_semaphore, #tpu.memory_space<semaphore_mem>>
        %dma_start3A_21 = arith.constant 0 : i32
        %dma_start3A_22 = tpu.memref_slice %arg6[%add3A_10, %dma_start3A_21] : memref<320000x128xf32, #tpu.memory_space<hbm>> -> memref<80x128xf32, #tpu.memory_space<hbm>>
        %dma_start3A_23 = arith.constant 0 : i32
        %dma_start3A_24 = tpu.memref_slice %arg6[%add3A_10, %dma_start3A_23] : memref<320000x128xf32, #tpu.memory_space<hbm>> -> memref<80x128xf32, #tpu.memory_space<hbm>>
        tpu.enqueue_dma source(%arg10 : memref<80x128xf32, #tpu.memory_space<vmem>>) target(%dma_start3A_24 : memref<80x128xf32, #tpu.memory_space<hbm>>) target_semaphore(%run_scoped3A : memref<!tpu.dma_semaphore, #tpu.memory_space<semaphore_mem>>)
        %dma_wait3A_25 = arith.constant 0 : i32
        %dma_wait3A_26 = tpu.memref_slice %arg6[%add3A_10, %dma_wait3A_25] : memref<320000x128xf32, #tpu.memory_space<hbm>> -> memref<80x128xf32, #tpu.memory_space<hbm>>
        %dma_wait3A_27 = arith.constant 0 : i32
        %dma_wait3A_28 = tpu.memref_slice %arg6[%add3A_10, %dma_wait3A_27] : memref<320000x128xf32, #tpu.memory_space<hbm>> -> memref<80x128xf32, #tpu.memory_space<hbm>>
        tpu.wait_dma2 semaphore(%run_scoped3A : memref<!tpu.dma_semaphore, #tpu.memory_space<semaphore_mem>>) src(%arg10 : memref<80x128xf32, #tpu.memory_space<vmem>>) dst(%dma_wait3A_28 : memref<80x128xf32, #tpu.memory_space<hbm>>)
        tpu.yield
      }) : () -> ()
      "tpu.region"() ({
        %run_scoped3A = tpu.sem_alloc : memref<!tpu.dma_semaphore, #tpu.memory_space<semaphore_mem>>
        %dma_start3A_21 = arith.constant 0 : i32
        %dma_start3A_22 = tpu.memref_slice %arg7[%add3A_10, %dma_start3A_21] : memref<320000x128xf32, #tpu.memory_space<hbm>> -> memref<80x128xf32, #tpu.memory_space<hbm>>
        %dma_start3A_23 = arith.constant 0 : i32
        %dma_start3A_24 = tpu.memref_slice %arg7[%add3A_10, %dma_start3A_23] : memref<320000x128xf32, #tpu.memory_space<hbm>> -> memref<80x128xf32, #tpu.memory_space<hbm>>
        tpu.enqueue_dma source(%arg11 : memref<80x128xf32, #tpu.memory_space<vmem>>) target(%dma_start3A_24 : memref<80x128xf32, #tpu.memory_space<hbm>>) target_semaphore(%run_scoped3A : memref<!tpu.dma_semaphore, #tpu.memory_space<semaphore_mem>>)
        %dma_wait3A_25 = arith.constant 0 : i32
        %dma_wait3A_26 = tpu.memref_slice %arg7[%add3A_10, %dma_wait3A_25] : memref<320000x128xf32, #tpu.memory_space<hbm>> -> memref<80x128xf32, #tpu.memory_space<hbm>>
        %dma_wait3A_27 = arith.constant 0 : i32
        %dma_wait3A_28 = tpu.memref_slice %arg7[%add3A_10, %dma_wait3A_27] : memref<320000x128xf32, #tpu.memory_space<hbm>> -> memref<80x128xf32, #tpu.memory_space<hbm>>
        tpu.wait_dma2 semaphore(%run_scoped3A : memref<!tpu.dma_semaphore, #tpu.memory_space<semaphore_mem>>) src(%arg11 : memref<80x128xf32, #tpu.memory_space<vmem>>) dst(%dma_wait3A_28 : memref<80x128xf32, #tpu.memory_space<hbm>>)
        tpu.yield
      }) : () -> ()
    }
    %scan3A_6 = arith.constant 125 : i32
    return
  }
}

#map = affine_map<(d0, d1) -> (0, 0)>
#map1 = affine_map<(d0, d1) -> (0)>
module attributes {stable_mosaic.version = 14 : i64} {
  func.func @k(%arg0: i32, %arg1: i32, %arg2: memref<320000x128xf32, #tpu.memory_space<hbm>>, %arg3: memref<320000xi32, #tpu.memory_space<hbm>>, %arg4: memref<10240x128xf32, #tpu.memory_space<hbm>>, %arg5: memref<10240x128xf32, #tpu.memory_space<hbm>>, %arg6: memref<10240x128xf32, #tpu.memory_space<hbm>>, %arg7: memref<10240x128xf32, #tpu.memory_space<vmem_shared>>, %arg8: memref<80xi32, #tpu.memory_space<vmem>>, %arg9: memref<80x128xf32, #tpu.memory_space<vmem>>) attributes {dimension_semantics = [#tpu.dimension_semantics<core_parallel>, #tpu.dimension_semantics<subcore_parallel>], iteration_bounds = array<i64: 2, 16>, scalar_prefetch = 0 : i64, scratch_operands = 3 : i64, tpu.core_type = #tpu.core_type<sc_vector_subcore>, window_params = [{transform_indices = #map}, {transform_indices = #map1}, {transform_indices = #map}, {transform_indices = #map}, {transform_indices = #map}]} {
    %mul3A = arith.constant 16 : i32
    %mul3A_0 = arith.muli %arg0, %mul3A : i32
    %add3A = arith.addi %mul3A_0, %arg1 : i32
    %mul3A_1 = arith.constant 10000 : i32
    %mul3A_2 = arith.muli %add3A, %mul3A_1 : i32
    %mul3A_3 = arith.constant 640 : i32
    %mul3A_4 = arith.muli %arg1, %mul3A_3 : i32
    %mul3A_5 = arith.constant 640 : i32
    %mul3A_6 = arith.muli %arg1, %mul3A_5 : i32
    "tpu.region"() ({
      %run_scoped3A = tpu.sem_alloc : memref<!tpu.dma_semaphore, #tpu.memory_space<semaphore_mem>>
      %dma_start3A = arith.constant 0 : i32
      %dma_start3A_19 = tpu.memref_slice %arg7[%mul3A_6, %dma_start3A] : memref<10240x128xf32, #tpu.memory_space<vmem_shared>> -> memref<640x128xf32, #tpu.memory_space<vmem_shared>>
      %dma_start3A_20 = arith.constant 0 : i32
      %dma_start3A_21 = tpu.memref_slice %arg4[%mul3A_4, %dma_start3A_20] : memref<10240x128xf32, #tpu.memory_space<hbm>> -> memref<640x128xf32, #tpu.memory_space<hbm>>
      tpu.enqueue_dma source(%dma_start3A_21 : memref<640x128xf32, #tpu.memory_space<hbm>>) target(%dma_start3A_19 : memref<640x128xf32, #tpu.memory_space<vmem_shared>>) target_semaphore(%run_scoped3A : memref<!tpu.dma_semaphore, #tpu.memory_space<semaphore_mem>>)
      %dma_wait3A = arith.constant 0 : i32
      %dma_wait3A_22 = tpu.memref_slice %arg7[%mul3A_6, %dma_wait3A] : memref<10240x128xf32, #tpu.memory_space<vmem_shared>> -> memref<640x128xf32, #tpu.memory_space<vmem_shared>>
      %dma_wait3A_23 = arith.constant 0 : i32
      %dma_wait3A_24 = tpu.memref_slice %arg4[%mul3A_4, %dma_wait3A_23] : memref<10240x128xf32, #tpu.memory_space<hbm>> -> memref<640x128xf32, #tpu.memory_space<hbm>>
      tpu.wait_dma2 semaphore(%run_scoped3A : memref<!tpu.dma_semaphore, #tpu.memory_space<semaphore_mem>>) src(%dma_wait3A_24 : memref<640x128xf32, #tpu.memory_space<hbm>>) dst(%dma_wait3A_22 : memref<640x128xf32, #tpu.memory_space<vmem_shared>>)
      tpu.yield
    }) : () -> ()
    %barrier3A = arith.constant 0 : index
    tpu.barrier barrier_id(%barrier3A)
    %scan3A = arith.constant 0 : i32
    %scan3A_7 = arith.constant 125 : i32
    %scan3A_8 = arith.addi %scan3A, %scan3A_7 : i32
    %scan3A_9 = arith.constant 1 : i32
    scf.for %scan3A_19 = %scan3A to %scan3A_8 step %scan3A_9  : i32 {
      %mul3A_20 = arith.constant 80 : i32
      %mul3A_21 = arith.muli %scan3A_19, %mul3A_20 : i32
      %add3A_22 = arith.addi %mul3A_2, %mul3A_21 : i32
      "tpu.region"() ({
        %run_scoped3A = tpu.sem_alloc : memref<!tpu.dma_semaphore, #tpu.memory_space<semaphore_mem>>
        %dma_start3A = tpu.memref_slice %arg3[%add3A_22] : memref<320000xi32, #tpu.memory_space<hbm>> -> memref<80xi32, #tpu.memory_space<hbm>>
        %dma_start3A_23 = tpu.memref_slice %arg3[%add3A_22] : memref<320000xi32, #tpu.memory_space<hbm>> -> memref<80xi32, #tpu.memory_space<hbm>>
        tpu.enqueue_dma source(%dma_start3A_23 : memref<80xi32, #tpu.memory_space<hbm>>) target(%arg8 : memref<80xi32, #tpu.memory_space<vmem>>) target_semaphore(%run_scoped3A : memref<!tpu.dma_semaphore, #tpu.memory_space<semaphore_mem>>)
        %dma_wait3A = tpu.memref_slice %arg3[%add3A_22] : memref<320000xi32, #tpu.memory_space<hbm>> -> memref<80xi32, #tpu.memory_space<hbm>>
        %dma_wait3A_24 = tpu.memref_slice %arg3[%add3A_22] : memref<320000xi32, #tpu.memory_space<hbm>> -> memref<80xi32, #tpu.memory_space<hbm>>
        tpu.wait_dma2 semaphore(%run_scoped3A : memref<!tpu.dma_semaphore, #tpu.memory_space<semaphore_mem>>) src(%dma_wait3A_24 : memref<80xi32, #tpu.memory_space<hbm>>) dst(%arg8 : memref<80xi32, #tpu.memory_space<vmem>>)
        tpu.yield
      }) : () -> ()
      "tpu.region"() ({
        %run_scoped3A = tpu.sem_alloc : memref<!tpu.dma_semaphore, #tpu.memory_space<semaphore_mem>>
        %dma_start3A = arith.constant 0 : i32
        %dma_start3A_23 = tpu.memref_slice %arg2[%add3A_22, %dma_start3A] : memref<320000x128xf32, #tpu.memory_space<hbm>> -> memref<80x128xf32, #tpu.memory_space<hbm>>
        %dma_start3A_24 = arith.constant 0 : i32
        %dma_start3A_25 = tpu.memref_slice %arg2[%add3A_22, %dma_start3A_24] : memref<320000x128xf32, #tpu.memory_space<hbm>> -> memref<80x128xf32, #tpu.memory_space<hbm>>
        tpu.enqueue_dma source(%dma_start3A_25 : memref<80x128xf32, #tpu.memory_space<hbm>>) target(%arg9 : memref<80x128xf32, #tpu.memory_space<vmem>>) target_semaphore(%run_scoped3A : memref<!tpu.dma_semaphore, #tpu.memory_space<semaphore_mem>>)
        %dma_wait3A = arith.constant 0 : i32
        %dma_wait3A_26 = tpu.memref_slice %arg2[%add3A_22, %dma_wait3A] : memref<320000x128xf32, #tpu.memory_space<hbm>> -> memref<80x128xf32, #tpu.memory_space<hbm>>
        %dma_wait3A_27 = arith.constant 0 : i32
        %dma_wait3A_28 = tpu.memref_slice %arg2[%add3A_22, %dma_wait3A_27] : memref<320000x128xf32, #tpu.memory_space<hbm>> -> memref<80x128xf32, #tpu.memory_space<hbm>>
        tpu.wait_dma2 semaphore(%run_scoped3A : memref<!tpu.dma_semaphore, #tpu.memory_space<semaphore_mem>>) src(%dma_wait3A_28 : memref<80x128xf32, #tpu.memory_space<hbm>>) dst(%arg9 : memref<80x128xf32, #tpu.memory_space<vmem>>)
        tpu.yield
      }) : () -> ()
      "tpu.region"() ({
        %run_scoped3A = tpu.sem_alloc : memref<!tpu.dma_semaphore, #tpu.memory_space<semaphore_mem>>
        %dma_start3A = arith.constant 0 : i32
        %dma_start3A_23 = arith.constant 0 : i32
        %dma_start3A_24 = tpu.memref_slice %arg7[%dma_start3A, %dma_start3A_23] : memref<10240x128xf32, #tpu.memory_space<vmem_shared>> -> memref<10240x128xf32, #tpu.memory_space<vmem_shared>>
        tpu.enqueue_indirect_dma source(%arg9 : memref<80x128xf32, #tpu.memory_space<vmem>>) target(%dma_start3A_24 : memref<10240x128xf32, #tpu.memory_space<vmem_shared>>) offsets(%arg8 : memref<80xi32, #tpu.memory_space<vmem>>) semaphore(%run_scoped3A : memref<!tpu.dma_semaphore, #tpu.memory_space<semaphore_mem>>) {add = true}
        %dma_wait3A = arith.constant 0 : i32
        %dma_wait3A_25 = arith.constant 0 : i32
        %dma_wait3A_26 = tpu.memref_slice %arg7[%dma_wait3A, %dma_wait3A_25] : memref<10240x128xf32, #tpu.memory_space<vmem_shared>> -> memref<10240x128xf32, #tpu.memory_space<vmem_shared>>
        tpu.wait_indirect_dma semaphore(%run_scoped3A : memref<!tpu.dma_semaphore, #tpu.memory_space<semaphore_mem>>) src(%arg9 : memref<80x128xf32, #tpu.memory_space<vmem>>) dst(%dma_wait3A_26 : memref<10240x128xf32, #tpu.memory_space<vmem_shared>>)
        tpu.yield
      }) : () -> ()
    }
    %scan3A_10 = arith.constant 125 : i32
    %barrier3A_11 = arith.constant 0 : index
    tpu.barrier barrier_id(%barrier3A_11)
    %eq3A = arith.constant 0 : i32
    %eq3A_12 = arith.cmpi eq, %arg0, %eq3A : i32
    %convert_element_type3A = arith.extui %eq3A_12 : i1 to i32
    %cond3A = arith.constant 0 : i32
    %cond3A_13 = arith.cmpi ne, %convert_element_type3A, %cond3A : i32
    scf.if %cond3A_13 {
      %mul3A_19 = arith.constant 640 : i32
      %mul3A_20 = arith.muli %arg1, %mul3A_19 : i32
      %mul3A_21 = arith.constant 640 : i32
      %mul3A_22 = arith.muli %arg1, %mul3A_21 : i32
      "tpu.region"() ({
        %run_scoped3A = tpu.sem_alloc : memref<!tpu.dma_semaphore, #tpu.memory_space<semaphore_mem>>
        %dma_start3A = arith.constant 0 : i32
        %dma_start3A_23 = tpu.memref_slice %arg5[%mul3A_22, %dma_start3A] : memref<10240x128xf32, #tpu.memory_space<hbm>> -> memref<640x128xf32, #tpu.memory_space<hbm>>
        %dma_start3A_24 = arith.constant 0 : i32
        %dma_start3A_25 = tpu.memref_slice %arg7[%mul3A_20, %dma_start3A_24] : memref<10240x128xf32, #tpu.memory_space<vmem_shared>> -> memref<640x128xf32, #tpu.memory_space<vmem_shared>>
        tpu.enqueue_dma source(%dma_start3A_25 : memref<640x128xf32, #tpu.memory_space<vmem_shared>>) target(%dma_start3A_23 : memref<640x128xf32, #tpu.memory_space<hbm>>) target_semaphore(%run_scoped3A : memref<!tpu.dma_semaphore, #tpu.memory_space<semaphore_mem>>)
        %dma_wait3A = arith.constant 0 : i32
        %dma_wait3A_26 = tpu.memref_slice %arg5[%mul3A_22, %dma_wait3A] : memref<10240x128xf32, #tpu.memory_space<hbm>> -> memref<640x128xf32, #tpu.memory_space<hbm>>
        %dma_wait3A_27 = arith.constant 0 : i32
        %dma_wait3A_28 = tpu.memref_slice %arg7[%mul3A_20, %dma_wait3A_27] : memref<10240x128xf32, #tpu.memory_space<vmem_shared>> -> memref<640x128xf32, #tpu.memory_space<vmem_shared>>
        tpu.wait_dma2 semaphore(%run_scoped3A : memref<!tpu.dma_semaphore, #tpu.memory_space<semaphore_mem>>) src(%dma_wait3A_28 : memref<640x128xf32, #tpu.memory_space<vmem_shared>>) dst(%dma_wait3A_26 : memref<640x128xf32, #tpu.memory_space<hbm>>)
        tpu.yield
      }) : () -> ()
    } else {
    }
    %eq3A_14 = arith.constant 1 : i32
    %eq3A_15 = arith.cmpi eq, %arg0, %eq3A_14 : i32
    %convert_element_type3A_16 = arith.extui %eq3A_15 : i1 to i32
    %cond3A_17 = arith.constant 0 : i32
    %cond3A_18 = arith.cmpi ne, %convert_element_type3A_16, %cond3A_17 : i32
    scf.if %cond3A_18 {
      %mul3A_19 = arith.constant 640 : i32
      %mul3A_20 = arith.muli %arg1, %mul3A_19 : i32
      %mul3A_21 = arith.constant 640 : i32
      %mul3A_22 = arith.muli %arg1, %mul3A_21 : i32
      "tpu.region"() ({
        %run_scoped3A = tpu.sem_alloc : memref<!tpu.dma_semaphore, #tpu.memory_space<semaphore_mem>>
        %dma_start3A = arith.constant 0 : i32
        %dma_start3A_23 = tpu.memref_slice %arg6[%mul3A_22, %dma_start3A] : memref<10240x128xf32, #tpu.memory_space<hbm>> -> memref<640x128xf32, #tpu.memory_space<hbm>>
        %dma_start3A_24 = arith.constant 0 : i32
        %dma_start3A_25 = tpu.memref_slice %arg7[%mul3A_20, %dma_start3A_24] : memref<10240x128xf32, #tpu.memory_space<vmem_shared>> -> memref<640x128xf32, #tpu.memory_space<vmem_shared>>
        tpu.enqueue_dma source(%dma_start3A_25 : memref<640x128xf32, #tpu.memory_space<vmem_shared>>) target(%dma_start3A_23 : memref<640x128xf32, #tpu.memory_space<hbm>>) target_semaphore(%run_scoped3A : memref<!tpu.dma_semaphore, #tpu.memory_space<semaphore_mem>>)
        %dma_wait3A = arith.constant 0 : i32
        %dma_wait3A_26 = tpu.memref_slice %arg6[%mul3A_22, %dma_wait3A] : memref<10240x128xf32, #tpu.memory_space<hbm>> -> memref<640x128xf32, #tpu.memory_space<hbm>>
        %dma_wait3A_27 = arith.constant 0 : i32
        %dma_wait3A_28 = tpu.memref_slice %arg7[%mul3A_20, %dma_wait3A_27] : memref<10240x128xf32, #tpu.memory_space<vmem_shared>> -> memref<640x128xf32, #tpu.memory_space<vmem_shared>>
        tpu.wait_dma2 semaphore(%run_scoped3A : memref<!tpu.dma_semaphore, #tpu.memory_space<semaphore_mem>>) src(%dma_wait3A_28 : memref<640x128xf32, #tpu.memory_space<vmem_shared>>) dst(%dma_wait3A_26 : memref<640x128xf32, #tpu.memory_space<hbm>>)
        tpu.yield
      }) : () -> ()
    } else {
    }
    return
  }
}

#map = affine_map<(d0, d1) -> (0, 0)>
#map1 = affine_map<(d0, d1) -> (0)>
module attributes {stable_mosaic.version = 14 : i64} {
  func.func @k(%arg0: i32, %arg1: i32, %arg2: memref<320000x128xf32, #tpu.memory_space<hbm>>, %arg3: memref<320000xi32, #tpu.memory_space<hbm>>, %arg4: memref<10240x128xf32, #tpu.memory_space<hbm>>, %arg5: memref<10240x128xf32, #tpu.memory_space<hbm>>, %arg6: memref<10240x128xf32, #tpu.memory_space<hbm>>, %arg7: memref<10240x128xf32, #tpu.memory_space<vmem_shared>>, %arg8: memref<80xi32, #tpu.memory_space<vmem>>, %arg9: memref<80x128xf32, #tpu.memory_space<vmem>>) attributes {dimension_semantics = [#tpu.dimension_semantics<core_parallel>, #tpu.dimension_semantics<subcore_parallel>], iteration_bounds = array<i64: 2, 16>, scalar_prefetch = 0 : i64, scratch_operands = 3 : i64, tpu.core_type = #tpu.core_type<sc_vector_subcore>, window_params = [{transform_indices = #map}, {transform_indices = #map1}, {transform_indices = #map}, {transform_indices = #map}, {transform_indices = #map}]} {
    %mul3A = arith.constant 16 : i32
    %mul3A_0 = arith.muli %arg0, %mul3A : i32
    %add3A = arith.addi %mul3A_0, %arg1 : i32
    %mul3A_1 = arith.constant 10000 : i32
    %mul3A_2 = arith.muli %add3A, %mul3A_1 : i32
    %mul3A_3 = arith.constant 640 : i32
    %mul3A_4 = arith.muli %arg1, %mul3A_3 : i32
    %mul3A_5 = arith.constant 640 : i32
    %mul3A_6 = arith.muli %arg1, %mul3A_5 : i32
    "tpu.region"() ({
      %run_scoped3A = tpu.sem_alloc : memref<!tpu.dma_semaphore, #tpu.memory_space<semaphore_mem>>
      %dma_start3A = arith.constant 0 : i32
      %dma_start3A_19 = tpu.memref_slice %arg7[%mul3A_6, %dma_start3A] : memref<10240x128xf32, #tpu.memory_space<vmem_shared>> -> memref<640x128xf32, #tpu.memory_space<vmem_shared>>
      %dma_start3A_20 = arith.constant 0 : i32
      %dma_start3A_21 = tpu.memref_slice %arg4[%mul3A_4, %dma_start3A_20] : memref<10240x128xf32, #tpu.memory_space<hbm>> -> memref<640x128xf32, #tpu.memory_space<hbm>>
      tpu.enqueue_dma source(%dma_start3A_21 : memref<640x128xf32, #tpu.memory_space<hbm>>) target(%dma_start3A_19 : memref<640x128xf32, #tpu.memory_space<vmem_shared>>) target_semaphore(%run_scoped3A : memref<!tpu.dma_semaphore, #tpu.memory_space<semaphore_mem>>)
      %dma_wait3A = arith.constant 0 : i32
      %dma_wait3A_22 = tpu.memref_slice %arg7[%mul3A_6, %dma_wait3A] : memref<10240x128xf32, #tpu.memory_space<vmem_shared>> -> memref<640x128xf32, #tpu.memory_space<vmem_shared>>
      %dma_wait3A_23 = arith.constant 0 : i32
      %dma_wait3A_24 = tpu.memref_slice %arg4[%mul3A_4, %dma_wait3A_23] : memref<10240x128xf32, #tpu.memory_space<hbm>> -> memref<640x128xf32, #tpu.memory_space<hbm>>
      tpu.wait_dma2 semaphore(%run_scoped3A : memref<!tpu.dma_semaphore, #tpu.memory_space<semaphore_mem>>) src(%dma_wait3A_24 : memref<640x128xf32, #tpu.memory_space<hbm>>) dst(%dma_wait3A_22 : memref<640x128xf32, #tpu.memory_space<vmem_shared>>)
      tpu.yield
    }) : () -> ()
    %barrier3A = arith.constant 0 : index
    tpu.barrier barrier_id(%barrier3A)
    %scan3A = arith.constant 0 : i32
    %scan3A_7 = arith.constant 125 : i32
    %scan3A_8 = arith.addi %scan3A, %scan3A_7 : i32
    %scan3A_9 = arith.constant 1 : i32
    scf.for %scan3A_19 = %scan3A to %scan3A_8 step %scan3A_9  : i32 {
      %mul3A_20 = arith.constant 80 : i32
      %mul3A_21 = arith.muli %scan3A_19, %mul3A_20 : i32
      %add3A_22 = arith.addi %mul3A_2, %mul3A_21 : i32
      "tpu.region"() ({
        %run_scoped3A = tpu.sem_alloc : memref<!tpu.dma_semaphore, #tpu.memory_space<semaphore_mem>>
        %dma_start3A = tpu.memref_slice %arg3[%add3A_22] : memref<320000xi32, #tpu.memory_space<hbm>> -> memref<80xi32, #tpu.memory_space<hbm>>
        %dma_start3A_23 = tpu.memref_slice %arg3[%add3A_22] : memref<320000xi32, #tpu.memory_space<hbm>> -> memref<80xi32, #tpu.memory_space<hbm>>
        tpu.enqueue_dma source(%dma_start3A_23 : memref<80xi32, #tpu.memory_space<hbm>>) target(%arg8 : memref<80xi32, #tpu.memory_space<vmem>>) target_semaphore(%run_scoped3A : memref<!tpu.dma_semaphore, #tpu.memory_space<semaphore_mem>>)
        %dma_wait3A = tpu.memref_slice %arg3[%add3A_22] : memref<320000xi32, #tpu.memory_space<hbm>> -> memref<80xi32, #tpu.memory_space<hbm>>
        %dma_wait3A_24 = tpu.memref_slice %arg3[%add3A_22] : memref<320000xi32, #tpu.memory_space<hbm>> -> memref<80xi32, #tpu.memory_space<hbm>>
        tpu.wait_dma2 semaphore(%run_scoped3A : memref<!tpu.dma_semaphore, #tpu.memory_space<semaphore_mem>>) src(%dma_wait3A_24 : memref<80xi32, #tpu.memory_space<hbm>>) dst(%arg8 : memref<80xi32, #tpu.memory_space<vmem>>)
        tpu.yield
      }) : () -> ()
      "tpu.region"() ({
        %run_scoped3A = tpu.sem_alloc : memref<!tpu.dma_semaphore, #tpu.memory_space<semaphore_mem>>
        %dma_start3A = arith.constant 0 : i32
        %dma_start3A_23 = tpu.memref_slice %arg2[%add3A_22, %dma_start3A] : memref<320000x128xf32, #tpu.memory_space<hbm>> -> memref<80x128xf32, #tpu.memory_space<hbm>>
        %dma_start3A_24 = arith.constant 0 : i32
        %dma_start3A_25 = tpu.memref_slice %arg2[%add3A_22, %dma_start3A_24] : memref<320000x128xf32, #tpu.memory_space<hbm>> -> memref<80x128xf32, #tpu.memory_space<hbm>>
        tpu.enqueue_dma source(%dma_start3A_25 : memref<80x128xf32, #tpu.memory_space<hbm>>) target(%arg9 : memref<80x128xf32, #tpu.memory_space<vmem>>) target_semaphore(%run_scoped3A : memref<!tpu.dma_semaphore, #tpu.memory_space<semaphore_mem>>)
        %dma_wait3A = arith.constant 0 : i32
        %dma_wait3A_26 = tpu.memref_slice %arg2[%add3A_22, %dma_wait3A] : memref<320000x128xf32, #tpu.memory_space<hbm>> -> memref<80x128xf32, #tpu.memory_space<hbm>>
        %dma_wait3A_27 = arith.constant 0 : i32
        %dma_wait3A_28 = tpu.memref_slice %arg2[%add3A_22, %dma_wait3A_27] : memref<320000x128xf32, #tpu.memory_space<hbm>> -> memref<80x128xf32, #tpu.memory_space<hbm>>
        tpu.wait_dma2 semaphore(%run_scoped3A : memref<!tpu.dma_semaphore, #tpu.memory_space<semaphore_mem>>) src(%dma_wait3A_28 : memref<80x128xf32, #tpu.memory_space<hbm>>) dst(%arg9 : memref<80x128xf32, #tpu.memory_space<vmem>>)
        tpu.yield
      }) : () -> ()
      "tpu.region"() ({
        %run_scoped3A = tpu.sem_alloc : memref<!tpu.dma_semaphore, #tpu.memory_space<semaphore_mem>>
        %dma_start3A = arith.constant 0 : i32
        %dma_start3A_23 = arith.constant 0 : i32
        %dma_start3A_24 = tpu.memref_slice %arg7[%dma_start3A, %dma_start3A_23] : memref<10240x128xf32, #tpu.memory_space<vmem_shared>> -> memref<10240x128xf32, #tpu.memory_space<vmem_shared>>
        tpu.enqueue_indirect_dma source(%arg9 : memref<80x128xf32, #tpu.memory_space<vmem>>) target(%dma_start3A_24 : memref<10240x128xf32, #tpu.memory_space<vmem_shared>>) offsets(%arg8 : memref<80xi32, #tpu.memory_space<vmem>>) semaphore(%run_scoped3A : memref<!tpu.dma_semaphore, #tpu.memory_space<semaphore_mem>>) {add = true}
        %dma_wait3A = arith.constant 0 : i32
        %dma_wait3A_25 = arith.constant 0 : i32
        %dma_wait3A_26 = tpu.memref_slice %arg7[%dma_wait3A, %dma_wait3A_25] : memref<10240x128xf32, #tpu.memory_space<vmem_shared>> -> memref<10240x128xf32, #tpu.memory_space<vmem_shared>>
        tpu.wait_indirect_dma semaphore(%run_scoped3A : memref<!tpu.dma_semaphore, #tpu.memory_space<semaphore_mem>>) src(%arg9 : memref<80x128xf32, #tpu.memory_space<vmem>>) dst(%dma_wait3A_26 : memref<10240x128xf32, #tpu.memory_space<vmem_shared>>)
        tpu.yield
      }) : () -> ()
    }
    %scan3A_10 = arith.constant 125 : i32
    %barrier3A_11 = arith.constant 0 : index
    tpu.barrier barrier_id(%barrier3A_11)
    %eq3A = arith.constant 0 : i32
    %eq3A_12 = arith.cmpi eq, %arg0, %eq3A : i32
    %convert_element_type3A = arith.extui %eq3A_12 : i1 to i32
    %cond3A = arith.constant 0 : i32
    %cond3A_13 = arith.cmpi ne, %convert_element_type3A, %cond3A : i32
    scf.if %cond3A_13 {
      %mul3A_19 = arith.constant 640 : i32
      %mul3A_20 = arith.muli %arg1, %mul3A_19 : i32
      %mul3A_21 = arith.constant 640 : i32
      %mul3A_22 = arith.muli %arg1, %mul3A_21 : i32
      "tpu.region"() ({
        %run_scoped3A = tpu.sem_alloc : memref<!tpu.dma_semaphore, #tpu.memory_space<semaphore_mem>>
        %dma_start3A = arith.constant 0 : i32
        %dma_start3A_23 = tpu.memref_slice %arg5[%mul3A_22, %dma_start3A] : memref<10240x128xf32, #tpu.memory_space<hbm>> -> memref<640x128xf32, #tpu.memory_space<hbm>>
        %dma_start3A_24 = arith.constant 0 : i32
        %dma_start3A_25 = tpu.memref_slice %arg7[%mul3A_20, %dma_start3A_24] : memref<10240x128xf32, #tpu.memory_space<vmem_shared>> -> memref<640x128xf32, #tpu.memory_space<vmem_shared>>
        tpu.enqueue_dma source(%dma_start3A_25 : memref<640x128xf32, #tpu.memory_space<vmem_shared>>) target(%dma_start3A_23 : memref<640x128xf32, #tpu.memory_space<hbm>>) target_semaphore(%run_scoped3A : memref<!tpu.dma_semaphore, #tpu.memory_space<semaphore_mem>>)
        %dma_wait3A = arith.constant 0 : i32
        %dma_wait3A_26 = tpu.memref_slice %arg5[%mul3A_22, %dma_wait3A] : memref<10240x128xf32, #tpu.memory_space<hbm>> -> memref<640x128xf32, #tpu.memory_space<hbm>>
        %dma_wait3A_27 = arith.constant 0 : i32
        %dma_wait3A_28 = tpu.memref_slice %arg7[%mul3A_20, %dma_wait3A_27] : memref<10240x128xf32, #tpu.memory_space<vmem_shared>> -> memref<640x128xf32, #tpu.memory_space<vmem_shared>>
        tpu.wait_dma2 semaphore(%run_scoped3A : memref<!tpu.dma_semaphore, #tpu.memory_space<semaphore_mem>>) src(%dma_wait3A_28 : memref<640x128xf32, #tpu.memory_space<vmem_shared>>) dst(%dma_wait3A_26 : memref<640x128xf32, #tpu.memory_space<hbm>>)
        tpu.yield
      }) : () -> ()
    } else {
    }
    %eq3A_14 = arith.constant 1 : i32
    %eq3A_15 = arith.cmpi eq, %arg0, %eq3A_14 : i32
    %convert_element_type3A_16 = arith.extui %eq3A_15 : i1 to i32
    %cond3A_17 = arith.constant 0 : i32
    %cond3A_18 = arith.cmpi ne, %convert_element_type3A_16, %cond3A_17 : i32
    scf.if %cond3A_18 {
      %mul3A_19 = arith.constant 640 : i32
      %mul3A_20 = arith.muli %arg1, %mul3A_19 : i32
      %mul3A_21 = arith.constant 640 : i32
      %mul3A_22 = arith.muli %arg1, %mul3A_21 : i32
      "tpu.region"() ({
        %run_scoped3A = tpu.sem_alloc : memref<!tpu.dma_semaphore, #tpu.memory_space<semaphore_mem>>
        %dma_start3A = arith.constant 0 : i32
        %dma_start3A_23 = tpu.memref_slice %arg6[%mul3A_22, %dma_start3A] : memref<10240x128xf32, #tpu.memory_space<hbm>> -> memref<640x128xf32, #tpu.memory_space<hbm>>
        %dma_start3A_24 = arith.constant 0 : i32
        %dma_start3A_25 = tpu.memref_slice %arg7[%mul3A_20, %dma_start3A_24] : memref<10240x128xf32, #tpu.memory_space<vmem_shared>> -> memref<640x128xf32, #tpu.memory_space<vmem_shared>>
        tpu.enqueue_dma source(%dma_start3A_25 : memref<640x128xf32, #tpu.memory_space<vmem_shared>>) target(%dma_start3A_23 : memref<640x128xf32, #tpu.memory_space<hbm>>) target_semaphore(%run_scoped3A : memref<!tpu.dma_semaphore, #tpu.memory_space<semaphore_mem>>)
        %dma_wait3A = arith.constant 0 : i32
        %dma_wait3A_26 = tpu.memref_slice %arg6[%mul3A_22, %dma_wait3A] : memref<10240x128xf32, #tpu.memory_space<hbm>> -> memref<640x128xf32, #tpu.memory_space<hbm>>
        %dma_wait3A_27 = arith.constant 0 : i32
        %dma_wait3A_28 = tpu.memref_slice %arg7[%mul3A_20, %dma_wait3A_27] : memref<10240x128xf32, #tpu.memory_space<vmem_shared>> -> memref<640x128xf32, #tpu.memory_space<vmem_shared>>
        tpu.wait_dma2 semaphore(%run_scoped3A : memref<!tpu.dma_semaphore, #tpu.memory_space<semaphore_mem>>) src(%dma_wait3A_28 : memref<640x128xf32, #tpu.memory_space<vmem_shared>>) dst(%dma_wait3A_26 : memref<640x128xf32, #tpu.memory_space<hbm>>)
        tpu.yield
      }) : () -> ()
    } else {
    }
    return
  }
}

module attributes {stable_mosaic.version = 14 : i64} {
  func.func @body(%arg0: i32, %arg1: memref<1000x1xi32, #tpu.memory_space<vmem>>, %arg2: memref<1000x1xi32, #tpu.memory_space<vmem>>, %arg3: memref<100x128xf32, #tpu.memory_space<vmem>>, %arg4: memref<1000x128xf32, #tpu.memory_space<vmem>>, %arg5: memref<512x1xf32, #tpu.memory_space<vmem>>) attributes {dimension_semantics = [#tpu.dimension_semantics<arbitrary>], iteration_bounds = array<i64: 10>, scalar_prefetch = 0 : i64, scratch_operands = 0 : i64, tpu.core_type = #tpu.core_type<tc>, window_params = [{transform_indices = @transform_0, window_bounds = array<i64: 1000, 1>}, {transform_indices = @transform_1, window_bounds = array<i64: 1000, 1>}, {pipeline_mode = #tpu.pipeline_mode<synchronous>, transform_indices = @transform_2, window_bounds = array<i64: 100, 128>}, {transform_indices = @transform_3, window_bounds = array<i64: 1000, 128>}, {pipeline_mode = #tpu.pipeline_mode<synchronous>, transform_indices = @transform_4, window_bounds = array<i64: 512, 1>}]} {
    %get3A = arith.constant 0 : index
    %get3A_0 = arith.constant 0 : index
    %get3A_1 = vector.load %arg1[%get3A, %get3A_0] : memref<1000x1xi32, #tpu.memory_space<vmem>>, vector<1000x1xi32>
    %iota3A = tpu.iota {dimensions = array<i32: 1>} : vector<1000x100xi32>
    %eq3A = vector.broadcast %get3A_1 : vector<1000x1xi32> to vector<1000x100xi32>
    %eq3A_2 = arith.cmpi eq, %eq3A, %iota3A : vector<1000x100xi32>
    %convert_element_type3A = arith.extui %eq3A_2 : vector<1000x100xi1> to vector<1000x100xi32>
    %convert_element_type3A_3 = arith.sitofp %convert_element_type3A : vector<1000x100xi32> to vector<1000x100xf32>
    %get3A_4 = arith.constant 0 : index
    %get3A_5 = arith.constant 0 : index
    %get3A_6 = vector.load %arg3[%get3A_4, %get3A_5] : memref<100x128xf32, #tpu.memory_space<vmem>>, vector<100x128xf32>
    %dot_general3A = arith.constant dense<0.000000e+00> : vector<1000x128xf32>
    %dot_general3A_7 = tpu.matmul %convert_element_type3A_3, %get3A_6, %dot_general3A {dimension_numbers = #tpu.dot_dimension_numbers<[1], [0], [0], [1], [0, 0, 1, 1], [], []>, transpose_lhs_hint = false} : vector<1000x100xf32>, vector<100x128xf32>, vector<1000x128xf32> -> vector<1000x128xf32>
    %swap3A = arith.constant 0 : index
    %swap3A_8 = arith.constant 0 : index
    %swap3A_9 = vector.load %arg4[%swap3A, %swap3A_8] : memref<1000x128xf32, #tpu.memory_space<vmem>>, vector<1000x128xf32>
    tpu.vector_store %arg4[%swap3A, %swap3A_8], %dot_general3A_7 {strides = array<i32>} : memref<1000x128xf32, #tpu.memory_space<vmem>>, vector<1000x128xf32>,
    %get3A_10 = arith.constant 0 : index
    %get3A_11 = arith.constant 0 : index
    %get3A_12 = vector.load %arg2[%get3A_10, %get3A_11] : memref<1000x1xi32, #tpu.memory_space<vmem>>, vector<1000x1xi32>
    %iota3A_13 = tpu.iota {dimensions = array<i32: 1>} : vector<1000x512xi32>
    %eq3A_14 = vector.broadcast %get3A_12 : vector<1000x1xi32> to vector<1000x512xi32>
    %eq3A_15 = arith.cmpi eq, %eq3A_14, %iota3A_13 : vector<1000x512xi32>
    %convert_element_type3A_16 = arith.extui %eq3A_15 : vector<1000x512xi1> to vector<1000x512xi32>
    %convert_element_type3A_17 = arith.sitofp %convert_element_type3A_16 : vector<1000x512xi32> to vector<1000x512xf32>
    %broadcast_in_dim3A = arith.constant 1.000000e+00 : f32
    %broadcast_in_dim3A_18 = vector.broadcast %broadcast_in_dim3A : f32 to vector<1000x1xf32>
    %dot_general3A_19 = arith.constant dense<0.000000e+00> : vector<512x1xf32>
    %dot_general3A_20 = tpu.matmul %convert_element_type3A_17, %broadcast_in_dim3A_18, %dot_general3A_19 {dimension_numbers = #tpu.dot_dimension_numbers<[0], [0], [1], [1], [0, 1, 1, 1], [], []>, transpose_lhs_hint = false} : vector<1000x512xf32>, vector<1000x1xf32>, vector<512x1xf32> -> vector<512x1xf32>
    %eq3A_21 = arith.constant 0 : i32
    %eq3A_22 = arith.cmpi eq, %arg0, %eq3A_21 : i32
    %convert_element_type3A_23 = arith.extui %eq3A_22 : i1 to i32
    %cond3A = arith.constant 0 : i32
    %cond3A_24 = arith.cmpi ne, %convert_element_type3A_23, %cond3A : i32
    scf.if %cond3A_24 {
      %broadcast_in_dim3A_31 = arith.constant 0.000000e+00 : f32
      %broadcast_in_dim3A_32 = vector.broadcast %broadcast_in_dim3A_31 : f32 to vector<512x1xf32>
      %swap3A_33 = arith.constant 0 : index
      %swap3A_34 = arith.constant 0 : index
      %swap3A_35 = vector.load %arg5[%swap3A_33, %swap3A_34] : memref<512x1xf32, #tpu.memory_space<vmem>>, vector<512x1xf32>
      tpu.vector_store %arg5[%swap3A_33, %swap3A_34], %broadcast_in_dim3A_32 {strides = array<i32>} : memref<512x1xf32, #tpu.memory_space<vmem>>, vector<512x1xf32>,
    } else {
    }
    %get3A_25 = arith.constant 0 : index
    %get3A_26 = arith.constant 0 : index
    %get3A_27 = vector.load %arg5[%get3A_25, %get3A_26] : memref<512x1xf32, #tpu.memory_space<vmem>>, vector<512x1xf32>
    %add3A = arith.addf %get3A_27, %dot_general3A_20 : vector<512x1xf32>
    %swap3A_28 = arith.constant 0 : index
    %swap3A_29 = arith.constant 0 : index
    %swap3A_30 = vector.load %arg5[%swap3A_28, %swap3A_29] : memref<512x1xf32, #tpu.memory_space<vmem>>, vector<512x1xf32>
    tpu.vector_store %arg5[%swap3A_28, %swap3A_29], %add3A {strides = array<i32>} : memref<512x1xf32, #tpu.memory_space<vmem>>, vector<512x1xf32>,
    return
  }
  func.func @transform_0(%arg0: i32) -> (i32, i32) {
    %c0_i32 = arith.constant 0 : i32
    %c0_i32_0 = arith.constant 0 : i32
    return %arg0, %c0_i32 : i32, i32
  }
  func.func @transform_1(%arg0: i32) -> (i32, i32) {
    %c0_i32 = arith.constant 0 : i32
    %c0_i32_0 = arith.constant 0 : i32
    return %arg0, %c0_i32 : i32, i32
  }
  func.func @transform_2(%arg0: i32) -> (i32, i32) {
    %c0_i32 = arith.constant 0 : i32
    %c0_i32_0 = arith.constant 0 : i32
    %c0_i32_1 = arith.constant 0 : i32
    return %c0_i32, %c0_i32_0 : i32, i32
  }
  func.func @transform_3(%arg0: i32) -> (i32, i32) {
    %c0_i32 = arith.constant 0 : i32
    %c0_i32_0 = arith.constant 0 : i32
    return %arg0, %c0_i32 : i32, i32
  }
  func.func @transform_4(%arg0: i32) -> (i32, i32) {
    %c0_i32 = arith.constant 0 : i32
    %c0_i32_0 = arith.constant 0 : i32
    %c0_i32_1 = arith.constant 0 : i32
    return %c0_i32, %c0_i32_0 : i32, i32
  }
}

module attributes {stable_mosaic.version = 14 : i64} {
  func.func @body(%arg0: i32, %arg1: memref<1000x128xf32, #tpu.memory_space<vmem>>, %arg2: memref<128x128xf32, #tpu.memory_space<vmem>>, %arg3: memref<1x128xf32, #tpu.memory_space<vmem>>, %arg4: memref<1000x128xf32, #tpu.memory_space<vmem>>) attributes {dimension_semantics = [#tpu.dimension_semantics<arbitrary>], iteration_bounds = array<i64: 10>, scalar_prefetch = 0 : i64, scratch_operands = 0 : i64, tpu.core_type = #tpu.core_type<tc>, window_params = [{transform_indices = @transform_0, window_bounds = array<i64: 1000, 128>}, {pipeline_mode = #tpu.pipeline_mode<synchronous>, transform_indices = @transform_1, window_bounds = array<i64: 128, 128>}, {pipeline_mode = #tpu.pipeline_mode<synchronous>, transform_indices = @transform_2, window_bounds = array<i64: 1, 128>}, {transform_indices = @transform_3, window_bounds = array<i64: 1000, 128>}]} {
    %get3A = arith.constant 0 : index
    %get3A_0 = arith.constant 0 : index
    %get3A_1 = vector.load %arg1[%get3A, %get3A_0] : memref<1000x128xf32, #tpu.memory_space<vmem>>, vector<1000x128xf32>
    %get3A_2 = arith.constant 0 : index
    %get3A_3 = arith.constant 0 : index
    %get3A_4 = vector.load %arg2[%get3A_2, %get3A_3] : memref<128x128xf32, #tpu.memory_space<vmem>>, vector<128x128xf32>
    %dot_general3A = arith.constant dense<0.000000e+00> : vector<1000x128xf32>
    %dot_general3A_5 = tpu.matmul %get3A_1, %get3A_4, %dot_general3A {dimension_numbers = #tpu.dot_dimension_numbers<[1], [0], [0], [1], [0, 0, 1, 1], [], []>, transpose_lhs_hint = false} : vector<1000x128xf32>, vector<128x128xf32>, vector<1000x128xf32> -> vector<1000x128xf32>
    %get3A_6 = arith.constant 0 : index
    %get3A_7 = arith.constant 0 : index
    %get3A_8 = vector.load %arg3[%get3A_6, %get3A_7] : memref<1x128xf32, #tpu.memory_space<vmem>>, vector<1x128xf32>
    %add3A = vector.broadcast %get3A_8 : vector<1x128xf32> to vector<1000x128xf32>
    %add3A_9 = arith.addf %dot_general3A_5, %add3A : vector<1000x128xf32>
    %swap3A = arith.constant 0 : index
    %swap3A_10 = arith.constant 0 : index
    %swap3A_11 = vector.load %arg4[%swap3A, %swap3A_10] : memref<1000x128xf32, #tpu.memory_space<vmem>>, vector<1000x128xf32>
    tpu.vector_store %arg4[%swap3A, %swap3A_10], %add3A_9 {strides = array<i32>} : memref<1000x128xf32, #tpu.memory_space<vmem>>, vector<1000x128xf32>,
    return
  }
  func.func @transform_0(%arg0: i32) -> (i32, i32) {
    %c0_i32 = arith.constant 0 : i32
    %c0_i32_0 = arith.constant 0 : i32
    return %arg0, %c0_i32 : i32, i32
  }
  func.func @transform_1(%arg0: i32) -> (i32, i32) {
    %c0_i32 = arith.constant 0 : i32
    %c0_i32_0 = arith.constant 0 : i32
    %c0_i32_1 = arith.constant 0 : i32
    return %c0_i32, %c0_i32_0 : i32, i32
  }
  func.func @transform_2(%arg0: i32) -> (i32, i32) {
    %c0_i32 = arith.constant 0 : i32
    %c0_i32_0 = arith.constant 0 : i32
    %c0_i32_1 = arith.constant 0 : i32
    return %c0_i32, %c0_i32_0 : i32, i32
  }
  func.func @transform_3(%arg0: i32) -> (i32, i32) {
    %c0_i32 = arith.constant 0 : i32
    %c0_i32_0 = arith.constant 0 : i32
    return %arg0, %c0_i32 : i32, i32
  }
}

module attributes {stable_mosaic.version = 14 : i64} {
  func.func @body(%arg0: i32, %arg1: memref<100x128xf32, #tpu.memory_space<vmem>>, %arg2: memref<128x128xf32, #tpu.memory_space<vmem>>, %arg3: memref<1x128xf32, #tpu.memory_space<vmem>>, %arg4: memref<128x128xf32, #tpu.memory_space<vmem>>, %arg5: memref<1x128xf32, #tpu.memory_space<vmem>>, %arg6: memref<100x128xf32, #tpu.memory_space<vmem>>, %arg7: memref<128x128xf32, #tpu.memory_space<vmem>>, %arg8: memref<1x128xf32, #tpu.memory_space<vmem>>, %arg9: memref<128x128xf32, #tpu.memory_space<vmem>>, %arg10: memref<1x128xf32, #tpu.memory_space<vmem>>, %arg11: memref<1000x128xf32, #tpu.memory_space<vmem>>, %arg12: memref<1000x128xf32, #tpu.memory_space<vmem>>) attributes {dimension_semantics = [#tpu.dimension_semantics<arbitrary>], iteration_bounds = array<i64: 10>, scalar_prefetch = 0 : i64, scratch_operands = 0 : i64, tpu.core_type = #tpu.core_type<tc>, window_params = [{pipeline_mode = #tpu.pipeline_mode<synchronous>, transform_indices = @transform_0, window_bounds = array<i64: 100, 128>}, {pipeline_mode = #tpu.pipeline_mode<synchronous>, transform_indices = @transform_1, window_bounds = array<i64: 128, 128>}, {pipeline_mode = #tpu.pipeline_mode<synchronous>, transform_indices = @transform_2, window_bounds = array<i64: 1, 128>}, {pipeline_mode = #tpu.pipeline_mode<synchronous>, transform_indices = @transform_3, window_bounds = array<i64: 128, 128>}, {pipeline_mode = #tpu.pipeline_mode<synchronous>, transform_indices = @transform_4, window_bounds = array<i64: 1, 128>}, {pipeline_mode = #tpu.pipeline_mode<synchronous>, transform_indices = @transform_5, window_bounds = array<i64: 100, 128>}, {pipeline_mode = #tpu.pipeline_mode<synchronous>, transform_indices = @transform_6, window_bounds = array<i64: 128, 128>}, {pipeline_mode = #tpu.pipeline_mode<synchronous>, transform_indices = @transform_7, window_bounds = array<i64: 1, 128>}, {pipeline_mode = #tpu.pipeline_mode<synchronous>, transform_indices = @transform_8, window_bounds = array<i64: 128, 128>}, {pipeline_mode = #tpu.pipeline_mode<synchronous>, transform_indices = @transform_9, window_bounds = array<i64: 1, 128>}, {transform_indices = @transform_10, window_bounds = array<i64: 1000, 128>}, {transform_indices = @transform_11, window_bounds = array<i64: 1000, 128>}]} {
    %iota3A = tpu.iota {dimensions = array<i32: 0>} : vector<1000x1xi32>
    %mul3A = arith.constant 10 : i32
    %mul3A_0 = arith.muli %arg0, %mul3A : i32
    %jit3A = arith.constant 100 : i32
    %div3A = vector.broadcast %jit3A : i32 to vector<1000x1xi32>
    %div3A_1 = arith.divsi %iota3A, %div3A : vector<1000x1xi32>
    %sign3A = arith.constant 0 : i32
    %sign3A_2 = vector.broadcast %sign3A : i32 to vector<1000x1xi32>
    %sign3A_3 = arith.cmpi sgt, %iota3A, %sign3A_2 : vector<1000x1xi32>
    %sign3A_4 = arith.extui %sign3A_3 : vector<1000x1xi1> to vector<1000x1xi32>
    %sign3A_5 = arith.constant 0 : i32
    %sign3A_6 = vector.broadcast %sign3A_5 : i32 to vector<1000x1xi32>
    %sign3A_7 = arith.cmpi slt, %iota3A, %sign3A_6 : vector<1000x1xi32>
    %sign3A_8 = arith.extui %sign3A_7 : vector<1000x1xi1> to vector<1000x1xi32>
    %sign3A_9 = arith.subi %sign3A_4, %sign3A_8 : vector<1000x1xi32>
    %sign3A_10 = arith.constant 0 : i32
    %sign3A_11 = arith.cmpi sgt, %jit3A, %sign3A_10 : i32
    %sign3A_12 = arith.extui %sign3A_11 : i1 to i32
    %sign3A_13 = arith.constant 0 : i32
    %sign3A_14 = arith.cmpi slt, %jit3A, %sign3A_13 : i32
    %sign3A_15 = arith.extui %sign3A_14 : i1 to i32
    %sign3A_16 = arith.subi %sign3A_12, %sign3A_15 : i32
    %ne3A = vector.broadcast %sign3A_16 : i32 to vector<1000x1xi32>
    %ne3A_17 = arith.cmpi ne, %sign3A_9, %ne3A : vector<1000x1xi32>
    %rem3A = vector.broadcast %jit3A : i32 to vector<1000x1xi32>
    %rem3A_18 = arith.remsi %iota3A, %rem3A : vector<1000x1xi32>
    %ne3A_19 = arith.constant 0 : i32
    %ne3A_20 = vector.broadcast %ne3A_19 : i32 to vector<1000x1xi32>
    %ne3A_21 = arith.cmpi ne, %rem3A_18, %ne3A_20 : vector<1000x1xi32>
    %and3A = arith.andi %ne3A_17, %ne3A_21 : vector<1000x1xi1>
    %sub3A = arith.constant 1 : i32
    %sub3A_22 = vector.broadcast %sub3A : i32 to vector<1000x1xi32>
    %sub3A_23 = arith.subi %div3A_1, %sub3A_22 : vector<1000x1xi32>
    %select_n3A = arith.select %and3A, %sub3A_23, %div3A_1 : vector<1000x1xi1>, vector<1000x1xi32>
    %add3A = vector.broadcast %mul3A_0 : i32 to vector<1000x1xi32>
    %add3A_24 = arith.addi %add3A, %select_n3A : vector<1000x1xi32>
    %jit3A_25 = arith.constant 100 : i32
    %eq3A = arith.constant 0 : i32
    %eq3A_26 = arith.cmpi eq, %jit3A_25, %eq3A : i32
    %jit3A_27 = arith.constant 1 : i32
    %select_n3A_28 = arith.select %eq3A_26, %jit3A_27, %jit3A_25 : i32
    %rem3A_29 = vector.broadcast %select_n3A_28 : i32 to vector<1000x1xi32>
    %rem3A_30 = arith.remsi %iota3A, %rem3A_29 : vector<1000x1xi32>
    %ne3A_31 = arith.constant 0 : i32
    %ne3A_32 = vector.broadcast %ne3A_31 : i32 to vector<1000x1xi32>
    %ne3A_33 = arith.cmpi ne, %rem3A_30, %ne3A_32 : vector<1000x1xi32>
    %lt3A = arith.constant 0 : i32
    %lt3A_34 = vector.broadcast %lt3A : i32 to vector<1000x1xi32>
    %lt3A_35 = arith.cmpi slt, %rem3A_30, %lt3A_34 : vector<1000x1xi32>
    %lt3A_36 = arith.constant 0 : i32
    %lt3A_37 = arith.cmpi slt, %select_n3A_28, %lt3A_36 : i32
    %ne3A_38 = vector.broadcast %lt3A_37 : i1 to vector<1000x1xi1>
    %ne3A_39 = vector.broadcast %ne3A_38 : vector<1000x1xi1> to vector<1000x1xi1>
    %ne3A_40 = arith.xori %lt3A_35, %ne3A_39 : vector<1000x1xi1>
    %and3A_41 = arith.andi %ne3A_40, %ne3A_33 : vector<1000x1xi1>
    %add3A_42 = vector.broadcast %select_n3A_28 : i32 to vector<1000x1xi32>
    %add3A_43 = arith.addi %rem3A_30, %add3A_42 : vector<1000x1xi32>
    %select_n3A_44 = arith.select %and3A_41, %add3A_43, %rem3A_30 : vector<1000x1xi1>, vector<1000x1xi32>
    %iota3A_45 = tpu.iota {dimensions = array<i32: 1>} : vector<1000x100xi32>
    %eq3A_46 = vector.broadcast %add3A_24 : vector<1000x1xi32> to vector<1000x100xi32>
    %eq3A_47 = arith.cmpi eq, %eq3A_46, %iota3A_45 : vector<1000x100xi32>
    %convert_element_type3A = arith.extui %eq3A_47 : vector<1000x100xi1> to vector<1000x100xi32>
    %convert_element_type3A_48 = arith.sitofp %convert_element_type3A : vector<1000x100xi32> to vector<1000x100xf32>
    %eq3A_49 = vector.broadcast %select_n3A_44 : vector<1000x1xi32> to vector<1000x100xi32>
    %eq3A_50 = arith.cmpi eq, %eq3A_49, %iota3A_45 : vector<1000x100xi32>
    %convert_element_type3A_51 = arith.extui %eq3A_50 : vector<1000x100xi1> to vector<1000x100xi32>
    %convert_element_type3A_52 = arith.sitofp %convert_element_type3A_51 : vector<1000x100xi32> to vector<1000x100xf32>
    %get3A = arith.constant 0 : index
    %get3A_53 = arith.constant 0 : index
    %get3A_54 = vector.load %arg1[%get3A, %get3A_53] : memref<100x128xf32, #tpu.memory_space<vmem>>, vector<100x128xf32>
    %dot_general3A = arith.constant dense<0.000000e+00> : vector<1000x128xf32>
    %dot_general3A_55 = tpu.matmul %convert_element_type3A_48, %get3A_54, %dot_general3A {dimension_numbers = #tpu.dot_dimension_numbers<[1], [0], [0], [1], [0, 0, 1, 1], [], []>, transpose_lhs_hint = false} : vector<1000x100xf32>, vector<100x128xf32>, vector<1000x128xf32> -> vector<1000x128xf32>
    %get3A_56 = arith.constant 0 : index
    %get3A_57 = arith.constant 0 : index
    %get3A_58 = vector.load %arg1[%get3A_56, %get3A_57] : memref<100x128xf32, #tpu.memory_space<vmem>>, vector<100x128xf32>
    %dot_general3A_59 = arith.constant dense<0.000000e+00> : vector<1000x128xf32>
    %dot_general3A_60 = tpu.matmul %convert_element_type3A_52, %get3A_58, %dot_general3A_59 {dimension_numbers = #tpu.dot_dimension_numbers<[1], [0], [0], [1], [0, 0, 1, 1], [], []>, transpose_lhs_hint = false} : vector<1000x100xf32>, vector<100x128xf32>, vector<1000x128xf32> -> vector<1000x128xf32>
    %mul3A_61 = arith.mulf %dot_general3A_55, %dot_general3A_60 : vector<1000x128xf32>
    %get3A_62 = arith.constant 0 : index
    %get3A_63 = arith.constant 0 : index
    %get3A_64 = vector.load %arg2[%get3A_62, %get3A_63] : memref<128x128xf32, #tpu.memory_space<vmem>>, vector<128x128xf32>
    %dot_general3A_65 = arith.constant dense<0.000000e+00> : vector<1000x128xf32>
    %dot_general3A_66 = tpu.matmul %mul3A_61, %get3A_64, %dot_general3A_65 {dimension_numbers = #tpu.dot_dimension_numbers<[1], [0], [0], [1], [0, 0, 1, 1], [], []>, transpose_lhs_hint = false} : vector<1000x128xf32>, vector<128x128xf32>, vector<1000x128xf32> -> vector<1000x128xf32>
    %get3A_67 = arith.constant 0 : index
    %get3A_68 = arith.constant 0 : index
    %get3A_69 = vector.load %arg3[%get3A_67, %get3A_68] : memref<1x128xf32, #tpu.memory_space<vmem>>, vector<1x128xf32>
    %add3A_70 = vector.broadcast %get3A_69 : vector<1x128xf32> to vector<1000x128xf32>
    %add3A_71 = arith.addf %dot_general3A_66, %add3A_70 : vector<1000x128xf32>
    %custom_jvp_call3A = arith.constant 0.000000e+00 : f32
    %max3A = vector.broadcast %custom_jvp_call3A : f32 to vector<1000x128xf32>
    %max3A_72 = arith.maximumf %add3A_71, %max3A : vector<1000x128xf32>
    %sub3A_73 = vector.broadcast %custom_jvp_call3A : f32 to vector<1000x128xf32>
    %sub3A_74 = arith.subf %add3A_71, %sub3A_73 : vector<1000x128xf32>
    %ne3A_75 = arith.cmpf one, %sub3A_74, %sub3A_74 : vector<1000x128xf32>
    %add3A_76 = vector.broadcast %custom_jvp_call3A : f32 to vector<1000x128xf32>
    %add3A_77 = arith.addf %add3A_71, %add3A_76 : vector<1000x128xf32>
    %abs3A = math.absf %sub3A_74 : vector<1000x128xf32>
    %neg3A = arith.constant 0.000000e+00 : f32
    %neg3A_78 = vector.broadcast %neg3A : f32 to vector<1000x128xf32>
    %neg3A_79 = arith.subf %neg3A_78, %abs3A : vector<1000x128xf32>
    %exp3A = math.exp %neg3A_79 : vector<1000x128xf32>
    %log1p3A = math.log1p %exp3A : vector<1000x128xf32>
    %add3A_80 = arith.addf %max3A_72, %log1p3A : vector<1000x128xf32>
    %select_n3A_81 = arith.select %ne3A_75, %add3A_77, %add3A_80 : vector<1000x128xi1>, vector<1000x128xf32>
    %sub3A_82 = arith.constant 0.693147182 : f32
    %sub3A_83 = vector.broadcast %sub3A_82 : f32 to vector<1000x128xf32>
    %sub3A_84 = arith.subf %select_n3A_81, %sub3A_83 : vector<1000x128xf32>
    %get3A_85 = arith.constant 0 : index
    %get3A_86 = arith.constant 0 : index
    %get3A_87 = vector.load %arg4[%get3A_85, %get3A_86] : memref<128x128xf32, #tpu.memory_space<vmem>>, vector<128x128xf32>
    %dot_general3A_88 = arith.constant dense<0.000000e+00> : vector<1000x128xf32>
    %dot_general3A_89 = tpu.matmul %sub3A_84, %get3A_87, %dot_general3A_88 {dimension_numbers = #tpu.dot_dimension_numbers<[1], [0], [0], [1], [0, 0, 1, 1], [], []>, transpose_lhs_hint = false} : vector<1000x128xf32>, vector<128x128xf32>, vector<1000x128xf32> -> vector<1000x128xf32>
    %get3A_90 = arith.constant 0 : index
    %get3A_91 = arith.constant 0 : index
    %get3A_92 = vector.load %arg5[%get3A_90, %get3A_91] : memref<1x128xf32, #tpu.memory_space<vmem>>, vector<1x128xf32>
    %add3A_93 = vector.broadcast %get3A_92 : vector<1x128xf32> to vector<1000x128xf32>
    %add3A_94 = arith.addf %dot_general3A_89, %add3A_93 : vector<1000x128xf32>
    %custom_jvp_call3A_95 = arith.constant 0.000000e+00 : f32
    %max3A_96 = vector.broadcast %custom_jvp_call3A_95 : f32 to vector<1000x128xf32>
    %max3A_97 = arith.maximumf %add3A_94, %max3A_96 : vector<1000x128xf32>
    %sub3A_98 = vector.broadcast %custom_jvp_call3A_95 : f32 to vector<1000x128xf32>
    %sub3A_99 = arith.subf %add3A_94, %sub3A_98 : vector<1000x128xf32>
    %ne3A_100 = arith.cmpf one, %sub3A_99, %sub3A_99 : vector<1000x128xf32>
    %add3A_101 = vector.broadcast %custom_jvp_call3A_95 : f32 to vector<1000x128xf32>
    %add3A_102 = arith.addf %add3A_94, %add3A_101 : vector<1000x128xf32>
    %abs3A_103 = math.absf %sub3A_99 : vector<1000x128xf32>
    %neg3A_104 = arith.constant 0.000000e+00 : f32
    %neg3A_105 = vector.broadcast %neg3A_104 : f32 to vector<1000x128xf32>
    %neg3A_106 = arith.subf %neg3A_105, %abs3A_103 : vector<1000x128xf32>
    %exp3A_107 = math.exp %neg3A_106 : vector<1000x128xf32>
    %log1p3A_108 = math.log1p %exp3A_107 : vector<1000x128xf32>
    %add3A_109 = arith.addf %max3A_97, %log1p3A_108 : vector<1000x128xf32>
    %select_n3A_110 = arith.select %ne3A_100, %add3A_102, %add3A_109 : vector<1000x128xi1>, vector<1000x128xf32>
    %sub3A_111 = arith.constant 0.693147182 : f32
    %sub3A_112 = vector.broadcast %sub3A_111 : f32 to vector<1000x128xf32>
    %sub3A_113 = arith.subf %select_n3A_110, %sub3A_112 : vector<1000x128xf32>
    %swap3A = arith.constant 0 : index
    %swap3A_114 = arith.constant 0 : index
    %swap3A_115 = vector.load %arg11[%swap3A, %swap3A_114] : memref<1000x128xf32, #tpu.memory_space<vmem>>, vector<1000x128xf32>
    tpu.vector_store %arg11[%swap3A, %swap3A_114], %sub3A_113 {strides = array<i32>} : memref<1000x128xf32, #tpu.memory_space<vmem>>, vector<1000x128xf32>,
    %get3A_116 = arith.constant 0 : index
    %get3A_117 = arith.constant 0 : index
    %get3A_118 = vector.load %arg6[%get3A_116, %get3A_117] : memref<100x128xf32, #tpu.memory_space<vmem>>, vector<100x128xf32>
    %dot_general3A_119 = arith.constant dense<0.000000e+00> : vector<1000x128xf32>
    %dot_general3A_120 = tpu.matmul %convert_element_type3A_48, %get3A_118, %dot_general3A_119 {dimension_numbers = #tpu.dot_dimension_numbers<[1], [0], [0], [1], [0, 0, 1, 1], [], []>, transpose_lhs_hint = false} : vector<1000x100xf32>, vector<100x128xf32>, vector<1000x128xf32> -> vector<1000x128xf32>
    %get3A_121 = arith.constant 0 : index
    %get3A_122 = arith.constant 0 : index
    %get3A_123 = vector.load %arg6[%get3A_121, %get3A_122] : memref<100x128xf32, #tpu.memory_space<vmem>>, vector<100x128xf32>
    %dot_general3A_124 = arith.constant dense<0.000000e+00> : vector<1000x128xf32>
    %dot_general3A_125 = tpu.matmul %convert_element_type3A_52, %get3A_123, %dot_general3A_124 {dimension_numbers = #tpu.dot_dimension_numbers<[1], [0], [0], [1], [0, 0, 1, 1], [], []>, transpose_lhs_hint = false} : vector<1000x100xf32>, vector<100x128xf32>, vector<1000x128xf32> -> vector<1000x128xf32>
    %mul3A_126 = arith.mulf %dot_general3A_120, %dot_general3A_125 : vector<1000x128xf32>
    %get3A_127 = arith.constant 0 : index
    %get3A_128 = arith.constant 0 : index
    %get3A_129 = vector.load %arg7[%get3A_127, %get3A_128] : memref<128x128xf32, #tpu.memory_space<vmem>>, vector<128x128xf32>
    %dot_general3A_130 = arith.constant dense<0.000000e+00> : vector<1000x128xf32>
    %dot_general3A_131 = tpu.matmul %mul3A_126, %get3A_129, %dot_general3A_130 {dimension_numbers = #tpu.dot_dimension_numbers<[1], [0], [0], [1], [0, 0, 1, 1], [], []>, transpose_lhs_hint = false} : vector<1000x128xf32>, vector<128x128xf32>, vector<1000x128xf32> -> vector<1000x128xf32>
    %get3A_132 = arith.constant 0 : index
    %get3A_133 = arith.constant 0 : index
    %get3A_134 = vector.load %arg8[%get3A_132, %get3A_133] : memref<1x128xf32, #tpu.memory_space<vmem>>, vector<1x128xf32>
    %add3A_135 = vector.broadcast %get3A_134 : vector<1x128xf32> to vector<1000x128xf32>
    %add3A_136 = arith.addf %dot_general3A_131, %add3A_135 : vector<1000x128xf32>
    %custom_jvp_call3A_137 = arith.constant 0.000000e+00 : f32
    %max3A_138 = vector.broadcast %custom_jvp_call3A_137 : f32 to vector<1000x128xf32>
    %max3A_139 = arith.maximumf %add3A_136, %max3A_138 : vector<1000x128xf32>
    %sub3A_140 = vector.broadcast %custom_jvp_call3A_137 : f32 to vector<1000x128xf32>
    %sub3A_141 = arith.subf %add3A_136, %sub3A_140 : vector<1000x128xf32>
    %ne3A_142 = arith.cmpf one, %sub3A_141, %sub3A_141 : vector<1000x128xf32>
    %add3A_143 = vector.broadcast %custom_jvp_call3A_137 : f32 to vector<1000x128xf32>
    %add3A_144 = arith.addf %add3A_136, %add3A_143 : vector<1000x128xf32>
    %abs3A_145 = math.absf %sub3A_141 : vector<1000x128xf32>
    %neg3A_146 = arith.constant 0.000000e+00 : f32
    %neg3A_147 = vector.broadcast %neg3A_146 : f32 to vector<1000x128xf32>
    %neg3A_148 = arith.subf %neg3A_147, %abs3A_145 : vector<1000x128xf32>
    %exp3A_149 = math.exp %neg3A_148 : vector<1000x128xf32>
    %log1p3A_150 = math.log1p %exp3A_149 : vector<1000x128xf32>
    %add3A_151 = arith.addf %max3A_139, %log1p3A_150 : vector<1000x128xf32>
    %select_n3A_152 = arith.select %ne3A_142, %add3A_144, %add3A_151 : vector<1000x128xi1>, vector<1000x128xf32>
    %sub3A_153 = arith.constant 0.693147182 : f32
    %sub3A_154 = vector.broadcast %sub3A_153 : f32 to vector<1000x128xf32>
    %sub3A_155 = arith.subf %select_n3A_152, %sub3A_154 : vector<1000x128xf32>
    %get3A_156 = arith.constant 0 : index
    %get3A_157 = arith.constant 0 : index
    %get3A_158 = vector.load %arg9[%get3A_156, %get3A_157] : memref<128x128xf32, #tpu.memory_space<vmem>>, vector<128x128xf32>
    %dot_general3A_159 = arith.constant dense<0.000000e+00> : vector<1000x128xf32>
    %dot_general3A_160 = tpu.matmul %sub3A_155, %get3A_158, %dot_general3A_159 {dimension_numbers = #tpu.dot_dimension_numbers<[1], [0], [0], [1], [0, 0, 1, 1], [], []>, transpose_lhs_hint = false} : vector<1000x128xf32>, vector<128x128xf32>, vector<1000x128xf32> -> vector<1000x128xf32>
    %get3A_161 = arith.constant 0 : index
    %get3A_162 = arith.constant 0 : index
    %get3A_163 = vector.load %arg10[%get3A_161, %get3A_162] : memref<1x128xf32, #tpu.memory_space<vmem>>, vector<1x128xf32>
    %add3A_164 = vector.broadcast %get3A_163 : vector<1x128xf32> to vector<1000x128xf32>
    %add3A_165 = arith.addf %dot_general3A_160, %add3A_164 : vector<1000x128xf32>
    %custom_jvp_call3A_166 = arith.constant 0.000000e+00 : f32
    %max3A_167 = vector.broadcast %custom_jvp_call3A_166 : f32 to vector<1000x128xf32>
    %max3A_168 = arith.maximumf %add3A_165, %max3A_167 : vector<1000x128xf32>
    %sub3A_169 = vector.broadcast %custom_jvp_call3A_166 : f32 to vector<1000x128xf32>
    %sub3A_170 = arith.subf %add3A_165, %sub3A_169 : vector<1000x128xf32>
    %ne3A_171 = arith.cmpf one, %sub3A_170, %sub3A_170 : vector<1000x128xf32>
    %add3A_172 = vector.broadcast %custom_jvp_call3A_166 : f32 to vector<1000x128xf32>
    %add3A_173 = arith.addf %add3A_165, %add3A_172 : vector<1000x128xf32>
    %abs3A_174 = math.absf %sub3A_170 : vector<1000x128xf32>
    %neg3A_175 = arith.constant 0.000000e+00 : f32
    %neg3A_176 = vector.broadcast %neg3A_175 : f32 to vector<1000x128xf32>
    %neg3A_177 = arith.subf %neg3A_176, %abs3A_174 : vector<1000x128xf32>
    %exp3A_178 = math.exp %neg3A_177 : vector<1000x128xf32>
    %log1p3A_179 = math.log1p %exp3A_178 : vector<1000x128xf32>
    %add3A_180 = arith.addf %max3A_168, %log1p3A_179 : vector<1000x128xf32>
    %select_n3A_181 = arith.select %ne3A_171, %add3A_173, %add3A_180 : vector<1000x128xi1>, vector<1000x128xf32>
    %sub3A_182 = arith.constant 0.693147182 : f32
    %sub3A_183 = vector.broadcast %sub3A_182 : f32 to vector<1000x128xf32>
    %sub3A_184 = arith.subf %select_n3A_181, %sub3A_183 : vector<1000x128xf32>
    %swap3A_185 = arith.constant 0 : index
    %swap3A_186 = arith.constant 0 : index
    %swap3A_187 = vector.load %arg12[%swap3A_185, %swap3A_186] : memref<1000x128xf32, #tpu.memory_space<vmem>>, vector<1000x128xf32>
    tpu.vector_store %arg12[%swap3A_185, %swap3A_186], %sub3A_184 {strides = array<i32>} : memref<1000x128xf32, #tpu.memory_space<vmem>>, vector<1000x128xf32>,
    return
  }
  func.func @transform_0(%arg0: i32) -> (i32, i32) {
    %c0_i32 = arith.constant 0 : i32
    %c0_i32_0 = arith.constant 0 : i32
    %c0_i32_1 = arith.constant 0 : i32
    return %c0_i32, %c0_i32_0 : i32, i32
  }
  func.func @transform_1(%arg0: i32) -> (i32, i32) {
    %c0_i32 = arith.constant 0 : i32
    %c0_i32_0 = arith.constant 0 : i32
    %c0_i32_1 = arith.constant 0 : i32
    return %c0_i32, %c0_i32_0 : i32, i32
  }
  func.func @transform_2(%arg0: i32) -> (i32, i32) {
    %c0_i32 = arith.constant 0 : i32
    %c0_i32_0 = arith.constant 0 : i32
    %c0_i32_1 = arith.constant 0 : i32
    return %c0_i32, %c0_i32_0 : i32, i32
  }
  func.func @transform_3(%arg0: i32) -> (i32, i32) {
    %c0_i32 = arith.constant 0 : i32
    %c0_i32_0 = arith.constant 0 : i32
    %c0_i32_1 = arith.constant 0 : i32
    return %c0_i32, %c0_i32_0 : i32, i32
  }
  func.func @transform_4(%arg0: i32) -> (i32, i32) {
    %c0_i32 = arith.constant 0 : i32
    %c0_i32_0 = arith.constant 0 : i32
    %c0_i32_1 = arith.constant 0 : i32
    return %c0_i32, %c0_i32_0 : i32, i32
  }
  func.func @transform_5(%arg0: i32) -> (i32, i32) {
    %c0_i32 = arith.constant 0 : i32
    %c0_i32_0 = arith.constant 0 : i32
    %c0_i32_1 = arith.constant 0 : i32
    return %c0_i32, %c0_i32_0 : i32, i32
  }
  func.func @transform_6(%arg0: i32) -> (i32, i32) {
    %c0_i32 = arith.constant 0 : i32
    %c0_i32_0 = arith.constant 0 : i32
    %c0_i32_1 = arith.constant 0 : i32
    return %c0_i32, %c0_i32_0 : i32, i32
  }
  func.func @transform_7(%arg0: i32) -> (i32, i32) {
    %c0_i32 = arith.constant 0 : i32
    %c0_i32_0 = arith.constant 0 : i32
    %c0_i32_1 = arith.constant 0 : i32
    return %c0_i32, %c0_i32_0 : i32, i32
  }
  func.func @transform_8(%arg0: i32) -> (i32, i32) {
    %c0_i32 = arith.constant 0 : i32
    %c0_i32_0 = arith.constant 0 : i32
    %c0_i32_1 = arith.constant 0 : i32
    return %c0_i32, %c0_i32_0 : i32, i32
  }
  func.func @transform_9(%arg0: i32) -> (i32, i32) {
    %c0_i32 = arith.constant 0 : i32
    %c0_i32_0 = arith.constant 0 : i32
    %c0_i32_1 = arith.constant 0 : i32
    return %c0_i32, %c0_i32_0 : i32, i32
  }
  func.func @transform_10(%arg0: i32) -> (i32, i32) {
    %c0_i32 = arith.constant 0 : i32
    %c0_i32_0 = arith.constant 0 : i32
    return %arg0, %c0_i32 : i32, i32
  }
  func.func @transform_11(%arg0: i32) -> (i32, i32) {
    %c0_i32 = arith.constant 0 : i32
    %c0_i32_0 = arith.constant 0 : i32
    return %arg0, %c0_i32 : i32, i32
  }
}

module attributes {stable_mosaic.version = 14 : i64} {
  func.func @body(%arg0: i32, %arg1: memref<4000x1xf32, #tpu.memory_space<vmem>>, %arg2: memref<4000x128xf32, #tpu.memory_space<vmem>>, %arg3: memref<4000x128xf32, #tpu.memory_space<vmem>>, %arg4: memref<50x128xf32, #tpu.memory_space<vmem>>, %arg5: memref<1x128xf32, #tpu.memory_space<vmem>>, %arg6: memref<128x128xf32, #tpu.memory_space<vmem>>, %arg7: memref<1x128xf32, #tpu.memory_space<vmem>>, %arg8: memref<4000x128xf32, #tpu.memory_space<vmem>>) attributes {dimension_semantics = [#tpu.dimension_semantics<arbitrary>], iteration_bounds = array<i64: 80>, scalar_prefetch = 0 : i64, scratch_operands = 0 : i64, tpu.core_type = #tpu.core_type<tc>, window_params = [{transform_indices = @transform_0, window_bounds = array<i64: 4000, 1>}, {transform_indices = @transform_1, window_bounds = array<i64: 4000, 128>}, {transform_indices = @transform_2, window_bounds = array<i64: 4000, 128>}, {pipeline_mode = #tpu.pipeline_mode<synchronous>, transform_indices = @transform_3, window_bounds = array<i64: 50, 128>}, {pipeline_mode = #tpu.pipeline_mode<synchronous>, transform_indices = @transform_4, window_bounds = array<i64: 1, 128>}, {pipeline_mode = #tpu.pipeline_mode<synchronous>, transform_indices = @transform_5, window_bounds = array<i64: 128, 128>}, {pipeline_mode = #tpu.pipeline_mode<synchronous>, transform_indices = @transform_6, window_bounds = array<i64: 1, 128>}, {transform_indices = @transform_7, window_bounds = array<i64: 4000, 128>}]} {
    %get3A = arith.constant 0 : index
    %get3A_0 = arith.constant 0 : index
    %get3A_1 = vector.load %arg1[%get3A, %get3A_0] : memref<4000x1xf32, #tpu.memory_space<vmem>>, vector<4000x1xf32>
    %sqrt3A = math.sqrt %get3A_1 : vector<4000x1xf32>
    %iota3A = tpu.iota {dimensions = array<i32: 1>} : vector<4000x50xi32>
    %convert_element_type3A = arith.sitofp %iota3A : vector<4000x50xi32> to vector<4000x50xf32>
    %mul3A = arith.constant 1.000000e-01 : f32
    %mul3A_2 = vector.broadcast %mul3A : f32 to vector<4000x50xf32>
    %mul3A_3 = arith.mulf %convert_element_type3A, %mul3A_2 : vector<4000x50xf32>
    %sub3A = vector.broadcast %sqrt3A : vector<4000x1xf32> to vector<4000x50xf32>
    %sub3A_4 = arith.subf %sub3A, %mul3A_3 : vector<4000x50xf32>
    %square3A = arith.mulf %sub3A_4, %sub3A_4 : vector<4000x50xf32>
    %mul3A_5 = arith.constant -1.000000e+01 : f32
    %mul3A_6 = vector.broadcast %mul3A_5 : f32 to vector<4000x50xf32>
    %mul3A_7 = arith.mulf %mul3A_6, %square3A : vector<4000x50xf32>
    %exp3A = math.exp %mul3A_7 : vector<4000x50xf32>
    %get3A_8 = arith.constant 0 : index
    %get3A_9 = arith.constant 0 : index
    %get3A_10 = vector.load %arg4[%get3A_8, %get3A_9] : memref<50x128xf32, #tpu.memory_space<vmem>>, vector<50x128xf32>
    %dot_general3A = arith.constant dense<0.000000e+00> : vector<4000x128xf32>
    %dot_general3A_11 = tpu.matmul %exp3A, %get3A_10, %dot_general3A {dimension_numbers = #tpu.dot_dimension_numbers<[1], [0], [0], [1], [0, 0, 1, 1], [], []>, transpose_lhs_hint = false} : vector<4000x50xf32>, vector<50x128xf32>, vector<4000x128xf32> -> vector<4000x128xf32>
    %get3A_12 = arith.constant 0 : index
    %get3A_13 = arith.constant 0 : index
    %get3A_14 = vector.load %arg5[%get3A_12, %get3A_13] : memref<1x128xf32, #tpu.memory_space<vmem>>, vector<1x128xf32>
    %add3A = vector.broadcast %get3A_14 : vector<1x128xf32> to vector<4000x128xf32>
    %add3A_15 = arith.addf %dot_general3A_11, %add3A : vector<4000x128xf32>
    %custom_jvp_call3A = arith.constant 0.000000e+00 : f32
    %max3A = vector.broadcast %custom_jvp_call3A : f32 to vector<4000x128xf32>
    %max3A_16 = arith.maximumf %add3A_15, %max3A : vector<4000x128xf32>
    %sub3A_17 = vector.broadcast %custom_jvp_call3A : f32 to vector<4000x128xf32>
    %sub3A_18 = arith.subf %add3A_15, %sub3A_17 : vector<4000x128xf32>
    %ne3A = arith.cmpf one, %sub3A_18, %sub3A_18 : vector<4000x128xf32>
    %add3A_19 = vector.broadcast %custom_jvp_call3A : f32 to vector<4000x128xf32>
    %add3A_20 = arith.addf %add3A_15, %add3A_19 : vector<4000x128xf32>
    %abs3A = math.absf %sub3A_18 : vector<4000x128xf32>
    %neg3A = arith.constant 0.000000e+00 : f32
    %neg3A_21 = vector.broadcast %neg3A : f32 to vector<4000x128xf32>
    %neg3A_22 = arith.subf %neg3A_21, %abs3A : vector<4000x128xf32>
    %exp3A_23 = math.exp %neg3A_22 : vector<4000x128xf32>
    %log1p3A = math.log1p %exp3A_23 : vector<4000x128xf32>
    %add3A_24 = arith.addf %max3A_16, %log1p3A : vector<4000x128xf32>
    %select_n3A = arith.select %ne3A, %add3A_20, %add3A_24 : vector<4000x128xi1>, vector<4000x128xf32>
    %sub3A_25 = arith.constant 0.693147182 : f32
    %sub3A_26 = vector.broadcast %sub3A_25 : f32 to vector<4000x128xf32>
    %sub3A_27 = arith.subf %select_n3A, %sub3A_26 : vector<4000x128xf32>
    %get3A_28 = arith.constant 0 : index
    %get3A_29 = arith.constant 0 : index
    %get3A_30 = vector.load %arg6[%get3A_28, %get3A_29] : memref<128x128xf32, #tpu.memory_space<vmem>>, vector<128x128xf32>
    %dot_general3A_31 = arith.constant dense<0.000000e+00> : vector<4000x128xf32>
    %dot_general3A_32 = tpu.matmul %sub3A_27, %get3A_30, %dot_general3A_31 {dimension_numbers = #tpu.dot_dimension_numbers<[1], [0], [0], [1], [0, 0, 1, 1], [], []>, transpose_lhs_hint = false} : vector<4000x128xf32>, vector<128x128xf32>, vector<4000x128xf32> -> vector<4000x128xf32>
    %get3A_33 = arith.constant 0 : index
    %get3A_34 = arith.constant 0 : index
    %get3A_35 = vector.load %arg7[%get3A_33, %get3A_34] : memref<1x128xf32, #tpu.memory_space<vmem>>, vector<1x128xf32>
    %add3A_36 = vector.broadcast %get3A_35 : vector<1x128xf32> to vector<4000x128xf32>
    %add3A_37 = arith.addf %dot_general3A_32, %add3A_36 : vector<4000x128xf32>
    %custom_jvp_call3A_38 = arith.constant 0.000000e+00 : f32
    %max3A_39 = vector.broadcast %custom_jvp_call3A_38 : f32 to vector<4000x128xf32>
    %max3A_40 = arith.maximumf %add3A_37, %max3A_39 : vector<4000x128xf32>
    %sub3A_41 = vector.broadcast %custom_jvp_call3A_38 : f32 to vector<4000x128xf32>
    %sub3A_42 = arith.subf %add3A_37, %sub3A_41 : vector<4000x128xf32>
    %ne3A_43 = arith.cmpf one, %sub3A_42, %sub3A_42 : vector<4000x128xf32>
    %add3A_44 = vector.broadcast %custom_jvp_call3A_38 : f32 to vector<4000x128xf32>
    %add3A_45 = arith.addf %add3A_37, %add3A_44 : vector<4000x128xf32>
    %abs3A_46 = math.absf %sub3A_42 : vector<4000x128xf32>
    %neg3A_47 = arith.constant 0.000000e+00 : f32
    %neg3A_48 = vector.broadcast %neg3A_47 : f32 to vector<4000x128xf32>
    %neg3A_49 = arith.subf %neg3A_48, %abs3A_46 : vector<4000x128xf32>
    %exp3A_50 = math.exp %neg3A_49 : vector<4000x128xf32>
    %log1p3A_51 = math.log1p %exp3A_50 : vector<4000x128xf32>
    %add3A_52 = arith.addf %max3A_40, %log1p3A_51 : vector<4000x128xf32>
    %select_n3A_53 = arith.select %ne3A_43, %add3A_45, %add3A_52 : vector<4000x128xi1>, vector<4000x128xf32>
    %sub3A_54 = arith.constant 0.693147182 : f32
    %sub3A_55 = vector.broadcast %sub3A_54 : f32 to vector<4000x128xf32>
    %sub3A_56 = arith.subf %select_n3A_53, %sub3A_55 : vector<4000x128xf32>
    %get3A_57 = arith.constant 0 : index
    %get3A_58 = arith.constant 0 : index
    %get3A_59 = vector.load %arg2[%get3A_57, %get3A_58] : memref<4000x128xf32, #tpu.memory_space<vmem>>, vector<4000x128xf32>
    %mul3A_60 = arith.mulf %sub3A_56, %get3A_59 : vector<4000x128xf32>
    %get3A_61 = arith.constant 0 : index
    %get3A_62 = arith.constant 0 : index
    %get3A_63 = vector.load %arg3[%get3A_61, %get3A_62] : memref<4000x128xf32, #tpu.memory_space<vmem>>, vector<4000x128xf32>
    %mul3A_64 = arith.mulf %mul3A_60, %get3A_63 : vector<4000x128xf32>
    %swap3A = arith.constant 0 : index
    %swap3A_65 = arith.constant 0 : index
    %swap3A_66 = vector.load %arg8[%swap3A, %swap3A_65] : memref<4000x128xf32, #tpu.memory_space<vmem>>, vector<4000x128xf32>
    tpu.vector_store %arg8[%swap3A, %swap3A_65], %mul3A_64 {strides = array<i32>} : memref<4000x128xf32, #tpu.memory_space<vmem>>, vector<4000x128xf32>,
    return
  }
  func.func @transform_0(%arg0: i32) -> (i32, i32) {
    %c0_i32 = arith.constant 0 : i32
    %c0_i32_0 = arith.constant 0 : i32
    return %arg0, %c0_i32 : i32, i32
  }
  func.func @transform_1(%arg0: i32) -> (i32, i32) {
    %c0_i32 = arith.constant 0 : i32
    %c0_i32_0 = arith.constant 0 : i32
    return %arg0, %c0_i32 : i32, i32
  }
  func.func @transform_2(%arg0: i32) -> (i32, i32) {
    %c0_i32 = arith.constant 0 : i32
    %c0_i32_0 = arith.constant 0 : i32
    return %arg0, %c0_i32 : i32, i32
  }
  func.func @transform_3(%arg0: i32) -> (i32, i32) {
    %c0_i32 = arith.constant 0 : i32
    %c0_i32_0 = arith.constant 0 : i32
    %c0_i32_1 = arith.constant 0 : i32
    return %c0_i32, %c0_i32_0 : i32, i32
  }
  func.func @transform_4(%arg0: i32) -> (i32, i32) {
    %c0_i32 = arith.constant 0 : i32
    %c0_i32_0 = arith.constant 0 : i32
    %c0_i32_1 = arith.constant 0 : i32
    return %c0_i32, %c0_i32_0 : i32, i32
  }
  func.func @transform_5(%arg0: i32) -> (i32, i32) {
    %c0_i32 = arith.constant 0 : i32
    %c0_i32_0 = arith.constant 0 : i32
    %c0_i32_1 = arith.constant 0 : i32
    return %c0_i32, %c0_i32_0 : i32, i32
  }
  func.func @transform_6(%arg0: i32) -> (i32, i32) {
    %c0_i32 = arith.constant 0 : i32
    %c0_i32_0 = arith.constant 0 : i32
    %c0_i32_1 = arith.constant 0 : i32
    return %c0_i32, %c0_i32_0 : i32, i32
  }
  func.func @transform_7(%arg0: i32) -> (i32, i32) {
    %c0_i32 = arith.constant 0 : i32
    %c0_i32_0 = arith.constant 0 : i32
    return %arg0, %c0_i32 : i32, i32
  }
}

module attributes {stable_mosaic.version = 14 : i64} {
  func.func @body(%arg0: i32, %arg1: memref<1000x128xf32, #tpu.memory_space<vmem>>, %arg2: memref<1000x128xf32, #tpu.memory_space<vmem>>, %arg3: memref<1000x128xf32, #tpu.memory_space<vmem>>, %arg4: memref<1000x1xi32, #tpu.memory_space<vmem>>, %arg5: memref<128x128xf32, #tpu.memory_space<vmem>>, %arg6: memref<1x128xf32, #tpu.memory_space<vmem>>, %arg7: memref<128x128xf32, #tpu.memory_space<vmem>>, %arg8: memref<1x128xf32, #tpu.memory_space<vmem>>, %arg9: memref<1000x128xf32, #tpu.memory_space<vmem>>, %arg10: memref<512x128xf32, #tpu.memory_space<vmem>>) attributes {dimension_semantics = [#tpu.dimension_semantics<arbitrary>], iteration_bounds = array<i64: 10>, scalar_prefetch = 0 : i64, scratch_operands = 0 : i64, tpu.core_type = #tpu.core_type<tc>, window_params = [{transform_indices = @transform_0, window_bounds = array<i64: 1000, 128>}, {transform_indices = @transform_1, window_bounds = array<i64: 1000, 128>}, {transform_indices = @transform_2, window_bounds = array<i64: 1000, 128>}, {transform_indices = @transform_3, window_bounds = array<i64: 1000, 1>}, {pipeline_mode = #tpu.pipeline_mode<synchronous>, transform_indices = @transform_4, window_bounds = array<i64: 128, 128>}, {pipeline_mode = #tpu.pipeline_mode<synchronous>, transform_indices = @transform_5, window_bounds = array<i64: 1, 128>}, {pipeline_mode = #tpu.pipeline_mode<synchronous>, transform_indices = @transform_6, window_bounds = array<i64: 128, 128>}, {pipeline_mode = #tpu.pipeline_mode<synchronous>, transform_indices = @transform_7, window_bounds = array<i64: 1, 128>}, {transform_indices = @transform_8, window_bounds = array<i64: 1000, 128>}, {pipeline_mode = #tpu.pipeline_mode<synchronous>, transform_indices = @transform_9, window_bounds = array<i64: 512, 128>}]} {
    %get3A = arith.constant 0 : index
    %get3A_0 = arith.constant 0 : index
    %get3A_1 = vector.load %arg1[%get3A, %get3A_0] : memref<1000x128xf32, #tpu.memory_space<vmem>>, vector<1000x128xf32>
    %get3A_2 = arith.constant 0 : index
    %get3A_3 = arith.constant 0 : index
    %get3A_4 = vector.load %arg2[%get3A_2, %get3A_3] : memref<1000x128xf32, #tpu.memory_space<vmem>>, vector<1000x128xf32>
    %add3A = arith.addf %get3A_1, %get3A_4 : vector<1000x128xf32>
    %get3A_5 = arith.constant 0 : index
    %get3A_6 = arith.constant 0 : index
    %get3A_7 = vector.load %arg5[%get3A_5, %get3A_6] : memref<128x128xf32, #tpu.memory_space<vmem>>, vector<128x128xf32>
    %dot_general3A = arith.constant dense<0.000000e+00> : vector<1000x128xf32>
    %dot_general3A_8 = tpu.matmul %add3A, %get3A_7, %dot_general3A {dimension_numbers = #tpu.dot_dimension_numbers<[1], [0], [0], [1], [0, 0, 1, 1], [], []>, transpose_lhs_hint = false} : vector<1000x128xf32>, vector<128x128xf32>, vector<1000x128xf32> -> vector<1000x128xf32>
    %get3A_9 = arith.constant 0 : index
    %get3A_10 = arith.constant 0 : index
    %get3A_11 = vector.load %arg6[%get3A_9, %get3A_10] : memref<1x128xf32, #tpu.memory_space<vmem>>, vector<1x128xf32>
    %add3A_12 = vector.broadcast %get3A_11 : vector<1x128xf32> to vector<1000x128xf32>
    %add3A_13 = arith.addf %dot_general3A_8, %add3A_12 : vector<1000x128xf32>
    %custom_jvp_call3A = arith.constant 0.000000e+00 : f32
    %max3A = vector.broadcast %custom_jvp_call3A : f32 to vector<1000x128xf32>
    %max3A_14 = arith.maximumf %add3A_13, %max3A : vector<1000x128xf32>
    %sub3A = vector.broadcast %custom_jvp_call3A : f32 to vector<1000x128xf32>
    %sub3A_15 = arith.subf %add3A_13, %sub3A : vector<1000x128xf32>
    %ne3A = arith.cmpf one, %sub3A_15, %sub3A_15 : vector<1000x128xf32>
    %add3A_16 = vector.broadcast %custom_jvp_call3A : f32 to vector<1000x128xf32>
    %add3A_17 = arith.addf %add3A_13, %add3A_16 : vector<1000x128xf32>
    %abs3A = math.absf %sub3A_15 : vector<1000x128xf32>
    %neg3A = arith.constant 0.000000e+00 : f32
    %neg3A_18 = vector.broadcast %neg3A : f32 to vector<1000x128xf32>
    %neg3A_19 = arith.subf %neg3A_18, %abs3A : vector<1000x128xf32>
    %exp3A = math.exp %neg3A_19 : vector<1000x128xf32>
    %log1p3A = math.log1p %exp3A : vector<1000x128xf32>
    %add3A_20 = arith.addf %max3A_14, %log1p3A : vector<1000x128xf32>
    %select_n3A = arith.select %ne3A, %add3A_17, %add3A_20 : vector<1000x128xi1>, vector<1000x128xf32>
    %sub3A_21 = arith.constant 0.693147182 : f32
    %sub3A_22 = vector.broadcast %sub3A_21 : f32 to vector<1000x128xf32>
    %sub3A_23 = arith.subf %select_n3A, %sub3A_22 : vector<1000x128xf32>
    %get3A_24 = arith.constant 0 : index
    %get3A_25 = arith.constant 0 : index
    %get3A_26 = vector.load %arg7[%get3A_24, %get3A_25] : memref<128x128xf32, #tpu.memory_space<vmem>>, vector<128x128xf32>
    %dot_general3A_27 = arith.constant dense<0.000000e+00> : vector<1000x128xf32>
    %dot_general3A_28 = tpu.matmul %sub3A_23, %get3A_26, %dot_general3A_27 {dimension_numbers = #tpu.dot_dimension_numbers<[1], [0], [0], [1], [0, 0, 1, 1], [], []>, transpose_lhs_hint = false} : vector<1000x128xf32>, vector<128x128xf32>, vector<1000x128xf32> -> vector<1000x128xf32>
    %get3A_29 = arith.constant 0 : index
    %get3A_30 = arith.constant 0 : index
    %get3A_31 = vector.load %arg8[%get3A_29, %get3A_30] : memref<1x128xf32, #tpu.memory_space<vmem>>, vector<1x128xf32>
    %add3A_32 = vector.broadcast %get3A_31 : vector<1x128xf32> to vector<1000x128xf32>
    %add3A_33 = arith.addf %dot_general3A_28, %add3A_32 : vector<1000x128xf32>
    %get3A_34 = arith.constant 0 : index
    %get3A_35 = arith.constant 0 : index
    %get3A_36 = vector.load %arg3[%get3A_34, %get3A_35] : memref<1000x128xf32, #tpu.memory_space<vmem>>, vector<1000x128xf32>
    %add3A_37 = arith.addf %get3A_36, %add3A_33 : vector<1000x128xf32>
    %swap3A = arith.constant 0 : index
    %swap3A_38 = arith.constant 0 : index
    %swap3A_39 = vector.load %arg9[%swap3A, %swap3A_38] : memref<1000x128xf32, #tpu.memory_space<vmem>>, vector<1000x128xf32>
    tpu.vector_store %arg9[%swap3A, %swap3A_38], %add3A_37 {strides = array<i32>} : memref<1000x128xf32, #tpu.memory_space<vmem>>, vector<1000x128xf32>,
    %get3A_40 = arith.constant 0 : index
    %get3A_41 = arith.constant 0 : index
    %get3A_42 = vector.load %arg4[%get3A_40, %get3A_41] : memref<1000x1xi32, #tpu.memory_space<vmem>>, vector<1000x1xi32>
    %iota3A = tpu.iota {dimensions = array<i32: 1>} : vector<1000x512xi32>
    %eq3A = vector.broadcast %get3A_42 : vector<1000x1xi32> to vector<1000x512xi32>
    %eq3A_43 = arith.cmpi eq, %eq3A, %iota3A : vector<1000x512xi32>
    %convert_element_type3A = arith.extui %eq3A_43 : vector<1000x512xi1> to vector<1000x512xi32>
    %convert_element_type3A_44 = arith.sitofp %convert_element_type3A : vector<1000x512xi32> to vector<1000x512xf32>
    %dot_general3A_45 = arith.constant dense<0.000000e+00> : vector<512x128xf32>
    %dot_general3A_46 = tpu.matmul %convert_element_type3A_44, %add3A_37, %dot_general3A_45 {dimension_numbers = #tpu.dot_dimension_numbers<[0], [0], [1], [1], [0, 1, 1, 1], [], []>, transpose_lhs_hint = false} : vector<1000x512xf32>, vector<1000x128xf32>, vector<512x128xf32> -> vector<512x128xf32>
    %eq3A_47 = arith.constant 0 : i32
    %eq3A_48 = arith.cmpi eq, %arg0, %eq3A_47 : i32
    %convert_element_type3A_49 = arith.extui %eq3A_48 : i1 to i32
    %cond3A = arith.constant 0 : i32
    %cond3A_50 = arith.cmpi ne, %convert_element_type3A_49, %cond3A : i32
    scf.if %cond3A_50 {
      %broadcast_in_dim3A = arith.constant 0.000000e+00 : f32
      %broadcast_in_dim3A_58 = vector.broadcast %broadcast_in_dim3A : f32 to vector<512x128xf32>
      %swap3A_59 = arith.constant 0 : index
      %swap3A_60 = arith.constant 0 : index
      %swap3A_61 = vector.load %arg10[%swap3A_59, %swap3A_60] : memref<512x128xf32, #tpu.memory_space<vmem>>, vector<512x128xf32>
      tpu.vector_store %arg10[%swap3A_59, %swap3A_60], %broadcast_in_dim3A_58 {strides = array<i32>} : memref<512x128xf32, #tpu.memory_space<vmem>>, vector<512x128xf32>,
    } else {
    }
    %get3A_51 = arith.constant 0 : index
    %get3A_52 = arith.constant 0 : index
    %get3A_53 = vector.load %arg10[%get3A_51, %get3A_52] : memref<512x128xf32, #tpu.memory_space<vmem>>, vector<512x128xf32>
    %add3A_54 = arith.addf %get3A_53, %dot_general3A_46 : vector<512x128xf32>
    %swap3A_55 = arith.constant 0 : index
    %swap3A_56 = arith.constant 0 : index
    %swap3A_57 = vector.load %arg10[%swap3A_55, %swap3A_56] : memref<512x128xf32, #tpu.memory_space<vmem>>, vector<512x128xf32>
    tpu.vector_store %arg10[%swap3A_55, %swap3A_56], %add3A_54 {strides = array<i32>} : memref<512x128xf32, #tpu.memory_space<vmem>>, vector<512x128xf32>,
    return
  }
  func.func @transform_0(%arg0: i32) -> (i32, i32) {
    %c0_i32 = arith.constant 0 : i32
    %c0_i32_0 = arith.constant 0 : i32
    return %arg0, %c0_i32 : i32, i32
  }
  func.func @transform_1(%arg0: i32) -> (i32, i32) {
    %c0_i32 = arith.constant 0 : i32
    %c0_i32_0 = arith.constant 0 : i32
    return %arg0, %c0_i32 : i32, i32
  }
  func.func @transform_2(%arg0: i32) -> (i32, i32) {
    %c0_i32 = arith.constant 0 : i32
    %c0_i32_0 = arith.constant 0 : i32
    return %arg0, %c0_i32 : i32, i32
  }
  func.func @transform_3(%arg0: i32) -> (i32, i32) {
    %c0_i32 = arith.constant 0 : i32
    %c0_i32_0 = arith.constant 0 : i32
    return %arg0, %c0_i32 : i32, i32
  }
  func.func @transform_4(%arg0: i32) -> (i32, i32) {
    %c0_i32 = arith.constant 0 : i32
    %c0_i32_0 = arith.constant 0 : i32
    %c0_i32_1 = arith.constant 0 : i32
    return %c0_i32, %c0_i32_0 : i32, i32
  }
  func.func @transform_5(%arg0: i32) -> (i32, i32) {
    %c0_i32 = arith.constant 0 : i32
    %c0_i32_0 = arith.constant 0 : i32
    %c0_i32_1 = arith.constant 0 : i32
    return %c0_i32, %c0_i32_0 : i32, i32
  }
  func.func @transform_6(%arg0: i32) -> (i32, i32) {
    %c0_i32 = arith.constant 0 : i32
    %c0_i32_0 = arith.constant 0 : i32
    %c0_i32_1 = arith.constant 0 : i32
    return %c0_i32, %c0_i32_0 : i32, i32
  }
  func.func @transform_7(%arg0: i32) -> (i32, i32) {
    %c0_i32 = arith.constant 0 : i32
    %c0_i32_0 = arith.constant 0 : i32
    %c0_i32_1 = arith.constant 0 : i32
    return %c0_i32, %c0_i32_0 : i32, i32
  }
  func.func @transform_8(%arg0: i32) -> (i32, i32) {
    %c0_i32 = arith.constant 0 : i32
    %c0_i32_0 = arith.constant 0 : i32
    return %arg0, %c0_i32 : i32, i32
  }
  func.func @transform_9(%arg0: i32) -> (i32, i32) {
    %c0_i32 = arith.constant 0 : i32
    %c0_i32_0 = arith.constant 0 : i32
    %c0_i32_1 = arith.constant 0 : i32
    return %c0_i32, %c0_i32_0 : i32, i32
  }
}

module attributes {stable_mosaic.version = 14 : i64} {
  func.func @body(%arg0: memref<512x1xi32, #tpu.memory_space<vmem>>, %arg1: memref<4x64xf32, #tpu.memory_space<vmem>>, %arg2: memref<64x64xf32, #tpu.memory_space<vmem>>, %arg3: memref<1x64xf32, #tpu.memory_space<vmem>>, %arg4: memref<64x32xf32, #tpu.memory_space<vmem>>, %arg5: memref<1x32xf32, #tpu.memory_space<vmem>>, %arg6: memref<512x10xf32, #tpu.memory_space<vmem>>, %arg7: memref<10x128xf32, #tpu.memory_space<vmem>>, %arg8: memref<1x128xf32, #tpu.memory_space<vmem>>, %arg9: memref<128x128xf32, #tpu.memory_space<vmem>>, %arg10: memref<1x128xf32, #tpu.memory_space<vmem>>, %arg11: memref<512x32xf32, #tpu.memory_space<vmem>>, %arg12: memref<512x128xf32, #tpu.memory_space<vmem>>) attributes {dimension_semantics = [], scalar_prefetch = 0 : i64, scratch_operands = 0 : i64, tpu.core_type = #tpu.core_type<tc>} {
    %get3A = arith.constant 0 : index
    %get3A_0 = arith.constant 0 : index
    %get3A_1 = vector.load %arg0[%get3A, %get3A_0] : memref<512x1xi32, #tpu.memory_space<vmem>>, vector<512x1xi32>
    %iota3A = tpu.iota {dimensions = array<i32: 1>} : vector<512x4xi32>
    %eq3A = vector.broadcast %get3A_1 : vector<512x1xi32> to vector<512x4xi32>
    %eq3A_2 = arith.cmpi eq, %eq3A, %iota3A : vector<512x4xi32>
    %convert_element_type3A = arith.extui %eq3A_2 : vector<512x4xi1> to vector<512x4xi32>
    %convert_element_type3A_3 = arith.sitofp %convert_element_type3A : vector<512x4xi32> to vector<512x4xf32>
    %get3A_4 = arith.constant 0 : index
    %get3A_5 = arith.constant 0 : index
    %get3A_6 = vector.load %arg1[%get3A_4, %get3A_5] : memref<4x64xf32, #tpu.memory_space<vmem>>, vector<4x64xf32>
    %dot_general3A = arith.constant dense<0.000000e+00> : vector<512x64xf32>
    %dot_general3A_7 = tpu.matmul %convert_element_type3A_3, %get3A_6, %dot_general3A {dimension_numbers = #tpu.dot_dimension_numbers<[1], [0], [0], [1], [0, 0, 1, 1], [], []>, transpose_lhs_hint = false} : vector<512x4xf32>, vector<4x64xf32>, vector<512x64xf32> -> vector<512x64xf32>
    %get3A_8 = arith.constant 0 : index
    %get3A_9 = arith.constant 0 : index
    %get3A_10 = vector.load %arg2[%get3A_8, %get3A_9] : memref<64x64xf32, #tpu.memory_space<vmem>>, vector<64x64xf32>
    %dot_general3A_11 = arith.constant dense<0.000000e+00> : vector<512x64xf32>
    %dot_general3A_12 = tpu.matmul %dot_general3A_7, %get3A_10, %dot_general3A_11 {dimension_numbers = #tpu.dot_dimension_numbers<[1], [0], [0], [1], [0, 0, 1, 1], [], []>, transpose_lhs_hint = false} : vector<512x64xf32>, vector<64x64xf32>, vector<512x64xf32> -> vector<512x64xf32>
    %get3A_13 = arith.constant 0 : index
    %get3A_14 = arith.constant 0 : index
    %get3A_15 = vector.load %arg3[%get3A_13, %get3A_14] : memref<1x64xf32, #tpu.memory_space<vmem>>, vector<1x64xf32>
    %add3A = vector.broadcast %get3A_15 : vector<1x64xf32> to vector<512x64xf32>
    %add3A_16 = arith.addf %dot_general3A_12, %add3A : vector<512x64xf32>
    %custom_jvp_call3A = arith.constant 0.000000e+00 : f32
    %max3A = vector.broadcast %custom_jvp_call3A : f32 to vector<512x64xf32>
    %max3A_17 = arith.maximumf %add3A_16, %max3A : vector<512x64xf32>
    %sub3A = vector.broadcast %custom_jvp_call3A : f32 to vector<512x64xf32>
    %sub3A_18 = arith.subf %add3A_16, %sub3A : vector<512x64xf32>
    %ne3A = arith.cmpf one, %sub3A_18, %sub3A_18 : vector<512x64xf32>
    %add3A_19 = vector.broadcast %custom_jvp_call3A : f32 to vector<512x64xf32>
    %add3A_20 = arith.addf %add3A_16, %add3A_19 : vector<512x64xf32>
    %abs3A = math.absf %sub3A_18 : vector<512x64xf32>
    %neg3A = arith.constant 0.000000e+00 : f32
    %neg3A_21 = vector.broadcast %neg3A : f32 to vector<512x64xf32>
    %neg3A_22 = arith.subf %neg3A_21, %abs3A : vector<512x64xf32>
    %exp3A = math.exp %neg3A_22 : vector<512x64xf32>
    %log1p3A = math.log1p %exp3A : vector<512x64xf32>
    %add3A_23 = arith.addf %max3A_17, %log1p3A : vector<512x64xf32>
    %select_n3A = arith.select %ne3A, %add3A_20, %add3A_23 : vector<512x64xi1>, vector<512x64xf32>
    %sub3A_24 = arith.constant 0.693147182 : f32
    %sub3A_25 = vector.broadcast %sub3A_24 : f32 to vector<512x64xf32>
    %sub3A_26 = arith.subf %select_n3A, %sub3A_25 : vector<512x64xf32>
    %get3A_27 = arith.constant 0 : index
    %get3A_28 = arith.constant 0 : index
    %get3A_29 = vector.load %arg4[%get3A_27, %get3A_28] : memref<64x32xf32, #tpu.memory_space<vmem>>, vector<64x32xf32>
    %dot_general3A_30 = arith.constant dense<0.000000e+00> : vector<512x32xf32>
    %dot_general3A_31 = tpu.matmul %sub3A_26, %get3A_29, %dot_general3A_30 {dimension_numbers = #tpu.dot_dimension_numbers<[1], [0], [0], [1], [0, 0, 1, 1], [], []>, transpose_lhs_hint = false} : vector<512x64xf32>, vector<64x32xf32>, vector<512x32xf32> -> vector<512x32xf32>
    %get3A_32 = arith.constant 0 : index
    %get3A_33 = arith.constant 0 : index
    %get3A_34 = vector.load %arg5[%get3A_32, %get3A_33] : memref<1x32xf32, #tpu.memory_space<vmem>>, vector<1x32xf32>
    %add3A_35 = vector.broadcast %get3A_34 : vector<1x32xf32> to vector<512x32xf32>
    %add3A_36 = arith.addf %dot_general3A_31, %add3A_35 : vector<512x32xf32>
    %swap3A = arith.constant 0 : index
    %swap3A_37 = arith.constant 0 : index
    %swap3A_38 = vector.load %arg11[%swap3A, %swap3A_37] : memref<512x32xf32, #tpu.memory_space<vmem>>, vector<512x32xf32>
    tpu.vector_store %arg11[%swap3A, %swap3A_37], %add3A_36 {strides = array<i32>} : memref<512x32xf32, #tpu.memory_space<vmem>>, vector<512x32xf32>,
    %get3A_39 = arith.constant 0 : index
    %get3A_40 = arith.constant 0 : index
    %get3A_41 = vector.load %arg6[%get3A_39, %get3A_40] : memref<512x10xf32, #tpu.memory_space<vmem>>, vector<512x10xf32>
    %get3A_42 = arith.constant 0 : index
    %get3A_43 = arith.constant 0 : index
    %get3A_44 = vector.load %arg7[%get3A_42, %get3A_43] : memref<10x128xf32, #tpu.memory_space<vmem>>, vector<10x128xf32>
    %dot_general3A_45 = arith.constant dense<0.000000e+00> : vector<512x128xf32>
    %dot_general3A_46 = tpu.matmul %get3A_41, %get3A_44, %dot_general3A_45 {dimension_numbers = #tpu.dot_dimension_numbers<[1], [0], [0], [1], [0, 0, 1, 1], [], []>, transpose_lhs_hint = false} : vector<512x10xf32>, vector<10x128xf32>, vector<512x128xf32> -> vector<512x128xf32>
    %get3A_47 = arith.constant 0 : index
    %get3A_48 = arith.constant 0 : index
    %get3A_49 = vector.load %arg8[%get3A_47, %get3A_48] : memref<1x128xf32, #tpu.memory_space<vmem>>, vector<1x128xf32>
    %add3A_50 = vector.broadcast %get3A_49 : vector<1x128xf32> to vector<512x128xf32>
    %add3A_51 = arith.addf %dot_general3A_46, %add3A_50 : vector<512x128xf32>
    %custom_jvp_call3A_52 = arith.constant 0.000000e+00 : f32
    %max3A_53 = vector.broadcast %custom_jvp_call3A_52 : f32 to vector<512x128xf32>
    %max3A_54 = arith.maximumf %add3A_51, %max3A_53 : vector<512x128xf32>
    %sub3A_55 = vector.broadcast %custom_jvp_call3A_52 : f32 to vector<512x128xf32>
    %sub3A_56 = arith.subf %add3A_51, %sub3A_55 : vector<512x128xf32>
    %ne3A_57 = arith.cmpf one, %sub3A_56, %sub3A_56 : vector<512x128xf32>
    %add3A_58 = vector.broadcast %custom_jvp_call3A_52 : f32 to vector<512x128xf32>
    %add3A_59 = arith.addf %add3A_51, %add3A_58 : vector<512x128xf32>
    %abs3A_60 = math.absf %sub3A_56 : vector<512x128xf32>
    %neg3A_61 = arith.constant 0.000000e+00 : f32
    %neg3A_62 = vector.broadcast %neg3A_61 : f32 to vector<512x128xf32>
    %neg3A_63 = arith.subf %neg3A_62, %abs3A_60 : vector<512x128xf32>
    %exp3A_64 = math.exp %neg3A_63 : vector<512x128xf32>
    %log1p3A_65 = math.log1p %exp3A_64 : vector<512x128xf32>
    %add3A_66 = arith.addf %max3A_54, %log1p3A_65 : vector<512x128xf32>
    %select_n3A_67 = arith.select %ne3A_57, %add3A_59, %add3A_66 : vector<512x128xi1>, vector<512x128xf32>
    %sub3A_68 = arith.constant 0.693147182 : f32
    %sub3A_69 = vector.broadcast %sub3A_68 : f32 to vector<512x128xf32>
    %sub3A_70 = arith.subf %select_n3A_67, %sub3A_69 : vector<512x128xf32>
    %get3A_71 = arith.constant 0 : index
    %get3A_72 = arith.constant 0 : index
    %get3A_73 = vector.load %arg9[%get3A_71, %get3A_72] : memref<128x128xf32, #tpu.memory_space<vmem>>, vector<128x128xf32>
    %dot_general3A_74 = arith.constant dense<0.000000e+00> : vector<512x128xf32>
    %dot_general3A_75 = tpu.matmul %sub3A_70, %get3A_73, %dot_general3A_74 {dimension_numbers = #tpu.dot_dimension_numbers<[1], [0], [0], [1], [0, 0, 1, 1], [], []>, transpose_lhs_hint = false} : vector<512x128xf32>, vector<128x128xf32>, vector<512x128xf32> -> vector<512x128xf32>
    %get3A_76 = arith.constant 0 : index
    %get3A_77 = arith.constant 0 : index
    %get3A_78 = vector.load %arg10[%get3A_76, %get3A_77] : memref<1x128xf32, #tpu.memory_space<vmem>>, vector<1x128xf32>
    %add3A_79 = vector.broadcast %get3A_78 : vector<1x128xf32> to vector<512x128xf32>
    %add3A_80 = arith.addf %dot_general3A_75, %add3A_79 : vector<512x128xf32>
    %swap3A_81 = arith.constant 0 : index
    %swap3A_82 = arith.constant 0 : index
    %swap3A_83 = vector.load %arg12[%swap3A_81, %swap3A_82] : memref<512x128xf32, #tpu.memory_space<vmem>>, vector<512x128xf32>
    tpu.vector_store %arg12[%swap3A_81, %swap3A_82], %add3A_80 {strides = array<i32>} : memref<512x128xf32, #tpu.memory_space<vmem>>, vector<512x128xf32>,
    return
  }
}

module attributes {stable_mosaic.version = 14 : i64} {
  func.func @body(%arg0: memref<512x128xf32, #tpu.memory_space<vmem>>, %arg1: memref<512x1xf32, #tpu.memory_space<vmem>>, %arg2: memref<512x128xf32, #tpu.memory_space<vmem>>, %arg3: memref<128x128xf32, #tpu.memory_space<vmem>>, %arg4: memref<1x128xf32, #tpu.memory_space<vmem>>, %arg5: memref<128x128xf32, #tpu.memory_space<vmem>>, %arg6: memref<1x128xf32, #tpu.memory_space<vmem>>, %arg7: memref<128x128xf32, #tpu.memory_space<vmem>>, %arg8: memref<1x128xf32, #tpu.memory_space<vmem>>, %arg9: memref<128x128xf32, #tpu.memory_space<vmem>>, %arg10: memref<1x128xf32, #tpu.memory_space<vmem>>, %arg11: memref<128x128xf32, #tpu.memory_space<vmem>>, %arg12: memref<1x128xf32, #tpu.memory_space<vmem>>, %arg13: memref<128x128xf32, #tpu.memory_space<vmem>>, %arg14: memref<1x128xf32, #tpu.memory_space<vmem>>, %arg15: memref<512x128xf32, #tpu.memory_space<vmem>>) attributes {dimension_semantics = [], scalar_prefetch = 0 : i64, scratch_operands = 0 : i64, tpu.core_type = #tpu.core_type<tc>} {
    %get3A = arith.constant 0 : index
    %get3A_0 = arith.constant 0 : index
    %get3A_1 = vector.load %arg0[%get3A, %get3A_0] : memref<512x128xf32, #tpu.memory_space<vmem>>, vector<512x128xf32>
    %get3A_2 = arith.constant 0 : index
    %get3A_3 = arith.constant 0 : index
    %get3A_4 = vector.load %arg1[%get3A_2, %get3A_3] : memref<512x1xf32, #tpu.memory_space<vmem>>, vector<512x1xf32>
    %max3A = arith.constant 1.000000e+00 : f32
    %max3A_5 = vector.broadcast %max3A : f32 to vector<512x1xf32>
    %max3A_6 = arith.maximumf %get3A_4, %max3A_5 : vector<512x1xf32>
    %div3A = vector.broadcast %max3A_6 : vector<512x1xf32> to vector<512x128xf32>
    %div3A_7 = arith.divf %get3A_1, %div3A : vector<512x128xf32>
    %get3A_8 = arith.constant 0 : index
    %get3A_9 = arith.constant 0 : index
    %get3A_10 = vector.load %arg2[%get3A_8, %get3A_9] : memref<512x128xf32, #tpu.memory_space<vmem>>, vector<512x128xf32>
    %get3A_11 = arith.constant 0 : index
    %get3A_12 = arith.constant 0 : index
    %get3A_13 = vector.load %arg3[%get3A_11, %get3A_12] : memref<128x128xf32, #tpu.memory_space<vmem>>, vector<128x128xf32>
    %get3A_14 = arith.constant 0 : index
    %get3A_15 = arith.constant 0 : index
    %get3A_16 = vector.load %arg4[%get3A_14, %get3A_15] : memref<1x128xf32, #tpu.memory_space<vmem>>, vector<1x128xf32>
    %get3A_17 = arith.constant 0 : index
    %get3A_18 = arith.constant 0 : index
    %get3A_19 = vector.load %arg5[%get3A_17, %get3A_18] : memref<128x128xf32, #tpu.memory_space<vmem>>, vector<128x128xf32>
    %get3A_20 = arith.constant 0 : index
    %get3A_21 = arith.constant 0 : index
    %get3A_22 = vector.load %arg6[%get3A_20, %get3A_21] : memref<1x128xf32, #tpu.memory_space<vmem>>, vector<1x128xf32>
    %dot_general3A = arith.constant dense<0.000000e+00> : vector<512x128xf32>
    %dot_general3A_23 = tpu.matmul %div3A_7, %get3A_13, %dot_general3A {dimension_numbers = #tpu.dot_dimension_numbers<[1], [0], [0], [1], [0, 0, 1, 1], [], []>, transpose_lhs_hint = false} : vector<512x128xf32>, vector<128x128xf32>, vector<512x128xf32> -> vector<512x128xf32>
    %add3A = vector.broadcast %get3A_16 : vector<1x128xf32> to vector<512x128xf32>
    %add3A_24 = arith.addf %dot_general3A_23, %add3A : vector<512x128xf32>
    %custom_jvp_call3A = arith.constant 0.000000e+00 : f32
    %max3A_25 = vector.broadcast %custom_jvp_call3A : f32 to vector<512x128xf32>
    %max3A_26 = arith.maximumf %add3A_24, %max3A_25 : vector<512x128xf32>
    %sub3A = vector.broadcast %custom_jvp_call3A : f32 to vector<512x128xf32>
    %sub3A_27 = arith.subf %add3A_24, %sub3A : vector<512x128xf32>
    %ne3A = arith.cmpf one, %sub3A_27, %sub3A_27 : vector<512x128xf32>
    %add3A_28 = vector.broadcast %custom_jvp_call3A : f32 to vector<512x128xf32>
    %add3A_29 = arith.addf %add3A_24, %add3A_28 : vector<512x128xf32>
    %abs3A = math.absf %sub3A_27 : vector<512x128xf32>
    %neg3A = arith.constant 0.000000e+00 : f32
    %neg3A_30 = vector.broadcast %neg3A : f32 to vector<512x128xf32>
    %neg3A_31 = arith.subf %neg3A_30, %abs3A : vector<512x128xf32>
    %exp3A = math.exp %neg3A_31 : vector<512x128xf32>
    %log1p3A = math.log1p %exp3A : vector<512x128xf32>
    %add3A_32 = arith.addf %max3A_26, %log1p3A : vector<512x128xf32>
    %select_n3A = arith.select %ne3A, %add3A_29, %add3A_32 : vector<512x128xi1>, vector<512x128xf32>
    %sub3A_33 = arith.constant 0.693147182 : f32
    %sub3A_34 = vector.broadcast %sub3A_33 : f32 to vector<512x128xf32>
    %sub3A_35 = arith.subf %select_n3A, %sub3A_34 : vector<512x128xf32>
    %dot_general3A_36 = arith.constant dense<0.000000e+00> : vector<512x128xf32>
    %dot_general3A_37 = tpu.matmul %sub3A_35, %get3A_19, %dot_general3A_36 {dimension_numbers = #tpu.dot_dimension_numbers<[1], [0], [0], [1], [0, 0, 1, 1], [], []>, transpose_lhs_hint = false} : vector<512x128xf32>, vector<128x128xf32>, vector<512x128xf32> -> vector<512x128xf32>
    %add3A_38 = vector.broadcast %get3A_22 : vector<1x128xf32> to vector<512x128xf32>
    %add3A_39 = arith.addf %dot_general3A_37, %add3A_38 : vector<512x128xf32>
    %get3A_40 = arith.constant 0 : index
    %get3A_41 = arith.constant 0 : index
    %get3A_42 = vector.load %arg7[%get3A_40, %get3A_41] : memref<128x128xf32, #tpu.memory_space<vmem>>, vector<128x128xf32>
    %get3A_43 = arith.constant 0 : index
    %get3A_44 = arith.constant 0 : index
    %get3A_45 = vector.load %arg8[%get3A_43, %get3A_44] : memref<1x128xf32, #tpu.memory_space<vmem>>, vector<1x128xf32>
    %get3A_46 = arith.constant 0 : index
    %get3A_47 = arith.constant 0 : index
    %get3A_48 = vector.load %arg9[%get3A_46, %get3A_47] : memref<128x128xf32, #tpu.memory_space<vmem>>, vector<128x128xf32>
    %get3A_49 = arith.constant 0 : index
    %get3A_50 = arith.constant 0 : index
    %get3A_51 = vector.load %arg10[%get3A_49, %get3A_50] : memref<1x128xf32, #tpu.memory_space<vmem>>, vector<1x128xf32>
    %dot_general3A_52 = arith.constant dense<0.000000e+00> : vector<512x128xf32>
    %dot_general3A_53 = tpu.matmul %get3A_10, %get3A_42, %dot_general3A_52 {dimension_numbers = #tpu.dot_dimension_numbers<[1], [0], [0], [1], [0, 0, 1, 1], [], []>, transpose_lhs_hint = false} : vector<512x128xf32>, vector<128x128xf32>, vector<512x128xf32> -> vector<512x128xf32>
    %add3A_54 = vector.broadcast %get3A_45 : vector<1x128xf32> to vector<512x128xf32>
    %add3A_55 = arith.addf %dot_general3A_53, %add3A_54 : vector<512x128xf32>
    %custom_jvp_call3A_56 = arith.constant 0.000000e+00 : f32
    %max3A_57 = vector.broadcast %custom_jvp_call3A_56 : f32 to vector<512x128xf32>
    %max3A_58 = arith.maximumf %add3A_55, %max3A_57 : vector<512x128xf32>
    %sub3A_59 = vector.broadcast %custom_jvp_call3A_56 : f32 to vector<512x128xf32>
    %sub3A_60 = arith.subf %add3A_55, %sub3A_59 : vector<512x128xf32>
    %ne3A_61 = arith.cmpf one, %sub3A_60, %sub3A_60 : vector<512x128xf32>
    %add3A_62 = vector.broadcast %custom_jvp_call3A_56 : f32 to vector<512x128xf32>
    %add3A_63 = arith.addf %add3A_55, %add3A_62 : vector<512x128xf32>
    %abs3A_64 = math.absf %sub3A_60 : vector<512x128xf32>
    %neg3A_65 = arith.constant 0.000000e+00 : f32
    %neg3A_66 = vector.broadcast %neg3A_65 : f32 to vector<512x128xf32>
    %neg3A_67 = arith.subf %neg3A_66, %abs3A_64 : vector<512x128xf32>
    %exp3A_68 = math.exp %neg3A_67 : vector<512x128xf32>
    %log1p3A_69 = math.log1p %exp3A_68 : vector<512x128xf32>
    %add3A_70 = arith.addf %max3A_58, %log1p3A_69 : vector<512x128xf32>
    %select_n3A_71 = arith.select %ne3A_61, %add3A_63, %add3A_70 : vector<512x128xi1>, vector<512x128xf32>
    %sub3A_72 = arith.constant 0.693147182 : f32
    %sub3A_73 = vector.broadcast %sub3A_72 : f32 to vector<512x128xf32>
    %sub3A_74 = arith.subf %select_n3A_71, %sub3A_73 : vector<512x128xf32>
    %dot_general3A_75 = arith.constant dense<0.000000e+00> : vector<512x128xf32>
    %dot_general3A_76 = tpu.matmul %sub3A_74, %get3A_48, %dot_general3A_75 {dimension_numbers = #tpu.dot_dimension_numbers<[1], [0], [0], [1], [0, 0, 1, 1], [], []>, transpose_lhs_hint = false} : vector<512x128xf32>, vector<128x128xf32>, vector<512x128xf32> -> vector<512x128xf32>
    %add3A_77 = vector.broadcast %get3A_51 : vector<1x128xf32> to vector<512x128xf32>
    %add3A_78 = arith.addf %dot_general3A_76, %add3A_77 : vector<512x128xf32>
    %add3A_79 = arith.addf %add3A_39, %add3A_78 : vector<512x128xf32>
    %get3A_80 = arith.constant 0 : index
    %get3A_81 = arith.constant 0 : index
    %get3A_82 = vector.load %arg11[%get3A_80, %get3A_81] : memref<128x128xf32, #tpu.memory_space<vmem>>, vector<128x128xf32>
    %get3A_83 = arith.constant 0 : index
    %get3A_84 = arith.constant 0 : index
    %get3A_85 = vector.load %arg12[%get3A_83, %get3A_84] : memref<1x128xf32, #tpu.memory_space<vmem>>, vector<1x128xf32>
    %get3A_86 = arith.constant 0 : index
    %get3A_87 = arith.constant 0 : index
    %get3A_88 = vector.load %arg13[%get3A_86, %get3A_87] : memref<128x128xf32, #tpu.memory_space<vmem>>, vector<128x128xf32>
    %get3A_89 = arith.constant 0 : index
    %get3A_90 = arith.constant 0 : index
    %get3A_91 = vector.load %arg14[%get3A_89, %get3A_90] : memref<1x128xf32, #tpu.memory_space<vmem>>, vector<1x128xf32>
    %dot_general3A_92 = arith.constant dense<0.000000e+00> : vector<512x128xf32>
    %dot_general3A_93 = tpu.matmul %add3A_79, %get3A_82, %dot_general3A_92 {dimension_numbers = #tpu.dot_dimension_numbers<[1], [0], [0], [1], [0, 0, 1, 1], [], []>, transpose_lhs_hint = false} : vector<512x128xf32>, vector<128x128xf32>, vector<512x128xf32> -> vector<512x128xf32>
    %add3A_94 = vector.broadcast %get3A_85 : vector<1x128xf32> to vector<512x128xf32>
    %add3A_95 = arith.addf %dot_general3A_93, %add3A_94 : vector<512x128xf32>
    %custom_jvp_call3A_96 = arith.constant 0.000000e+00 : f32
    %max3A_97 = vector.broadcast %custom_jvp_call3A_96 : f32 to vector<512x128xf32>
    %max3A_98 = arith.maximumf %add3A_95, %max3A_97 : vector<512x128xf32>
    %sub3A_99 = vector.broadcast %custom_jvp_call3A_96 : f32 to vector<512x128xf32>
    %sub3A_100 = arith.subf %add3A_95, %sub3A_99 : vector<512x128xf32>
    %ne3A_101 = arith.cmpf one, %sub3A_100, %sub3A_100 : vector<512x128xf32>
    %add3A_102 = vector.broadcast %custom_jvp_call3A_96 : f32 to vector<512x128xf32>
    %add3A_103 = arith.addf %add3A_95, %add3A_102 : vector<512x128xf32>
    %abs3A_104 = math.absf %sub3A_100 : vector<512x128xf32>
    %neg3A_105 = arith.constant 0.000000e+00 : f32
    %neg3A_106 = vector.broadcast %neg3A_105 : f32 to vector<512x128xf32>
    %neg3A_107 = arith.subf %neg3A_106, %abs3A_104 : vector<512x128xf32>
    %exp3A_108 = math.exp %neg3A_107 : vector<512x128xf32>
    %log1p3A_109 = math.log1p %exp3A_108 : vector<512x128xf32>
    %add3A_110 = arith.addf %max3A_98, %log1p3A_109 : vector<512x128xf32>
    %select_n3A_111 = arith.select %ne3A_101, %add3A_103, %add3A_110 : vector<512x128xi1>, vector<512x128xf32>
    %sub3A_112 = arith.constant 0.693147182 : f32
    %sub3A_113 = vector.broadcast %sub3A_112 : f32 to vector<512x128xf32>
    %sub3A_114 = arith.subf %select_n3A_111, %sub3A_113 : vector<512x128xf32>
    %dot_general3A_115 = arith.constant dense<0.000000e+00> : vector<512x128xf32>
    %dot_general3A_116 = tpu.matmul %sub3A_114, %get3A_88, %dot_general3A_115 {dimension_numbers = #tpu.dot_dimension_numbers<[1], [0], [0], [1], [0, 0, 1, 1], [], []>, transpose_lhs_hint = false} : vector<512x128xf32>, vector<128x128xf32>, vector<512x128xf32> -> vector<512x128xf32>
    %add3A_117 = vector.broadcast %get3A_91 : vector<1x128xf32> to vector<512x128xf32>
    %add3A_118 = arith.addf %dot_general3A_116, %add3A_117 : vector<512x128xf32>
    %add3A_119 = arith.addf %get3A_10, %add3A_118 : vector<512x128xf32>
    %swap3A = arith.constant 0 : index
    %swap3A_120 = arith.constant 0 : index
    %swap3A_121 = vector.load %arg15[%swap3A, %swap3A_120] : memref<512x128xf32, #tpu.memory_space<vmem>>, vector<512x128xf32>
    tpu.vector_store %arg15[%swap3A, %swap3A_120], %add3A_119 {strides = array<i32>} : memref<512x128xf32, #tpu.memory_space<vmem>>, vector<512x128xf32>,
    return
  }
}

module attributes {stable_mosaic.version = 14 : i64} {
  func.func @body(%arg0: i32, %arg1: memref<512x1xi32, #tpu.memory_space<vmem>>, %arg2: memref<1000x128xf32, #tpu.memory_space<vmem>>, %arg3: memref<512x128xf32, #tpu.memory_space<vmem>>) attributes {dimension_semantics = [#tpu.dimension_semantics<arbitrary>], iteration_bounds = array<i64: 10>, scalar_prefetch = 0 : i64, scratch_operands = 0 : i64, tpu.core_type = #tpu.core_type<tc>, window_params = [{pipeline_mode = #tpu.pipeline_mode<synchronous>, transform_indices = @transform_0, window_bounds = array<i64: 512, 1>}, {transform_indices = @transform_1, window_bounds = array<i64: 1000, 128>}, {pipeline_mode = #tpu.pipeline_mode<synchronous>, transform_indices = @transform_2, window_bounds = array<i64: 512, 128>}]} {
    %iota3A = tpu.iota {dimensions = array<i32: 1>} : vector<512x1000xi32>
    %mul3A = arith.constant 1000 : i32
    %mul3A_0 = arith.muli %arg0, %mul3A : i32
    %add3A = vector.broadcast %mul3A_0 : i32 to vector<512x1000xi32>
    %add3A_1 = arith.addi %iota3A, %add3A : vector<512x1000xi32>
    %get3A = arith.constant 0 : index
    %get3A_2 = arith.constant 0 : index
    %get3A_3 = vector.load %arg1[%get3A, %get3A_2] : memref<512x1xi32, #tpu.memory_space<vmem>>, vector<512x1xi32>
    %eq3A = vector.broadcast %get3A_3 : vector<512x1xi32> to vector<512x1000xi32>
    %eq3A_4 = arith.cmpi eq, %eq3A, %add3A_1 : vector<512x1000xi32>
    %convert_element_type3A = arith.extui %eq3A_4 : vector<512x1000xi1> to vector<512x1000xi32>
    %convert_element_type3A_5 = arith.sitofp %convert_element_type3A : vector<512x1000xi32> to vector<512x1000xf32>
    %get3A_6 = arith.constant 0 : index
    %get3A_7 = arith.constant 0 : index
    %get3A_8 = vector.load %arg2[%get3A_6, %get3A_7] : memref<1000x128xf32, #tpu.memory_space<vmem>>, vector<1000x128xf32>
    %dot_general3A = arith.constant dense<0.000000e+00> : vector<512x128xf32>
    %dot_general3A_9 = tpu.matmul %convert_element_type3A_5, %get3A_8, %dot_general3A {dimension_numbers = #tpu.dot_dimension_numbers<[1], [0], [0], [1], [0, 0, 1, 1], [], []>, transpose_lhs_hint = false} : vector<512x1000xf32>, vector<1000x128xf32>, vector<512x128xf32> -> vector<512x128xf32>
    %eq3A_10 = arith.constant 0 : i32
    %eq3A_11 = arith.cmpi eq, %arg0, %eq3A_10 : i32
    %convert_element_type3A_12 = arith.extui %eq3A_11 : i1 to i32
    %cond3A = arith.constant 0 : i32
    %cond3A_13 = arith.cmpi ne, %convert_element_type3A_12, %cond3A : i32
    scf.if %cond3A_13 {
      %broadcast_in_dim3A = arith.constant 0.000000e+00 : f32
      %broadcast_in_dim3A_20 = vector.broadcast %broadcast_in_dim3A : f32 to vector<512x128xf32>
      %swap3A_21 = arith.constant 0 : index
      %swap3A_22 = arith.constant 0 : index
      %swap3A_23 = vector.load %arg3[%swap3A_21, %swap3A_22] : memref<512x128xf32, #tpu.memory_space<vmem>>, vector<512x128xf32>
      tpu.vector_store %arg3[%swap3A_21, %swap3A_22], %broadcast_in_dim3A_20 {strides = array<i32>} : memref<512x128xf32, #tpu.memory_space<vmem>>, vector<512x128xf32>,
    } else {
    }
    %get3A_14 = arith.constant 0 : index
    %get3A_15 = arith.constant 0 : index
    %get3A_16 = vector.load %arg3[%get3A_14, %get3A_15] : memref<512x128xf32, #tpu.memory_space<vmem>>, vector<512x128xf32>
    %add3A_17 = arith.addf %get3A_16, %dot_general3A_9 : vector<512x128xf32>
    %swap3A = arith.constant 0 : index
    %swap3A_18 = arith.constant 0 : index
    %swap3A_19 = vector.load %arg3[%swap3A, %swap3A_18] : memref<512x128xf32, #tpu.memory_space<vmem>>, vector<512x128xf32>
    tpu.vector_store %arg3[%swap3A, %swap3A_18], %add3A_17 {strides = array<i32>} : memref<512x128xf32, #tpu.memory_space<vmem>>, vector<512x128xf32>,
    return
  }
  func.func @transform_0(%arg0: i32) -> (i32, i32) {
    %c0_i32 = arith.constant 0 : i32
    %c0_i32_0 = arith.constant 0 : i32
    %c0_i32_1 = arith.constant 0 : i32
    return %c0_i32, %c0_i32_0 : i32, i32
  }
  func.func @transform_1(%arg0: i32) -> (i32, i32) {
    %c0_i32 = arith.constant 0 : i32
    %c0_i32_0 = arith.constant 0 : i32
    return %arg0, %c0_i32 : i32, i32
  }
  func.func @transform_2(%arg0: i32) -> (i32, i32) {
    %c0_i32 = arith.constant 0 : i32
    %c0_i32_0 = arith.constant 0 : i32
    %c0_i32_1 = arith.constant 0 : i32
    return %c0_i32, %c0_i32_0 : i32, i32
  }
}

module attributes {stable_mosaic.version = 14 : i64} {
  func.func @body(%arg0: memref<512x128xf32, #tpu.memory_space<vmem>>, %arg1: memref<512x128xf32, #tpu.memory_space<vmem>>, %arg2: memref<512x32xf32, #tpu.memory_space<vmem>>, %arg3: memref<128x256xf32, #tpu.memory_space<vmem>>, %arg4: memref<128x256xf32, #tpu.memory_space<vmem>>, %arg5: memref<32x256xf32, #tpu.memory_space<vmem>>, %arg6: memref<1x256xf32, #tpu.memory_space<vmem>>, %arg7: memref<256x32xf32, #tpu.memory_space<vmem>>, %arg8: memref<1x32xf32, #tpu.memory_space<vmem>>, %arg9: memref<32x1xf32, #tpu.memory_space<vmem>>, %arg10: memref<1x1xf32, #tpu.memory_space<vmem>>, %arg11: memref<512x1xf32, #tpu.memory_space<vmem>>) attributes {dimension_semantics = [], scalar_prefetch = 0 : i64, scratch_operands = 0 : i64, tpu.core_type = #tpu.core_type<tc>} {
    %get3A = arith.constant 0 : index
    %get3A_0 = arith.constant 0 : index
    %get3A_1 = vector.load %arg0[%get3A, %get3A_0] : memref<512x128xf32, #tpu.memory_space<vmem>>, vector<512x128xf32>
    %get3A_2 = arith.constant 0 : index
    %get3A_3 = arith.constant 0 : index
    %get3A_4 = vector.load %arg3[%get3A_2, %get3A_3] : memref<128x256xf32, #tpu.memory_space<vmem>>, vector<128x256xf32>
    %dot_general3A = arith.constant dense<0.000000e+00> : vector<512x256xf32>
    %dot_general3A_5 = tpu.matmul %get3A_1, %get3A_4, %dot_general3A {dimension_numbers = #tpu.dot_dimension_numbers<[1], [0], [0], [1], [0, 0, 1, 1], [], []>, transpose_lhs_hint = false} : vector<512x128xf32>, vector<128x256xf32>, vector<512x256xf32> -> vector<512x256xf32>
    %get3A_6 = arith.constant 0 : index
    %get3A_7 = arith.constant 0 : index
    %get3A_8 = vector.load %arg1[%get3A_6, %get3A_7] : memref<512x128xf32, #tpu.memory_space<vmem>>, vector<512x128xf32>
    %get3A_9 = arith.constant 0 : index
    %get3A_10 = arith.constant 0 : index
    %get3A_11 = vector.load %arg4[%get3A_9, %get3A_10] : memref<128x256xf32, #tpu.memory_space<vmem>>, vector<128x256xf32>
    %dot_general3A_12 = arith.constant dense<0.000000e+00> : vector<512x256xf32>
    %dot_general3A_13 = tpu.matmul %get3A_8, %get3A_11, %dot_general3A_12 {dimension_numbers = #tpu.dot_dimension_numbers<[1], [0], [0], [1], [0, 0, 1, 1], [], []>, transpose_lhs_hint = false} : vector<512x128xf32>, vector<128x256xf32>, vector<512x256xf32> -> vector<512x256xf32>
    %add3A = arith.addf %dot_general3A_5, %dot_general3A_13 : vector<512x256xf32>
    %get3A_14 = arith.constant 0 : index
    %get3A_15 = arith.constant 0 : index
    %get3A_16 = vector.load %arg2[%get3A_14, %get3A_15] : memref<512x32xf32, #tpu.memory_space<vmem>>, vector<512x32xf32>
    %get3A_17 = arith.constant 0 : index
    %get3A_18 = arith.constant 0 : index
    %get3A_19 = vector.load %arg5[%get3A_17, %get3A_18] : memref<32x256xf32, #tpu.memory_space<vmem>>, vector<32x256xf32>
    %dot_general3A_20 = arith.constant dense<0.000000e+00> : vector<512x256xf32>
    %dot_general3A_21 = tpu.matmul %get3A_16, %get3A_19, %dot_general3A_20 {dimension_numbers = #tpu.dot_dimension_numbers<[1], [0], [0], [1], [0, 0, 1, 1], [], []>, transpose_lhs_hint = false} : vector<512x32xf32>, vector<32x256xf32>, vector<512x256xf32> -> vector<512x256xf32>
    %add3A_22 = arith.addf %add3A, %dot_general3A_21 : vector<512x256xf32>
    %get3A_23 = arith.constant 0 : index
    %get3A_24 = arith.constant 0 : index
    %get3A_25 = vector.load %arg6[%get3A_23, %get3A_24] : memref<1x256xf32, #tpu.memory_space<vmem>>, vector<1x256xf32>
    %add3A_26 = vector.broadcast %get3A_25 : vector<1x256xf32> to vector<512x256xf32>
    %add3A_27 = arith.addf %add3A_22, %add3A_26 : vector<512x256xf32>
    %custom_jvp_call3A = arith.constant 0.000000e+00 : f32
    %max3A = vector.broadcast %custom_jvp_call3A : f32 to vector<512x256xf32>
    %max3A_28 = arith.maximumf %add3A_27, %max3A : vector<512x256xf32>
    %sub3A = vector.broadcast %custom_jvp_call3A : f32 to vector<512x256xf32>
    %sub3A_29 = arith.subf %add3A_27, %sub3A : vector<512x256xf32>
    %ne3A = arith.cmpf one, %sub3A_29, %sub3A_29 : vector<512x256xf32>
    %add3A_30 = vector.broadcast %custom_jvp_call3A : f32 to vector<512x256xf32>
    %add3A_31 = arith.addf %add3A_27, %add3A_30 : vector<512x256xf32>
    %abs3A = math.absf %sub3A_29 : vector<512x256xf32>
    %neg3A = arith.constant 0.000000e+00 : f32
    %neg3A_32 = vector.broadcast %neg3A : f32 to vector<512x256xf32>
    %neg3A_33 = arith.subf %neg3A_32, %abs3A : vector<512x256xf32>
    %exp3A = math.exp %neg3A_33 : vector<512x256xf32>
    %log1p3A = math.log1p %exp3A : vector<512x256xf32>
    %add3A_34 = arith.addf %max3A_28, %log1p3A : vector<512x256xf32>
    %select_n3A = arith.select %ne3A, %add3A_31, %add3A_34 : vector<512x256xi1>, vector<512x256xf32>
    %sub3A_35 = arith.constant 0.693147182 : f32
    %sub3A_36 = vector.broadcast %sub3A_35 : f32 to vector<512x256xf32>
    %sub3A_37 = arith.subf %select_n3A, %sub3A_36 : vector<512x256xf32>
    %get3A_38 = arith.constant 0 : index
    %get3A_39 = arith.constant 0 : index
    %get3A_40 = vector.load %arg7[%get3A_38, %get3A_39] : memref<256x32xf32, #tpu.memory_space<vmem>>, vector<256x32xf32>
    %dot_general3A_41 = arith.constant dense<0.000000e+00> : vector<512x32xf32>
    %dot_general3A_42 = tpu.matmul %sub3A_37, %get3A_40, %dot_general3A_41 {dimension_numbers = #tpu.dot_dimension_numbers<[1], [0], [0], [1], [0, 0, 1, 1], [], []>, transpose_lhs_hint = false} : vector<512x256xf32>, vector<256x32xf32>, vector<512x32xf32> -> vector<512x32xf32>
    %get3A_43 = arith.constant 0 : index
    %get3A_44 = arith.constant 0 : index
    %get3A_45 = vector.load %arg8[%get3A_43, %get3A_44] : memref<1x32xf32, #tpu.memory_space<vmem>>, vector<1x32xf32>
    %add3A_46 = vector.broadcast %get3A_45 : vector<1x32xf32> to vector<512x32xf32>
    %add3A_47 = arith.addf %dot_general3A_42, %add3A_46 : vector<512x32xf32>
    %custom_jvp_call3A_48 = arith.constant 0.000000e+00 : f32
    %max3A_49 = vector.broadcast %custom_jvp_call3A_48 : f32 to vector<512x32xf32>
    %max3A_50 = arith.maximumf %add3A_47, %max3A_49 : vector<512x32xf32>
    %sub3A_51 = vector.broadcast %custom_jvp_call3A_48 : f32 to vector<512x32xf32>
    %sub3A_52 = arith.subf %add3A_47, %sub3A_51 : vector<512x32xf32>
    %ne3A_53 = arith.cmpf one, %sub3A_52, %sub3A_52 : vector<512x32xf32>
    %add3A_54 = vector.broadcast %custom_jvp_call3A_48 : f32 to vector<512x32xf32>
    %add3A_55 = arith.addf %add3A_47, %add3A_54 : vector<512x32xf32>
    %abs3A_56 = math.absf %sub3A_52 : vector<512x32xf32>
    %neg3A_57 = arith.constant 0.000000e+00 : f32
    %neg3A_58 = vector.broadcast %neg3A_57 : f32 to vector<512x32xf32>
    %neg3A_59 = arith.subf %neg3A_58, %abs3A_56 : vector<512x32xf32>
    %exp3A_60 = math.exp %neg3A_59 : vector<512x32xf32>
    %log1p3A_61 = math.log1p %exp3A_60 : vector<512x32xf32>
    %add3A_62 = arith.addf %max3A_50, %log1p3A_61 : vector<512x32xf32>
    %select_n3A_63 = arith.select %ne3A_53, %add3A_55, %add3A_62 : vector<512x32xi1>, vector<512x32xf32>
    %sub3A_64 = arith.constant 0.693147182 : f32
    %sub3A_65 = vector.broadcast %sub3A_64 : f32 to vector<512x32xf32>
    %sub3A_66 = arith.subf %select_n3A_63, %sub3A_65 : vector<512x32xf32>
    %get3A_67 = arith.constant 0 : index
    %get3A_68 = arith.constant 0 : index
    %get3A_69 = vector.load %arg9[%get3A_67, %get3A_68] : memref<32x1xf32, #tpu.memory_space<vmem>>, vector<32x1xf32>
    %dot_general3A_70 = arith.constant dense<0.000000e+00> : vector<512x1xf32>
    %dot_general3A_71 = tpu.matmul %sub3A_66, %get3A_69, %dot_general3A_70 {dimension_numbers = #tpu.dot_dimension_numbers<[1], [0], [0], [1], [0, 0, 1, 1], [], []>, transpose_lhs_hint = false} : vector<512x32xf32>, vector<32x1xf32>, vector<512x1xf32> -> vector<512x1xf32>
    %get3A_72 = arith.constant 0 : index
    %get3A_73 = arith.constant 0 : index
    %get3A_74 = vector.load %arg10[%get3A_72, %get3A_73] : memref<1x1xf32, #tpu.memory_space<vmem>>, vector<1x1xf32>
    %add3A_75 = vector.broadcast %get3A_74 : vector<1x1xf32> to vector<512x1xf32>
    %add3A_76 = arith.addf %dot_general3A_71, %add3A_75 : vector<512x1xf32>
    %swap3A = arith.constant 0 : index
    %swap3A_77 = arith.constant 0 : index
    %swap3A_78 = vector.load %arg11[%swap3A, %swap3A_77] : memref<512x1xf32, #tpu.memory_space<vmem>>, vector<512x1xf32>
    tpu.vector_store %arg11[%swap3A, %swap3A_77], %add3A_76 {strides = array<i32>} : memref<512x1xf32, #tpu.memory_space<vmem>>, vector<512x1xf32>,
    return
  }
}

</mosaic_0001>

<sc_bundles>
// kernel: kernel.20.cloned.1.call-start
scs
__scs_entry_jumppad:
0x0: {  	(pc) =	sbr.rel $0x88, $3  }
0x1: {  	(tag) =	ssettag $0x0;
	lr =	simm.s32 $0x1  }
0x2: {  	[smem:$0x3F60] =	sst lr;
	_ =	strace $0xD0000000  }
0x3: {  	_ = 	snop  }
0x4: {  	_ = 	snop  }
0x5: {  	_ = 	snop  }
0x6: {  	_ = 	snop  }
0x7: {  	_ = 	snop  }
__scs_overlays_trampoline_lowered:
0x8: {  	[smem:$0x3F6F] =	sst s0  }
0x9: {  	[smem:$0x3F70] =	sst s1  }
0xa: {  	[smem:$0x3F71] =	sst s2  }
0xb: {  	[smem:$0x3F72] =	sst s3  }
0xc: {  	[smem:$0x3F73] =	sst s4  }
0xd: {  	[smem:$0x3F74] =	sst s5  }
0xe: {  	[smem:$0x3F75] =	sst s6  }
0xf: {  	[smem:$0x3F76] =	sst s7  }
0x10: {  	[smem:$0x3F77] =	sst s8  }
0x11: {  	[smem:$0x3F78] =	sst s9;
	s0 =	simm.s32 @!p0 $0x0  }
0x12: {  	s1 =	sld [smem:$0x3F5E];
	s0 =	simm.s32 @p0 $0x1  }
0x13: {  	[smem:$0x3F79] =	sst s0;
	s0 =	simm.s32 @!p1 $0x0  }
0x14: {  	s2 =	sld [smem:$0x3F5D];
	s0 =	simm.s32 @p1 $0x1  }
0x15: {  	[smem:$0x3F7A] =	sst s0;
	s0 =	simm.s32 @!p2 $0x0  }
0x16: {  	s3 =	sld [smem:$0x3FDB];
	s0 =	simm.s32 @p2 $0x1  }
0x17: {  	s4 =	simm.s32 $0x1BF5;
	[smem:$0x3F7C] =	sst s0  }
0x18: {  	s0 =	sld [smem:$0x3F5F];
	_ =	swait.ge [sflag:s4], $0x0  }
0x19: {  	s7 =	sld [smem:$0x3F60]  }
0x1a: {  	s8 =	sadd.s32 $0xFFFFE003, lr  }
0x1b: {  	s9 =	sadd.s32 $0xFFFFFEF7, lr;
	s5 =	simm.s32 $0xFFFFFFFF;
	p2 =	slt.u32 s8, $0xFFFFF086  }
0x1c: {  	p1 =	slt.u32 s9, $0xF7A;
	s5 =	simm.s32 @!p2 $0x0  }
0x1d: {  	s5 =	simm.s32 @p1 $0x1;
	p0 =	seq.s32 s7, s2  }
0x1e: {  	s7 =	smul.u32 @!p0 $0xF7A, s2;
	p2 =	seq.s32 @!p0 s5, $0x0  }
0x1f: {  	s9 =	smul.u32 $0xF7A, s1;
	s8 =	simm.s32 @!p0 $0x1BF5;
	p2 =	por !p2, p0  }
0x20: {  	[sflag:s8] =	ssyncset.s32 @!p0 $0xFFFFF086;
	s6 =	sadd.s32 @!p0 s3, s7;
	s7 =	simm.s32 @!p0 $0x108  }
0x21: {  	s3 =	sadd.s32 s3, s9;
	s6 =	sadd.s32 @!p0 $0x88, s6;
	s7 =	simm.s32 @p2 $0x1082  }
0x22: {  	[simem:s7], [sflag:s8] =	dma.local @!p0 [hbm:s6], $0xF7A  }
0x23: {  	s9 =	sor.u32 $0xD0000000, s2;
	s6 =	simm.s32 $0x108;
	_ =	swait.ge @!p0 [sflag:s8], $0x0  }
0x24: {  	s3 =	sadd.s32 $0x88, s3;
	s6 =	simm.s32 @!p1 $0x1082;
	[sflag:s4] =	ssyncset.s32 $0xFFFFF086  }
0x25: {  	[simem:s6], [sflag:s4] =	dma.local [hbm:s3], $0xF7A  }
0x26: {  	[smem:$0x3F60] =	sst s1;
	(tag) =	ssettag s2;
	_ =	strace s9  }
0x27: {  	s1 =	sld [smem:$0x3F70]  }
0x28: {  	s2 =	sld [smem:$0x3F71]  }
0x29: {  	s4 =	sld [smem:$0x3F73]  }
0x2a: {  	p0 =	seq.s32 s5, $0x0;
	s5 =	sld [smem:$0x3F74]  }
0x2b: {  	s6 =	sld [smem:$0x3F75]  }
0x2c: {  	s7 =	sld [smem:$0x3F76]  }
0x2d: {  	s3 =	simm.s32 $0x108;
	s8 =	sld [smem:$0x3F77]  }
0x2e: {  	s3 =	simm.s32 @!p0 $0x1082;
	s9 =	sld [smem:$0x3F78]  }
0x2f: {  	lr =	sadd.s32 s0, s3;
	s0 =	sld [smem:$0x3F6F]  }
0x30: {  	s3 =	sld [smem:$0x3F72]  }
0x31: {  	[smem:$0x3F7B] =	sst s10  }
0x32: {  	s10 =	sld [smem:$0x3F79];
	_ =	sdelay $0x3  }
0x33: {  	p0 =	seq.s32 s10, $0x1;
	s10 =	sld [smem:$0x3F7B];
	_ =	sdelay $0x3  }
0x34: {  	[smem:$0x3F7B] =	sst s10  }
0x35: {  	s10 =	sld [smem:$0x3F7A];
	_ =	sdelay $0x3  }
0x36: {  	p1 =	seq.s32 s10, $0x1;
	s10 =	sld [smem:$0x3F7B];
	_ =	sdelay $0x3  }
0x37: {  	[smem:$0x3F7B] =	sst s10  }
0x38: {  	s10 =	sld [smem:$0x3F7C]  }
0x39: {  	_ = 	snop;
	(pc) =	sbr.ind lr, $3  }
0x3a: {  	_ = 	snop  }
0x3b: {  	_ = 	snop  }
0x3c: {  	p2 =	seq.s32 s10, $0x1;
	s10 =	sld [smem:$0x3F7B]  }
0x3d: {  	_ =	shalt  }
0x3e: {  	_ =	shalt  }
0x3f: {  	_ =	shalt  }
0x40: {  	_ =	shalt  }
0x41: {  	_ =	shalt  }
0x42: {  	_ =	shalt  }
0x43: {  	_ =	shalt  }
0x44: {  	_ =	shalt  }
0x45: {  	_ =	shalt  }
0x46: {  	_ =	shalt  }
0x47: {  	_ =	shalt  }
0x48: {  	_ =	shalt  }
0x49: {  	_ =	shalt  }
0x4a: {  	_ =	shalt  }
0x4b: {  	_ =	shalt  }
0x4c: {  	_ =	shalt  }
0x4d: {  	_ =	shalt  }
0x4e: {  	_ =	shalt  }
0x4f: {  	_ =	shalt  }
0x50: {  	_ =	shalt  }
0x51: {  	_ =	shalt  }
0x52: {  	_ =	shalt  }
0x53: {  	_ =	shalt  }
0x54: {  	_ =	shalt  }
0x55: {  	_ =	shalt  }
0x56: {  	_ =	shalt  }
0x57: {  	_ =	shalt  }
0x58: {  	_ =	shalt  }
0x59: {  	_ =	shalt  }
0x5a: {  	_ =	shalt  }
0x5b: {  	_ =	shalt  }
0x5c: {  	_ =	shalt  }
0x5d: {  	_ =	shalt  }
0x5e: {  	_ =	shalt  }
0x5f: {  	_ =	shalt  }
0x60: {  	_ =	shalt  }
0x61: {  	_ =	shalt  }
0x62: {  	_ =	shalt  }
0x63: {  	_ =	shalt  }
0x64: {  	_ =	shalt  }
0x65: {  	_ =	shalt  }
0x66: {  	_ =	shalt  }
0x67: {  	_ =	shalt  }
0x68: {  	_ =	shalt  }
0x69: {  	_ =	shalt  }
0x6a: {  	_ =	shalt  }
0x6b: {  	_ =	shalt  }
0x6c: {  	_ =	shalt  }
0x6d: {  	_ =	shalt  }
0x6e: {  	_ =	shalt  }
0x6f: {  	_ =	shalt  }
0x70: {  	_ =	shalt  }
0x71: {  	_ =	shalt  }
0x72: {  	_ =	shalt  }
0x73: {  	_ =	shalt  }
0x74: {  	_ =	shalt  }
0x75: {  	_ =	shalt  }
0x76: {  	_ =	shalt  }
0x77: {  	_ =	shalt  }
0x78: {  	_ =	shalt  }
0x79: {  	_ =	shalt  }
0x7a: {  	_ =	shalt  }
0x7b: {  	_ =	shalt  }
0x7c: {  	_ =	shalt  }
0x7d: {  	_ =	shalt  }
0x7e: {  	_ =	shalt  }
0x7f: {  	_ =	shalt  }
0x80: {  	_ =	shalt  }
0x81: {  	_ =	shalt  }
0x82: {  	_ =	shalt  }
0x83: {  	_ =	shalt  }
0x84: {  	_ =	shalt  }
0x85: {  	_ =	shalt  }
0x86: {  	_ =	shalt  }
0x87: {  	_ =	shalt  }
.Lfunc_end0:
.L_simem_size_0:
called_computation_lowered:
.L_overlay_start_0:
0x88: {  	s2 =	sld [smem:$0x3FD9]  }
0x89: {  	s3 =	sld [smem:$0x3FFE];
	_ =	sdelay $0x1  }
0x8a: {  	s1 =	srdreg.scid  }
0x8b: {  	s0 =	sand.u32 $0x1, s1  }
0x8c: {  	s17 =	sshll.u32 s0, $0xA;
	s2 =	sadd.s32 s3, s2  }
0x8d: {  	s2 =	sadd.s32 s2, s17  }
0x8e: {  	[smem:$0x3F87] =	sst s2  }
0x8f: {  	_ = 	snop  }
0x90: {  	s2 =	sld [smem:$0x3FC7];
	(tm) =	ssettm $0x1  }
0x91: {  	s18 =	sld [smem:$0x3FFB];
	_ =	sdelay $0x3  }
0x92: {  	_ =	strace s18  }
0x93: {  	s3 =	sld [smem:$0x3FFC];
	_ =	sdelay $0x3  }
0x94: {  	_ =	strace s3  }
0x95: {  	s3 =	sld [smem:$0x3FFD];
	_ =	sdelay $0x3  }
0x96: {  	_ =	strace s3  }
0x97: {  	_ =	strace $0x8FFFFFFF  }
0x98: {  	s19 =	sld [smem:$0x3FDB];
	_ =	sdelay $0x1  }
0x99: {  	s4 =	simm.s32 $_scs_section_size  }
0x9a: {  	s5 =	simm.s32 $_size__tile_overlayer_lowered;
	s6 =	simm.s32 $_tile_overlayer_lowered  }
0x9b: {  	s22 =	simm.s32 $0x1BFF;
	s21 =	sshll.u32 s6, $0x1;
	s3 =	sadd.s32 s4, s19  }
0x9c: {  	s7 =	simm.s32 $0x0;
	s20 =	sshll.u32 s5, $0x1;
	s5 =	sadd.s32 s21, s3  }
0x9d: {  	[timem:s7], [sflag:s22] =	dma.local [hbm:s5], s20  }
0x9e: {  	_ =	swait.ge [sflag:s22], s20  }
0x9f: {  	s4 =	ssub.s32 $0x0, s20;
	[sflag:s22] =	ssyncset.done $0x0  }
0xa0: {  	[sflag:s22] =	ssyncadd.s32 s4;
	_ =	sdelay $0x1  }
0xa1: {  	s23 =	simm.s32 $0x1B8B  }
0xa2: {  	_ =	swait.ge [sflag:s23], $0x1  }
0xa3: {  	[sflag:s23] =	ssyncset.done $0x0  }
0xa4: {  	s25 =	simm.s32 $0x1B8E;
	s24 =	sld [smem:$0x3FFE];
	[sflag:s23] =	ssyncadd.s32 $0xFFFFFFFF  }
0xa5: {  	s26 =	simm.s32 $execute0_lowered;
	[smem:$0x3FD2] =	sst s25  }
0xa6: {  	s5 =	sshll.u32 s26, $0x1;
	_ =	strace $0x80000046;
	[dreg:$0x1] =	wrdreg $0xFFFFFFFF  }
0xa7: {  	s28 =	simm.s32 $_size_execute0_lowered;
	s3 =	sadd.s32 s3, s5;
	[dreg:$0x0] =	wrdreg $0x0  }
0xa8: {  	s5 =	sshll.u32 s28, $0x1;
	[dreg:$0x2] =	wrdreg s3  }
0xa9: {  	[dreg:$0x3] =	wrdreg s5  }
0xaa: {  	[dreg:$0x4] =	wrdreg $0xC0  }
0xab: {  	_ =	task [dreg:s7], $0x5FFFF  }
0xac: {  	[dreg:$0x1] =	wrdreg $0xFFFFFFFF  }
0xad: {  	[dreg:$0x0] =	wrdreg $0x60  }
0xae: {  	[dreg:$0x2] =	wrdreg s24  }
0xaf: {  	[dreg:$0x3] =	wrdreg s2  }
0xb0: {  	[dreg:$0x4] =	wrdreg $0x9  }
0xb1: {  	_ =	task.clear_ibuf [dreg:s7], $0x5FFFF;
	_ =	strace $0x90000046  }
0xb2: {  	s29 =	simm.s32 $0x9;
	_ =	strace $0x80000048  }
0xb3: {  	_ =	swait.ge [sflag:s29], $0x1  }
0xb4: {  	[sflag:s29] =	ssyncadd.s32 $0xFFFFFFFF  }
0xb5: {  	_ =	strace $0x90000048  }
0xb6: {  	_ =	sfence  }
0xb7: {  	s30 =	sld [smem:$0x0];
	_ =	sdelay $0x2  }
0xb8: {  	s31 =	sshll.u32 s1, $0xD;
	s1 =	sshrl.u32 s1, $0x2  }
0xb9: {  	s3 =	sand.u32 $0x4000, s31;
	s1 =	sadd.s32 s1, s30  }
0xba: {  	s0 =	sor.u32 s3, s0;
	s1 =	sshll.u32 s1, $0x11  }
0xbb: {  	s0 =	sor.u32 s1, s0  }
0xbc: {  	s0 =	sadd.s32 $0x8F2B, s0  }
0xbd: {  	[sflag:s0] =	ssyncadd.remote.s32 $0x1  }
0xbe: {  	_ =	sfence.sel $0xFFFF  }
0xbf: {  	[dreg:$0x0] =	wrdreg $0xFFFFFFFF;
	(pc) =	sbr.abs _section_cstart, $3  }
0xc0: {  	[dreg:$0x1] =	wrdreg $0xFFFFFFFF  }
0xc1: {  	_ =	task.clear_ibuf [dreg:s7], $0x2FFFF;
	_ =	strace $0x9FFFFFFF  }
0xc2: {  	(tm) =	ssettm $0x7FFFFFFF  }
0xc3: {  	_ =	shalt  }
tec
execute0_lowered:
.L_overlay_start_1:
0x0: {  	(tag) =	ssettag $0x1  }
0x1: {  	s7 =	rddreg [dreg:$0x0]  }
0x2: {  	s1 =	rddreg [dreg:$0x1];
	s2 =	srdreg.scid  }
0x3: {  	s0 =	rddreg [dreg:$0x2];
	s3 =	simm.s32 $0x0;
	s12 =	simm.s32 $0x1  }
0x4: {  	s13 =	simm.s32 $0x2780;
	s14 =	simm.s32 $0x4F00;
	s15 =	simm.s32 $0x7680  }
0x5: {  	s16 =	simm.s32 $0x9E00;
	s17 =	simm.s32 $0xC580;
	s6 =	sand.u32 $0x1, s2  }
0x6: {  	s18 =	simm.s32 $0xED00;
	s2 =	stileid.u32;
	s4 =	sshll.u32 s6, $0x4  }
0x7: {  	s19 =	simm.s32 $0x11480;
	s20 =	simm.s32 $0x0;
	s4 =	sor.u32 s2, s4  }
0x8: {  	[smem:$0x7FF] =	sst s3;
	s9 =	ssub.s32 $0x2, s6;
	s8 =	smul.u32 $0x4E2, s4  }
0x9: {  	s5 =	sadd.s32 $0x21800, s7;
	_ =	strace $0x80000047;
	s31 =	sshrl.u32 s9, $0x1  }
0xa: {  	s6 =	sadd.s32 $0x21200, s7;
	s11 =	ssub.s32 s9, s31;
	s10 =	sadd.s32 s8, s7  }
0xb: {  	s4 =	sadd.s32 $0x21E00, s7;
	s11 =	smax.u32 s11, $0x1;
	s7 =	sadd.s32 $0xD600, s10  }
0xc: {  	s8 =	sadd.s32 $0x17400, s10;
	s9 =	sadd.s32 $0x22400, s10;
	s10 =	sadd.s32 $0x2C200, s10  }
.LBB2_1:
0xd: {  	[tilespmem:s3], [sflag:$0x1] =	stream.linear.gather [hbm4b:s4+s3], $0x2780, $0x38;
	[tilespmem:$0x13C00] =	vst v63  }
0xe: {  	_ =	swait.ge [sflag:s12], $0x2780  }
0xf: {  	[sflag:s12] =	ssyncset.done $0x0  }
0x10: {  	[sflag:s12] =	ssyncadd.s32 $0xFFFFD880  }
0x11: {  	[tilespmem:s13], [sflag:$0x1] =	stream.linear.gather [hbm4b:s5+s3], $0x2780, $0x38;
	[tilespmem:$0x13C00] =	vst v63  }
0x12: {  	_ =	swait.ge [sflag:s12], $0x2780  }
0x13: {  	[sflag:s12] =	ssyncset.done $0x0  }
0x14: {  	[sflag:s12] =	ssyncadd.s32 $0xFFFFD880  }
0x15: {  	[tilespmem:s14], [sflag:$0x1] =	stream.linear.gather [hbm4b:s6+s3], $0x2780, $0x38;
	[tilespmem:$0x13C00] =	vst v63  }
0x16: {  	_ =	swait.ge [sflag:s12], $0x2780  }
0x17: {  	[sflag:s12] =	ssyncset.done $0x0  }
0x18: {  	[sflag:s12] =	ssyncadd.s32 $0xFFFFD880  }
0x19: {  	[tilespmem:s15], [sflag:$0x1] =	stream.linear.gather [hbm4b:s1+s3], $0x2780, $0x38;
	[tilespmem:$0x13C00] =	vst v63  }
0x1a: {  	_ =	swait.ge [sflag:s12], $0x2780  }
0x1b: {  	[sflag:s12] =	ssyncset.done $0x0  }
0x1c: {  	[sflag:s12] =	ssyncadd.s32 $0xFFFFD880  }
0x1d: {  	[tilespmem:s16], [sflag:$0x1] =	stream.linear.gather [hbm4b:s7+s3], $0x2710, $0x38;
	[tilespmem:$0x13C00] =	vst v63  }
0x1e: {  	_ =	swait.ge [sflag:s12], $0x2710  }
0x1f: {  	[sflag:s12] =	ssyncset.done $0x0  }
0x20: {  	[sflag:s12] =	ssyncadd.s32 $0xFFFFD8F0  }
0x21: {  	[tilespmem:s17], [sflag:$0x1] =	stream.linear.gather [hbm4b:s8+s3], $0x2710, $0x38;
	[tilespmem:$0x13C00] =	vst v63  }
0x22: {  	_ =	swait.ge [sflag:s12], $0x2710  }
0x23: {  	[sflag:s12] =	ssyncset.done $0x0  }
0x24: {  	s23 =	simm.s32 $0x0;
	[sflag:s12] =	ssyncadd.s32 $0xFFFFD8F0  }
0x25: {  	v0 =	vld [tilespmem:s23+$0x9E00];
	_ =	sdelay $0x1  }
0x26: {  	v1 =	vld [tilespmem:s23+$0xC580];
	_ =	sdelay $0x5  }
0x27: {  	v2 =	vld.idx.msk [tilespmem:v0+s3+$0x0], $0xffff  }
0x28: {  	v3 =	vld.idx.msk [tilespmem:v0+s13+$0x0], $0xffff  }
0x29: {  	v4 =	vld.idx.msk [tilespmem:v1+s14+$0x0], $0xffff  }
0x2a: {  	v5 =	vld.idx.msk [tilespmem:v1+s3+$0x0], $0xffff  }
0x2b: {  	v6 =	vld.idx.msk [tilespmem:v1+s13+$0x0], $0xffff  }
0x2c: {  	s22 =	simm.s32 $0x10;
	s24 =	simm.s32 $0xC0;
	s21 =	simm.s32 $0x20;
	v7 =	vld.idx.msk [tilespmem:v0+s14+$0x0], $0xffff  }
.LBB2_2:
0x2d: {  	_ = 	snop  }
0x2e: {  	p0 =	sne.s32 s24, $0x9C00;
	s25 =	smov.u32 s24;
	s24 =	sadd.s32 $0x40, s24  }
0x2f: {  	v2 =	vsub.f32 v5, v2  }
0x30: {  	v3 =	vsub.f32 v6, v3  }
0x31: {  	v4 =	vsub.f32 v4, v7;
	v2 =	vmul.f32 v2, v2  }
0x32: {  	v3 =	vmul.f32 v3, v3  }
0x33: {  	v4 =	vmul.f32 v4, v4  }
0x34: {  	v2 =	vadd.f32 v3, v2;
	_ =	sdelay $0x1  }
0x35: {  	v2 =	vadd.f32 v4, v2;
	_ =	sdelay $0x1  }
0x36: {  	[tilespmem:s23+$0xED00] =	vst v2  }
0x37: {  	v2 =	vld.idx.msk [tilespmem:v0+s15+$0x0], $0xffff  }
0x38: {  	v3 =	vld.idx.msk [tilespmem:v1+s15+$0x0], $0xffff  }
0x39: {  	v0 =	vld [tilespmem:s22+$0x9E00];
	_ =	sdelay $0x1  }
0x3a: {  	v1 =	vld [tilespmem:s22+$0xC580];
	_ =	sdelay $0x1  }
0x3b: {  	v2 =	vmul.u32 $0x64, v2;
	_ =	sdelay $0x1  }
0x3c: {  	v2 =	vadd.s32 v3, v2  }
0x3d: {  	[tilespmem:s23+$0x11480] =	vst v2;
	s23 =	smov.u32 s22;
	s22 =	smov.u32 s21  }
0x3e: {  	v2 =	vld.idx.msk [tilespmem:v0+s3+$0x0], $0xffff  }
.Ltmp0:
0x3f: {  	v3 =	vld.idx.msk [tilespmem:v0+s13+$0x0], $0xffff;
	(pc) =	sbr.rel @p0 .LBB2_2-.Ltmp0, $4  }
0x40: {  	v4 =	vld.idx.msk [tilespmem:v1+s14+$0x0], $0xffff  }
0x41: {  	v5 =	vld.idx.msk [tilespmem:v1+s3+$0x0], $0xffff  }
0x42: {  	s21 =	sshra.s32 s25, $0x2;
	v6 =	vld.idx.msk [tilespmem:v1+s13+$0x0], $0xffff  }
0x43: {  	v7 =	vld.idx.msk [tilespmem:v0+s14+$0x0], $0xffff  }
0x44: {  	_ =	sdelay $0x2  }
0x45: {  	v2 =	vsub.f32 v5, v2;
	v3 =	vsub.f32 v6, v3;
	_ =	sdelay $0x1  }
0x46: {  	v4 =	vsub.f32 v4, v7;
	v2 =	vmul.f32 v2, v2;
	v3 =	vmul.f32 v3, v3;
	_ =	sdelay $0x1  }
0x47: {  	v4 =	vmul.f32 v4, v4;
	v2 =	vadd.f32 v3, v2;
	_ =	sdelay $0x1  }
0x48: {  	v2 =	vadd.f32 v4, v2;
	_ =	sdelay $0x1  }
0x49: {  	[tilespmem:s23+$0xED00] =	vst v2  }
0x4a: {  	v0 =	vld.idx.msk [tilespmem:v0+s15+$0x0], $0xffff  }
0x4b: {  	v2 =	vld [tilespmem:s22+$0x9E00]  }
0x4c: {  	v1 =	vld.idx.msk [tilespmem:v1+s15+$0x0], $0xffff  }
0x4d: {  	v47 =	vld [tilespmem:s22+$0xC580];
	_ =	sdelay $0x1  }
0x4e: {  	v0 =	vmul.u32 $0x64, v0;
	_ =	sdelay $0x1  }
0x4f: {  	v0 =	vadd.s32 v1, v0  }
0x50: {  	[tilespmem:s23+$0x11480] =	vst v0  }
0x51: {  	v0 =	vld.idx.msk [tilespmem:v2+s3+$0x0], $0xffff  }
0x52: {  	v48 =	vld.idx.msk [tilespmem:v2+s13+$0x0], $0xffff  }
0x53: {  	v49 =	vld.idx.msk [tilespmem:v47+s3+$0x0], $0xffff  }
0x54: {  	v50 =	vld.idx.msk [tilespmem:v47+s13+$0x0], $0xffff  }
0x55: {  	v51 =	vld.idx.msk [tilespmem:v47+s14+$0x0], $0xffff  }
0x56: {  	v52 =	vld.idx.msk [tilespmem:v2+s14+$0x0], $0xffff;
	_ =	sdelay $0x2  }
0x57: {  	v0 =	vsub.f32 v49, v0;
	v1 =	vsub.f32 v50, v48;
	_ =	sdelay $0x1  }
0x58: {  	v53 =	vsub.f32 v51, v52;
	v0 =	vmul.f32 v0, v0;
	v1 =	vmul.f32 v1, v1;
	_ =	sdelay $0x1  }
0x59: {  	v4 =	vmul.f32 v53, v53;
	v0 =	vadd.f32 v1, v0;
	_ =	sdelay $0x1  }
0x5a: {  	v0 =	vadd.f32 v4, v0;
	_ =	sdelay $0x1  }
0x5b: {  	[tilespmem:s22+$0xED00] =	vst v0  }
0x5c: {  	v0 =	vld.idx.msk [tilespmem:v2+s15+$0x0], $0xffff  }
0x5d: {  	v54 =	vld [tilespmem:s21+$0x9E00]  }
0x5e: {  	v55 =	vld.idx.msk [tilespmem:v47+s15+$0x0], $0xffff  }
0x5f: {  	v56 =	vld [tilespmem:s21+$0xC580];
	_ =	sdelay $0x1  }
0x60: {  	v0 =	vmul.u32 $0x64, v0;
	_ =	sdelay $0x1  }
0x61: {  	v0 =	vadd.s32 v55, v0  }
0x62: {  	[tilespmem:s22+$0x11480] =	vst v0  }
0x63: {  	v0 =	vld.idx.msk [tilespmem:v54+s3+$0x0], $0xffff  }
0x64: {  	v57 =	vld.idx.msk [tilespmem:v54+s13+$0x0], $0xffff  }
0x65: {  	v58 =	vld.idx.msk [tilespmem:v56+s3+$0x0], $0xffff  }
0x66: {  	v59 =	vld.idx.msk [tilespmem:v56+s13+$0x0], $0xffff  }
0x67: {  	v60 =	vld.idx.msk [tilespmem:v56+s14+$0x0], $0xffff  }
0x68: {  	v61 =	vld.idx.msk [tilespmem:v54+s14+$0x0], $0xffff;
	_ =	sdelay $0x2  }
0x69: {  	v0 =	vsub.f32 v58, v0;
	v2 =	vsub.f32 v59, v57;
	_ =	sdelay $0x1  }
0x6a: {  	v62 =	vsub.f32 v60, v61;
	v0 =	vmul.f32 v0, v0;
	v2 =	vmul.f32 v2, v2;
	_ =	sdelay $0x1  }
0x6b: {  	v4 =	vmul.f32 v62, v62;
	v0 =	vadd.f32 v2, v0;
	_ =	sdelay $0x1  }
0x6c: {  	v0 =	vadd.f32 v4, v0;
	_ =	sdelay $0x1  }
0x6d: {  	[tilespmem:s21+$0xED00] =	vst v0  }
0x6e: {  	v0 =	vld.idx.msk [tilespmem:v54+s15+$0x0], $0xffff;
	_ =	sdelay $0x1  }
0x6f: {  	v63 =	vld.idx.msk [tilespmem:v56+s15+$0x0], $0xffff;
	_ =	sdelay $0x2  }
0x70: {  	v0 =	vmul.u32 $0x64, v0;
	_ =	sdelay $0x1  }
0x71: {  	v0 =	vadd.s32 v63, v0  }
0x72: {  	[tilespmem:s21+$0x11480] =	vst v0  }
0x73: {  	[hbm4b:s9+s3] =	stream.linear.scatter [tilespmem:s18], [sflag:$0x1], $0x2710, $0x38;
	[tilespmem:$0x13C00] =	vst v63  }
0x74: {  	s20 =	sadd.s32 $0x1, s20;
	_ =	swait.ge [sflag:s12], $0x2710  }
0x75: {  	p0 =	sne.s32 s20, s11;
	[sflag:s12] =	ssyncset.done $0x0  }
.Ltmp1:
0x76: {  	[sflag:s12] =	ssyncadd.s32 $0xFFFFD8F0;
	(pc) =	sbr.rel @p0 .LBB2_1-.Ltmp1, $4  }
0x77: {  	[hbm4b:s10+s3] =	stream.linear.scatter [tilespmem:s19], [sflag:$0x1], $0x2710, $0x38;
	[tilespmem:$0x13C00] =	vst v63  }
0x78: {  	_ =	swait.ge [sflag:s12], $0x2710  }
0x79: {  	[sflag:s12] =	ssyncset.done $0x0  }
0x7a: {  	[sflag:s12] =	ssyncadd.s32 $0xFFFFD8F0  }
0x7b: {  	_ =	sfence.sel $0x180000  }
0x7c: {  	[bflag:$0x0] =	sbarrier.arrive $0xFFFF  }
0x7d: {  	p0 =	sne.s32 s2, $0x0;
	_ =	strace $0x90000047  }
0x7e: {  	s0 =	sadd.s32 @!p0 $0x100000, s0;
	[bflag:$0x2] =	sbarrier.arrive $0xFFFF  }
0x7f: {  	[sflag:s0] =	ssyncadd.tile.s32 @!p0 $0x1;
	_ =	shalt  }
.Lfunc_end2:
_tile_overlayer_lowered:
.L_overlay_start_2:
0x80: {  	(tag) =	ssettag $0x2  }
0x81: {  	s0 =	rddreg [dreg:$0x0];
	s2 =	stileid.u32  }
0x82: {  	s1 =	rddreg [dreg:$0x1];
	p0 =	sne.s32 s2, $0x0  }
0x83: {  	s3 =	rddreg [dreg:$0x2];
	[bflag:$0x3] =	sbarrier.arrive $0xFFFF;
	s2 =	simm.s32 @!p0 $0x1C01  }
0x84: {  	[timem:s3], [sflag:s2] =	dma.local @!p0 [hbm:s0], s1  }
0x85: {  	s0 =	simm.s32 @!p0 $0x1  }
0x86: {  	_ =	swait.ge @!p0 [sflag:s0], s1  }
0x87: {  	s1 =	ssub.s32 @!p0 $0x0, s1;
	[sflag:s0] =	ssyncset.done @!p0 $0x0  }
0x88: {  	[sflag:s0] =	ssyncadd.s32 @!p0 s1  }
0x89: {  	[bflag:$0x3] =	sbarrier.arrive $0xFFFF  }
0x8a: {  	_ =	shalt  }

// kernel: kernel.23.cloned.1.call-start
scs
__scs_entry_jumppad:
0x0: {  	(pc) =	sbr.rel $0x88, $3  }
0x1: {  	(tag) =	ssettag $0x0;
	lr =	simm.s32 $0x1  }
0x2: {  	[smem:$0x3F60] =	sst lr;
	_ =	strace $0xD0000000  }
0x3: {  	_ = 	snop  }
0x4: {  	_ = 	snop  }
0x5: {  	_ = 	snop  }
0x6: {  	_ = 	snop  }
0x7: {  	_ = 	snop  }
__scs_overlays_trampoline_lowered:
0x8: {  	[smem:$0x3F6F] =	sst s0  }
0x9: {  	[smem:$0x3F70] =	sst s1  }
0xa: {  	[smem:$0x3F71] =	sst s2  }
0xb: {  	[smem:$0x3F72] =	sst s3  }
0xc: {  	[smem:$0x3F73] =	sst s4  }
0xd: {  	[smem:$0x3F74] =	sst s5  }
0xe: {  	[smem:$0x3F75] =	sst s6  }
0xf: {  	[smem:$0x3F76] =	sst s7  }
0x10: {  	[smem:$0x3F77] =	sst s8  }
0x11: {  	[smem:$0x3F78] =	sst s9;
	s0 =	simm.s32 @!p0 $0x0  }
0x12: {  	s1 =	sld [smem:$0x3F5E];
	s0 =	simm.s32 @p0 $0x1  }
0x13: {  	[smem:$0x3F79] =	sst s0;
	s0 =	simm.s32 @!p1 $0x0  }
0x14: {  	s2 =	sld [smem:$0x3F5D];
	s0 =	simm.s32 @p1 $0x1  }
0x15: {  	[smem:$0x3F7A] =	sst s0;
	s0 =	simm.s32 @!p2 $0x0  }
0x16: {  	s3 =	sld [smem:$0x3FDB];
	s0 =	simm.s32 @p2 $0x1  }
0x17: {  	s4 =	simm.s32 $0x1BF5;
	[smem:$0x3F7C] =	sst s0  }
0x18: {  	s0 =	sld [smem:$0x3F5F];
	_ =	swait.ge [sflag:s4], $0x0  }
0x19: {  	s7 =	sld [smem:$0x3F60]  }
0x1a: {  	s8 =	sadd.s32 $0xFFFFE003, lr  }
0x1b: {  	s9 =	sadd.s32 $0xFFFFFEF7, lr;
	s5 =	simm.s32 $0xFFFFFFFF;
	p2 =	slt.u32 s8, $0xFFFFF086  }
0x1c: {  	p1 =	slt.u32 s9, $0xF7A;
	s5 =	simm.s32 @!p2 $0x0  }
0x1d: {  	s5 =	simm.s32 @p1 $0x1;
	p0 =	seq.s32 s7, s2  }
0x1e: {  	s7 =	smul.u32 @!p0 $0xF7A, s2;
	p2 =	seq.s32 @!p0 s5, $0x0  }
0x1f: {  	s9 =	smul.u32 $0xF7A, s1;
	s8 =	simm.s32 @!p0 $0x1BF5;
	p2 =	por !p2, p0  }
0x20: {  	[sflag:s8] =	ssyncset.s32 @!p0 $0xFFFFF086;
	s6 =	sadd.s32 @!p0 s3, s7;
	s7 =	simm.s32 @!p0 $0x108  }
0x21: {  	s3 =	sadd.s32 s3, s9;
	s6 =	sadd.s32 @!p0 $0x88, s6;
	s7 =	simm.s32 @p2 $0x1082  }
0x22: {  	[simem:s7], [sflag:s8] =	dma.local @!p0 [hbm:s6], $0xF7A  }
0x23: {  	s9 =	sor.u32 $0xD0000000, s2;
	s6 =	simm.s32 $0x108;
	_ =	swait.ge @!p0 [sflag:s8], $0x0  }
0x24: {  	s3 =	sadd.s32 $0x88, s3;
	s6 =	simm.s32 @!p1 $0x1082;
	[sflag:s4] =	ssyncset.s32 $0xFFFFF086  }
0x25: {  	[simem:s6], [sflag:s4] =	dma.local [hbm:s3], $0xF7A  }
0x26: {  	[smem:$0x3F60] =	sst s1;
	(tag) =	ssettag s2;
	_ =	strace s9  }
0x27: {  	s1 =	sld [smem:$0x3F70]  }
0x28: {  	s2 =	sld [smem:$0x3F71]  }
0x29: {  	s4 =	sld [smem:$0x3F73]  }
0x2a: {  	p0 =	seq.s32 s5, $0x0;
	s5 =	sld [smem:$0x3F74]  }
0x2b: {  	s6 =	sld [smem:$0x3F75]  }
0x2c: {  	s7 =	sld [smem:$0x3F76]  }
0x2d: {  	s3 =	simm.s32 $0x108;
	s8 =	sld [smem:$0x3F77]  }
0x2e: {  	s3 =	simm.s32 @!p0 $0x1082;
	s9 =	sld [smem:$0x3F78]  }
0x2f: {  	lr =	sadd.s32 s0, s3;
	s0 =	sld [smem:$0x3F6F]  }
0x30: {  	s3 =	sld [smem:$0x3F72]  }
0x31: {  	[smem:$0x3F7B] =	sst s10  }
0x32: {  	s10 =	sld [smem:$0x3F79];
	_ =	sdelay $0x3  }
0x33: {  	p0 =	seq.s32 s10, $0x1;
	s10 =	sld [smem:$0x3F7B];
	_ =	sdelay $0x3  }
0x34: {  	[smem:$0x3F7B] =	sst s10  }
0x35: {  	s10 =	sld [smem:$0x3F7A];
	_ =	sdelay $0x3  }
0x36: {  	p1 =	seq.s32 s10, $0x1;
	s10 =	sld [smem:$0x3F7B];
	_ =	sdelay $0x3  }
0x37: {  	[smem:$0x3F7B] =	sst s10  }
0x38: {  	s10 =	sld [smem:$0x3F7C]  }
0x39: {  	_ = 	snop;
	(pc) =	sbr.ind lr, $3  }
0x3a: {  	_ = 	snop  }
0x3b: {  	_ = 	snop  }
0x3c: {  	p2 =	seq.s32 s10, $0x1;
	s10 =	sld [smem:$0x3F7B]  }
0x3d: {  	_ =	shalt  }
0x3e: {  	_ =	shalt  }
0x3f: {  	_ =	shalt  }
0x40: {  	_ =	shalt  }
0x41: {  	_ =	shalt  }
0x42: {  	_ =	shalt  }
0x43: {  	_ =	shalt  }
0x44: {  	_ =	shalt  }
0x45: {  	_ =	shalt  }
0x46: {  	_ =	shalt  }
0x47: {  	_ =	shalt  }
0x48: {  	_ =	shalt  }
0x49: {  	_ =	shalt  }
0x4a: {  	_ =	shalt  }
0x4b: {  	_ =	shalt  }
0x4c: {  	_ =	shalt  }
0x4d: {  	_ =	shalt  }
0x4e: {  	_ =	shalt  }
0x4f: {  	_ =	shalt  }
0x50: {  	_ =	shalt  }
0x51: {  	_ =	shalt  }
0x52: {  	_ =	shalt  }
0x53: {  	_ =	shalt  }
0x54: {  	_ =	shalt  }
0x55: {  	_ =	shalt  }
0x56: {  	_ =	shalt  }
0x57: {  	_ =	shalt  }
0x58: {  	_ =	shalt  }
0x59: {  	_ =	shalt  }
0x5a: {  	_ =	shalt  }
0x5b: {  	_ =	shalt  }
0x5c: {  	_ =	shalt  }
0x5d: {  	_ =	shalt  }
0x5e: {  	_ =	shalt  }
0x5f: {  	_ =	shalt  }
0x60: {  	_ =	shalt  }
0x61: {  	_ =	shalt  }
0x62: {  	_ =	shalt  }
0x63: {  	_ =	shalt  }
0x64: {  	_ =	shalt  }
0x65: {  	_ =	shalt  }
0x66: {  	_ =	shalt  }
0x67: {  	_ =	shalt  }
0x68: {  	_ =	shalt  }
0x69: {  	_ =	shalt  }
0x6a: {  	_ =	shalt  }
0x6b: {  	_ =	shalt  }
0x6c: {  	_ =	shalt  }
0x6d: {  	_ =	shalt  }
0x6e: {  	_ =	shalt  }
0x6f: {  	_ =	shalt  }
0x70: {  	_ =	shalt  }
0x71: {  	_ =	shalt  }
0x72: {  	_ =	shalt  }
0x73: {  	_ =	shalt  }
0x74: {  	_ =	shalt  }
0x75: {  	_ =	shalt  }
0x76: {  	_ =	shalt  }
0x77: {  	_ =	shalt  }
0x78: {  	_ =	shalt  }
0x79: {  	_ =	shalt  }
0x7a: {  	_ =	shalt  }
0x7b: {  	_ =	shalt  }
0x7c: {  	_ =	shalt  }
0x7d: {  	_ =	shalt  }
0x7e: {  	_ =	shalt  }
0x7f: {  	_ =	shalt  }
0x80: {  	_ =	shalt  }
0x81: {  	_ =	shalt  }
0x82: {  	_ =	shalt  }
0x83: {  	_ =	shalt  }
0x84: {  	_ =	shalt  }
0x85: {  	_ =	shalt  }
0x86: {  	_ =	shalt  }
0x87: {  	_ =	shalt  }
.Lfunc_end0:
.L_simem_size_0:
called_computation.1_lowered:
.L_overlay_start_0:
0x88: {  	s2 =	sld [smem:$0x3FD9]  }
0x89: {  	s3 =	sld [smem:$0x3FFE];
	_ =	sdelay $0x1  }
0x8a: {  	s1 =	srdreg.scid  }
0x8b: {  	s0 =	sand.u32 $0x1, s1  }
0x8c: {  	s16 =	sshll.u32 s0, $0xA;
	s2 =	sadd.s32 s3, s2  }
0x8d: {  	s2 =	sadd.s32 s2, s16  }
0x8e: {  	[smem:$0x3F87] =	sst s2  }
0x8f: {  	_ = 	snop  }
0x90: {  	(tm) =	ssettm $0x1  }
0x91: {  	s17 =	sld [smem:$0x3FFB];
	_ =	sdelay $0x3  }
0x92: {  	_ =	strace s17  }
0x93: {  	s2 =	sld [smem:$0x3FFC];
	_ =	sdelay $0x3  }
0x94: {  	_ =	strace s2  }
0x95: {  	s2 =	sld [smem:$0x3FFD];
	_ =	sdelay $0x3  }
0x96: {  	_ =	strace s2  }
0x97: {  	_ =	strace $0x8FFFFFFF  }
0x98: {  	s18 =	sld [smem:$0x3FDB];
	_ =	sdelay $0x1  }
0x99: {  	s19 =	simm.s32 $_scs_section_size  }
0x9a: {  	s4 =	simm.s32 $_size__tile_overlayer_lowered;
	s5 =	simm.s32 $_tile_overlayer_lowered  }
0x9b: {  	s22 =	simm.s32 $0x1BFF;
	s21 =	sshll.u32 s5, $0x1;
	s2 =	sadd.s32 s19, s18  }
0x9c: {  	s6 =	simm.s32 $0x0;
	s20 =	sshll.u32 s4, $0x1;
	s4 =	sadd.s32 s21, s2  }
0x9d: {  	[timem:s6], [sflag:s22] =	dma.local [hbm:s4], s20  }
0x9e: {  	_ =	swait.ge [sflag:s22], s20  }
0x9f: {  	s3 =	ssub.s32 $0x0, s20;
	[sflag:s22] =	ssyncset.done $0x0  }
0xa0: {  	[sflag:s22] =	ssyncadd.s32 s3;
	_ =	sdelay $0x1  }
0xa1: {  	s23 =	simm.s32 $0x1B8B  }
0xa2: {  	_ =	swait.ge [sflag:s23], $0x1  }
0xa3: {  	[sflag:s23] =	ssyncset.done $0x0  }
0xa4: {  	s25 =	simm.s32 $0x1B8E;
	s24 =	sld [smem:$0x3FFE];
	[sflag:s23] =	ssyncadd.s32 $0xFFFFFFFF  }
0xa5: {  	s26 =	simm.s32 $execute0_lowered;
	[smem:$0x3FD2] =	sst s25  }
0xa6: {  	s4 =	sshll.u32 s26, $0x1;
	_ =	strace $0x80000049;
	[dreg:$0x1] =	wrdreg $0xFFFFFFFF  }
0xa7: {  	s28 =	simm.s32 $_size_execute0_lowered;
	s2 =	sadd.s32 s2, s4;
	[dreg:$0x0] =	wrdreg $0x0  }
0xa8: {  	s4 =	sshll.u32 s28, $0x1;
	[dreg:$0x2] =	wrdreg s2  }
0xa9: {  	[dreg:$0x3] =	wrdreg s4  }
0xaa: {  	[dreg:$0x4] =	wrdreg $0xC0  }
0xab: {  	_ =	task [dreg:s6], $0x5FFFF  }
0xac: {  	[dreg:$0x1] =	wrdreg $0xFFFFFFFF  }
0xad: {  	[dreg:$0x0] =	wrdreg $0x60  }
0xae: {  	[dreg:$0x2] =	wrdreg s24  }
0xaf: {  	[dreg:$0x3] =	wrdreg $0x9  }
0xb0: {  	_ =	task.clear_ibuf [dreg:s6], $0x4FFFF;
	_ =	strace $0x90000049  }
0xb1: {  	s29 =	simm.s32 $0x9;
	_ =	strace $0x8000004B  }
0xb2: {  	_ =	swait.ge [sflag:s29], $0x1  }
0xb3: {  	[sflag:s29] =	ssyncadd.s32 $0xFFFFFFFF  }
0xb4: {  	_ =	strace $0x9000004B  }
0xb5: {  	_ =	sfence  }
0xb6: {  	s30 =	sld [smem:$0x0];
	_ =	sdelay $0x2  }
0xb7: {  	s31 =	sshll.u32 s1, $0xD;
	s1 =	sshrl.u32 s1, $0x2  }
0xb8: {  	s3 =	sand.u32 $0x4000, s31;
	s1 =	sadd.s32 s1, s30  }
0xb9: {  	s0 =	sor.u32 s3, s0;
	s1 =	sshll.u32 s1, $0x11  }
0xba: {  	s0 =	sor.u32 s1, s0  }
0xbb: {  	s0 =	sadd.s32 $0x8F2B, s0  }
0xbc: {  	[sflag:s0] =	ssyncadd.remote.s32 $0x1  }
0xbd: {  	_ =	sfence.sel $0xFFFF  }
0xbe: {  	[dreg:$0x0] =	wrdreg $0xFFFFFFFF;
	(pc) =	sbr.abs _section_cstart, $3  }
0xbf: {  	[dreg:$0x1] =	wrdreg $0xFFFFFFFF  }
0xc0: {  	_ =	task.clear_ibuf [dreg:s6], $0x2FFFF;
	_ =	strace $0x9FFFFFFF  }
0xc1: {  	(tm) =	ssettm $0x7FFFFFFF  }
tec
execute0_lowered:
.L_overlay_start_1:
0x0: {  	(tag) =	ssettag $0x1  }
0x1: {  	s0 =	srdreg.scid;
	s4 =	rddreg [dreg:$0x0]  }
0x2: {  	s1 =	stileid.u32;
	s2 =	simm.s32 $0x0;
	s10 =	simm.s32 $0x3  }
0x3: {  	s11 =	simm.s32 $0x80;
	s12 =	simm.s32 $0x50;
	s13 =	simm.s32 $0x100  }
0x4: {  	s14 =	simm.s32 $0x2900;
	s15 =	simm.s32 $0x1;
	s6 =	smul.u32 $0x2710, s1  }
0x5: {  	s16 =	simm.s32 $0x2;
	s3 =	sand.u32 $0x1, s0;
	s8 =	smul.u32 $0x27100, s1  }
0x6: {  	s17 =	simm.s32 $0x0;
	[smem:$0x7FF] =	sst s2;
	s5 =	smul.u32 $0x27100, s3  }
0x7: {  	s0 =	rddreg [dreg:$0x1];
	_ =	strace $0x8000004A;
	s29 =	smul.u32 $0x271000, s3  }
0x8: {  	s7 =	ssub.s32 $0x2, s3;
	s3 =	sadd.s32 $0xAD600, s4;
	s5 =	sadd.s32 s6, s5  }
0x9: {  	s30 =	sshrl.u32 s7, $0x1;
	s6 =	sadd.s32 s29, s4;
	s5 =	sshrl.u32 s5, $0x3  }
0xa: {  	s31 =	sadd.s32 s8, s6;
	s9 =	sadd.s32 s5, s4;
	s5 =	ssub.s32 s7, s30  }
0xb: {  	s4 =	sadd.s32 $0x86400, s4;
	s6 =	sadd.s32 $0xFBA00, s31;
	s7 =	sadd.s32 $0x5DDA00, s31  }
0xc: {  	s5 =	smax.u32 s5, $0x1;
	s8 =	sadd.s32 $0xD600, s9;
	s9 =	sadd.s32 $0x2C200, s9  }
.LBB2_1:
0xd: {  	s18 =	sadd.s32 $0x0, s9  }
0xe: {  	[tilespmem:s2], [sflag:$0x3] =	stream.linear.gather [hbm4b:s18+s2], $0x50, $0x38;
	[tilespmem:$0x5100] =	vst v63  }
0xf: {  	_ =	swait.ge [sflag:s10], $0x50  }
0x10: {  	[sflag:s10] =	ssyncset.done $0x0  }
0x11: {  	s31 =	sadd.s32 $0x0, s8;
	[sflag:s10] =	ssyncadd.s32 $0xFFFFFFB0  }
0x12: {  	[tilespmem:s11], [sflag:$0x3] =	stream.linear.gather [hbm4b:s31+s2], $0x50, $0x38;
	[tilespmem:$0x5100] =	vst v63  }
0x13: {  	_ =	swait.ge [sflag:s10], $0x50  }
0x14: {  	[sflag:s10] =	ssyncset.done $0x0  }
0x15: {  	[sflag:s10] =	ssyncadd.s32 $0xFFFFFFB0  }
0x16: {  	[tilespmem:s13], [sflag:$0x1] =	stream.indirect.gather [hbm4b:s3+s12], $0x80, s2, s12, $0xb8;
	[tilespmem:$0x5100] =	vst v63  }
0x17: {  	_ = 	snop  }
0x18: {  	[tilespmem:s14], [sflag:$0x2] =	stream.indirect.gather [hbm4b:s4+s12], $0x80, s11, s12, $0xb8;
	[tilespmem:$0x5100] =	vst v63  }
0x19: {  	_ =	swait.ge [sflag:s15], $0x2800  }
0x1a: {  	[sflag:s15] =	ssyncset.done $0x0  }
0x1b: {  	[sflag:s15] =	ssyncadd.s32 $0xFFFFD800  }
0x1c: {  	_ =	swait.ge [sflag:s16], $0x2800  }
0x1d: {  	[sflag:s16] =	ssyncset.done $0x0  }
0x1e: {  	[sflag:s16] =	ssyncadd.s32 $0xFFFFD800  }
0x1f: {  	[hbm4b:s6+s2] =	stream.linear.scatter [tilespmem:s13], [sflag:$0x3], $0x2800, $0x38;
	[tilespmem:$0x5100] =	vst v63  }
0x20: {  	_ =	swait.ge [sflag:s10], $0x2800  }
0x21: {  	[sflag:s10] =	ssyncset.done $0x0  }
0x22: {  	[sflag:s10] =	ssyncadd.s32 $0xFFFFD800  }
0x23: {  	[hbm4b:s7+s2] =	stream.linear.scatter [tilespmem:s14], [sflag:$0x3], $0x2800, $0x38;
	[tilespmem:$0x5100] =	vst v63  }
0x24: {  	s20 =	simm.s32 $0xA;
	s21 =	simm.s32 $0x14;
	_ =	swait.ge [sflag:s10], $0x2800  }
0x25: {  	s19 =	sadd.s32 $0x500, s6;
	s18 =	sadd.s32 $0x500, s7;
	[sflag:s10] =	ssyncset.done $0x0  }
.LBB2_2:
0x26: {  	s22 =	sadd.s32 s20, s9  }
0x27: {  	[sflag:s10] =	ssyncadd.s32 $0xFFFFD800;
	s23 =	smov.u32 s21;
	s24 =	sadd.s32 $0xA, s21  }
0x28: {  	[tilespmem:s2], [sflag:$0x3] =	stream.linear.gather [hbm4b:s22+s2], $0x50, $0x38;
	[tilespmem:$0x5100] =	vst v63  }
0x29: {  	p0 =	sne.s32 s21, $0x4D8;
	_ =	swait.ge [sflag:s10], $0x50  }
0x2a: {  	[sflag:s10] =	ssyncset.done $0x0  }
0x2b: {  	s21 =	sadd.s32 s20, s8;
	s20 =	smov.u32 s23;
	[sflag:s10] =	ssyncadd.s32 $0xFFFFFFB0  }
0x2c: {  	[tilespmem:s11], [sflag:$0x3] =	stream.linear.gather [hbm4b:s21+s2], $0x50, $0x38;
	[tilespmem:$0x5100] =	vst v63  }
0x2d: {  	_ =	swait.ge [sflag:s10], $0x50  }
0x2e: {  	[sflag:s10] =	ssyncset.done $0x0  }
0x2f: {  	[sflag:s10] =	ssyncadd.s32 $0xFFFFFFB0  }
0x30: {  	[tilespmem:s13], [sflag:$0x1] =	stream.indirect.gather [hbm4b:s3+s12], $0x80, s2, s12, $0xb8;
	[tilespmem:$0x5100] =	vst v63  }
0x31: {  	_ = 	snop  }
0x32: {  	[tilespmem:s14], [sflag:$0x2] =	stream.indirect.gather [hbm4b:s4+s12], $0x80, s11, s12, $0xb8;
	[tilespmem:$0x5100] =	vst v63  }
0x33: {  	_ =	swait.ge [sflag:s15], $0x2800  }
0x34: {  	[sflag:s15] =	ssyncset.done $0x0  }
0x35: {  	[sflag:s15] =	ssyncadd.s32 $0xFFFFD800  }
0x36: {  	_ =	swait.ge [sflag:s16], $0x2800  }
0x37: {  	[sflag:s16] =	ssyncset.done $0x0  }
0x38: {  	[sflag:s16] =	ssyncadd.s32 $0xFFFFD800  }
0x39: {  	[hbm4b:s19+s2] =	stream.linear.scatter [tilespmem:s13], [sflag:$0x3], $0x2800, $0x38;
	[tilespmem:$0x5100] =	vst v63  }
0x3a: {  	_ =	swait.ge [sflag:s10], $0x2800  }
.Ltmp0:
0x3b: {  	[sflag:s10] =	ssyncset.done $0x0;
	(pc) =	sbr.rel @p0 .LBB2_2-.Ltmp0, $4  }
0x3c: {  	[sflag:s10] =	ssyncadd.s32 $0xFFFFD800  }
0x3d: {  	[hbm4b:s18+s2] =	stream.linear.scatter [tilespmem:s14], [sflag:$0x3], $0x2800, $0x38;
	[tilespmem:$0x5100] =	vst v63  }
0x3e: {  	s21 =	smov.u32 s24;
	_ =	swait.ge [sflag:s10], $0x2800  }
0x3f: {  	s19 =	sadd.s32 $0x500, s19;
	s18 =	sadd.s32 $0x500, s18;
	[sflag:s10] =	ssyncset.done $0x0  }
0x40: {  	s21 =	sadd.s32 s20, s9;
	[sflag:s10] =	ssyncadd.s32 $0xFFFFD800  }
0x41: {  	[tilespmem:s2], [sflag:$0x3] =	stream.linear.gather [hbm4b:s21+s2], $0x50, $0x38;
	[tilespmem:$0x5100] =	vst v63  }
0x42: {  	_ =	swait.ge [sflag:s10], $0x50  }
0x43: {  	[sflag:s10] =	ssyncset.done $0x0  }
0x44: {  	s31 =	sadd.s32 s20, s8;
	[sflag:s10] =	ssyncadd.s32 $0xFFFFFFB0  }
0x45: {  	[tilespmem:s11], [sflag:$0x3] =	stream.linear.gather [hbm4b:s31+s2], $0x50, $0x38;
	[tilespmem:$0x5100] =	vst v63  }
0x46: {  	_ =	swait.ge [sflag:s10], $0x50  }
0x47: {  	[sflag:s10] =	ssyncset.done $0x0  }
0x48: {  	[sflag:s10] =	ssyncadd.s32 $0xFFFFFFB0  }
0x49: {  	[tilespmem:s13], [sflag:$0x1] =	stream.indirect.gather [hbm4b:s3+s12], $0x80, s2, s12, $0xb8;
	[tilespmem:$0x5100] =	vst v63  }
0x4a: {  	_ = 	snop  }
0x4b: {  	[tilespmem:s14], [sflag:$0x2] =	stream.indirect.gather [hbm4b:s4+s12], $0x80, s11, s12, $0xb8;
	[tilespmem:$0x5100] =	vst v63  }
0x4c: {  	_ =	swait.ge [sflag:s15], $0x2800  }
0x4d: {  	[sflag:s15] =	ssyncset.done $0x0  }
0x4e: {  	[sflag:s15] =	ssyncadd.s32 $0xFFFFD800  }
0x4f: {  	_ =	swait.ge [sflag:s16], $0x2800  }
0x50: {  	[sflag:s16] =	ssyncset.done $0x0  }
0x51: {  	[sflag:s16] =	ssyncadd.s32 $0xFFFFD800  }
0x52: {  	[hbm4b:s19+s2] =	stream.linear.scatter [tilespmem:s13], [sflag:$0x3], $0x2800, $0x38;
	[tilespmem:$0x5100] =	vst v63  }
0x53: {  	s17 =	sadd.s32 $0x1, s17;
	_ =	swait.ge [sflag:s10], $0x2800  }
0x54: {  	p0 =	sne.s32 s17, s5;
	[sflag:s10] =	ssyncset.done $0x0  }
.Ltmp1:
0x55: {  	[sflag:s10] =	ssyncadd.s32 $0xFFFFD800;
	(pc) =	sbr.rel @p0 .LBB2_1-.Ltmp1, $4  }
0x56: {  	[hbm4b:s18+s2] =	stream.linear.scatter [tilespmem:s14], [sflag:$0x3], $0x2800, $0x38;
	[tilespmem:$0x5100] =	vst v63  }
0x57: {  	_ =	swait.ge [sflag:s10], $0x2800  }
0x58: {  	[sflag:s10] =	ssyncset.done $0x0  }
0x59: {  	[sflag:s10] =	ssyncadd.s32 $0xFFFFD800  }
0x5a: {  	_ =	sfence.sel $0x180000  }
0x5b: {  	[bflag:$0x0] =	sbarrier.arrive $0xFFFF  }
0x5c: {  	p0 =	sne.s32 s1, $0x0;
	_ =	strace $0x9000004A  }
0x5d: {  	s0 =	sadd.s32 @!p0 $0x100000, s0;
	[bflag:$0x2] =	sbarrier.arrive $0xFFFF  }
0x5e: {  	[sflag:s0] =	ssyncadd.tile.s32 @!p0 $0x1;
	_ =	shalt  }
.Lfunc_end2:
_tile_overlayer_lowered:
.L_overlay_start_2:
0x5f: {  	(tag) =	ssettag $0x2  }
0x60: {  	s0 =	rddreg [dreg:$0x0];
	s2 =	stileid.u32  }
0x61: {  	s1 =	rddreg [dreg:$0x1];
	p0 =	sne.s32 s2, $0x0  }
0x62: {  	s3 =	rddreg [dreg:$0x2];
	[bflag:$0x3] =	sbarrier.arrive $0xFFFF;
	s2 =	simm.s32 @!p0 $0x1C03  }
0x63: {  	[timem:s3], [sflag:s2] =	dma.local @!p0 [hbm:s0], s1  }
0x64: {  	s0 =	simm.s32 @!p0 $0x3  }
0x65: {  	_ =	swait.ge @!p0 [sflag:s0], s1  }
0x66: {  	s1 =	ssub.s32 @!p0 $0x0, s1;
	[sflag:s0] =	ssyncset.done @!p0 $0x0  }
0x67: {  	[sflag:s0] =	ssyncadd.s32 @!p0 s1  }
0x68: {  	[bflag:$0x3] =	sbarrier.arrive $0xFFFF  }
0x69: {  	_ =	shalt  }

// kernel: kernel.26.cloned.1.call-start
scs
__scs_entry_jumppad:
0x0: {  	(pc) =	sbr.rel $0x88, $3  }
0x1: {  	(tag) =	ssettag $0x0;
	lr =	simm.s32 $0x1  }
0x2: {  	[smem:$0x3F60] =	sst lr;
	_ =	strace $0xD0000000  }
0x3: {  	_ = 	snop  }
0x4: {  	_ = 	snop  }
0x5: {  	_ = 	snop  }
0x6: {  	_ = 	snop  }
0x7: {  	_ = 	snop  }
__scs_overlays_trampoline_lowered:
0x8: {  	[smem:$0x3F6F] =	sst s0  }
0x9: {  	[smem:$0x3F70] =	sst s1  }
0xa: {  	[smem:$0x3F71] =	sst s2  }
0xb: {  	[smem:$0x3F72] =	sst s3  }
0xc: {  	[smem:$0x3F73] =	sst s4  }
0xd: {  	[smem:$0x3F74] =	sst s5  }
0xe: {  	[smem:$0x3F75] =	sst s6  }
0xf: {  	[smem:$0x3F76] =	sst s7  }
0x10: {  	[smem:$0x3F77] =	sst s8  }
0x11: {  	[smem:$0x3F78] =	sst s9;
	s0 =	simm.s32 @!p0 $0x0  }
0x12: {  	s1 =	sld [smem:$0x3F5E];
	s0 =	simm.s32 @p0 $0x1  }
0x13: {  	[smem:$0x3F79] =	sst s0;
	s0 =	simm.s32 @!p1 $0x0  }
0x14: {  	s2 =	sld [smem:$0x3F5D];
	s0 =	simm.s32 @p1 $0x1  }
0x15: {  	[smem:$0x3F7A] =	sst s0;
	s0 =	simm.s32 @!p2 $0x0  }
0x16: {  	s3 =	sld [smem:$0x3FDB];
	s0 =	simm.s32 @p2 $0x1  }
0x17: {  	s4 =	simm.s32 $0x1BF5;
	[smem:$0x3F7C] =	sst s0  }
0x18: {  	s0 =	sld [smem:$0x3F5F];
	_ =	swait.ge [sflag:s4], $0x0  }
0x19: {  	s7 =	sld [smem:$0x3F60]  }
0x1a: {  	s8 =	sadd.s32 $0xFFFFE003, lr  }
0x1b: {  	s9 =	sadd.s32 $0xFFFFFEF7, lr;
	s5 =	simm.s32 $0xFFFFFFFF;
	p2 =	slt.u32 s8, $0xFFFFF086  }
0x1c: {  	p1 =	slt.u32 s9, $0xF7A;
	s5 =	simm.s32 @!p2 $0x0  }
0x1d: {  	s5 =	simm.s32 @p1 $0x1;
	p0 =	seq.s32 s7, s2  }
0x1e: {  	s7 =	smul.u32 @!p0 $0xF7A, s2;
	p2 =	seq.s32 @!p0 s5, $0x0  }
0x1f: {  	s9 =	smul.u32 $0xF7A, s1;
	s8 =	simm.s32 @!p0 $0x1BF5;
	p2 =	por !p2, p0  }
0x20: {  	[sflag:s8] =	ssyncset.s32 @!p0 $0xFFFFF086;
	s6 =	sadd.s32 @!p0 s3, s7;
	s7 =	simm.s32 @!p0 $0x108  }
0x21: {  	s3 =	sadd.s32 s3, s9;
	s6 =	sadd.s32 @!p0 $0x88, s6;
	s7 =	simm.s32 @p2 $0x1082  }
0x22: {  	[simem:s7], [sflag:s8] =	dma.local @!p0 [hbm:s6], $0xF7A  }
0x23: {  	s9 =	sor.u32 $0xD0000000, s2;
	s6 =	simm.s32 $0x108;
	_ =	swait.ge @!p0 [sflag:s8], $0x0  }
0x24: {  	s3 =	sadd.s32 $0x88, s3;
	s6 =	simm.s32 @!p1 $0x1082;
	[sflag:s4] =	ssyncset.s32 $0xFFFFF086  }
0x25: {  	[simem:s6], [sflag:s4] =	dma.local [hbm:s3], $0xF7A  }
0x26: {  	[smem:$0x3F60] =	sst s1;
	(tag) =	ssettag s2;
	_ =	strace s9  }
0x27: {  	s1 =	sld [smem:$0x3F70]  }
0x28: {  	s2 =	sld [smem:$0x3F71]  }
0x29: {  	s4 =	sld [smem:$0x3F73]  }
0x2a: {  	p0 =	seq.s32 s5, $0x0;
	s5 =	sld [smem:$0x3F74]  }
0x2b: {  	s6 =	sld [smem:$0x3F75]  }
0x2c: {  	s7 =	sld [smem:$0x3F76]  }
0x2d: {  	s3 =	simm.s32 $0x108;
	s8 =	sld [smem:$0x3F77]  }
0x2e: {  	s3 =	simm.s32 @!p0 $0x1082;
	s9 =	sld [smem:$0x3F78]  }
0x2f: {  	lr =	sadd.s32 s0, s3;
	s0 =	sld [smem:$0x3F6F]  }
0x30: {  	s3 =	sld [smem:$0x3F72]  }
0x31: {  	[smem:$0x3F7B] =	sst s10  }
0x32: {  	s10 =	sld [smem:$0x3F79];
	_ =	sdelay $0x3  }
0x33: {  	p0 =	seq.s32 s10, $0x1;
	s10 =	sld [smem:$0x3F7B];
	_ =	sdelay $0x3  }
0x34: {  	[smem:$0x3F7B] =	sst s10  }
0x35: {  	s10 =	sld [smem:$0x3F7A];
	_ =	sdelay $0x3  }
0x36: {  	p1 =	seq.s32 s10, $0x1;
	s10 =	sld [smem:$0x3F7B];
	_ =	sdelay $0x3  }
0x37: {  	[smem:$0x3F7B] =	sst s10  }
0x38: {  	s10 =	sld [smem:$0x3F7C]  }
0x39: {  	_ = 	snop;
	(pc) =	sbr.ind lr, $3  }
0x3a: {  	_ = 	snop  }
0x3b: {  	_ = 	snop  }
0x3c: {  	p2 =	seq.s32 s10, $0x1;
	s10 =	sld [smem:$0x3F7B]  }
0x3d: {  	_ =	shalt  }
0x3e: {  	_ =	shalt  }
0x3f: {  	_ =	shalt  }
0x40: {  	_ =	shalt  }
0x41: {  	_ =	shalt  }
0x42: {  	_ =	shalt  }
0x43: {  	_ =	shalt  }
0x44: {  	_ =	shalt  }
0x45: {  	_ =	shalt  }
0x46: {  	_ =	shalt  }
0x47: {  	_ =	shalt  }
0x48: {  	_ =	shalt  }
0x49: {  	_ =	shalt  }
0x4a: {  	_ =	shalt  }
0x4b: {  	_ =	shalt  }
0x4c: {  	_ =	shalt  }
0x4d: {  	_ =	shalt  }
0x4e: {  	_ =	shalt  }
0x4f: {  	_ =	shalt  }
0x50: {  	_ =	shalt  }
0x51: {  	_ =	shalt  }
0x52: {  	_ =	shalt  }
0x53: {  	_ =	shalt  }
0x54: {  	_ =	shalt  }
0x55: {  	_ =	shalt  }
0x56: {  	_ =	shalt  }
0x57: {  	_ =	shalt  }
0x58: {  	_ =	shalt  }
0x59: {  	_ =	shalt  }
0x5a: {  	_ =	shalt  }
0x5b: {  	_ =	shalt  }
0x5c: {  	_ =	shalt  }
0x5d: {  	_ =	shalt  }
0x5e: {  	_ =	shalt  }
0x5f: {  	_ =	shalt  }
0x60: {  	_ =	shalt  }
0x61: {  	_ =	shalt  }
0x62: {  	_ =	shalt  }
0x63: {  	_ =	shalt  }
0x64: {  	_ =	shalt  }
0x65: {  	_ =	shalt  }
0x66: {  	_ =	shalt  }
0x67: {  	_ =	shalt  }
0x68: {  	_ =	shalt  }
0x69: {  	_ =	shalt  }
0x6a: {  	_ =	shalt  }
0x6b: {  	_ =	shalt  }
0x6c: {  	_ =	shalt  }
0x6d: {  	_ =	shalt  }
0x6e: {  	_ =	shalt  }
0x6f: {  	_ =	shalt  }
0x70: {  	_ =	shalt  }
0x71: {  	_ =	shalt  }
0x72: {  	_ =	shalt  }
0x73: {  	_ =	shalt  }
0x74: {  	_ =	shalt  }
0x75: {  	_ =	shalt  }
0x76: {  	_ =	shalt  }
0x77: {  	_ =	shalt  }
0x78: {  	_ =	shalt  }
0x79: {  	_ =	shalt  }
0x7a: {  	_ =	shalt  }
0x7b: {  	_ =	shalt  }
0x7c: {  	_ =	shalt  }
0x7d: {  	_ =	shalt  }
0x7e: {  	_ =	shalt  }
0x7f: {  	_ =	shalt  }
0x80: {  	_ =	shalt  }
0x81: {  	_ =	shalt  }
0x82: {  	_ =	shalt  }
0x83: {  	_ =	shalt  }
0x84: {  	_ =	shalt  }
0x85: {  	_ =	shalt  }
0x86: {  	_ =	shalt  }
0x87: {  	_ =	shalt  }
.Lfunc_end0:
.L_simem_size_0:
called_computation.2_lowered:
.L_overlay_start_0:
0x88: {  	s2 =	sld [smem:$0x3FD9]  }
0x89: {  	s3 =	sld [smem:$0x3FFE];
	_ =	sdelay $0x1  }
0x8a: {  	s1 =	srdreg.scid  }
0x8b: {  	s0 =	sand.u32 $0x1, s1  }
0x8c: {  	s16 =	sshll.u32 s0, $0xA;
	s2 =	sadd.s32 s3, s2  }
0x8d: {  	s2 =	sadd.s32 s2, s16  }
0x8e: {  	[smem:$0x3F87] =	sst s2  }
0x8f: {  	_ = 	snop  }
0x90: {  	(tm) =	ssettm $0x1  }
0x91: {  	s17 =	sld [smem:$0x3FFB];
	_ =	sdelay $0x3  }
0x92: {  	_ =	strace s17  }
0x93: {  	s2 =	sld [smem:$0x3FFC];
	_ =	sdelay $0x3  }
0x94: {  	_ =	strace s2  }
0x95: {  	s2 =	sld [smem:$0x3FFD];
	_ =	sdelay $0x3  }
0x96: {  	_ =	strace s2  }
0x97: {  	_ =	strace $0x8FFFFFFF  }
0x98: {  	s18 =	sld [smem:$0x3FDB];
	_ =	sdelay $0x1  }
0x99: {  	s19 =	simm.s32 $_scs_section_size  }
0x9a: {  	s4 =	simm.s32 $_size__tile_overlayer_lowered;
	s5 =	simm.s32 $_tile_overlayer_lowered  }
0x9b: {  	s22 =	simm.s32 $0x1BFF;
	s21 =	sshll.u32 s5, $0x1;
	s2 =	sadd.s32 s19, s18  }
0x9c: {  	s6 =	simm.s32 $0x0;
	s20 =	sshll.u32 s4, $0x1;
	s4 =	sadd.s32 s21, s2  }
0x9d: {  	[timem:s6], [sflag:s22] =	dma.local [hbm:s4], s20  }
0x9e: {  	_ =	swait.ge [sflag:s22], s20  }
0x9f: {  	s3 =	ssub.s32 $0x0, s20;
	[sflag:s22] =	ssyncset.done $0x0  }
0xa0: {  	[sflag:s22] =	ssyncadd.s32 s3;
	_ =	sdelay $0x1  }
0xa1: {  	s23 =	simm.s32 $0x1B8B  }
0xa2: {  	_ =	swait.ge [sflag:s23], $0x1  }
0xa3: {  	[sflag:s23] =	ssyncset.done $0x0  }
0xa4: {  	s25 =	simm.s32 $0x1B8E;
	s24 =	sld [smem:$0x3FFE];
	[sflag:s23] =	ssyncadd.s32 $0xFFFFFFFF  }
0xa5: {  	s26 =	simm.s32 $execute0_lowered;
	[smem:$0x3FD2] =	sst s25  }
0xa6: {  	s4 =	sshll.u32 s26, $0x1;
	_ =	strace $0x8000004C;
	[dreg:$0x1] =	wrdreg $0xFFFFFFFF  }
0xa7: {  	s28 =	simm.s32 $_size_execute0_lowered;
	s2 =	sadd.s32 s2, s4;
	[dreg:$0x0] =	wrdreg $0x0  }
0xa8: {  	s4 =	sshll.u32 s28, $0x1;
	[dreg:$0x2] =	wrdreg s2  }
0xa9: {  	[dreg:$0x3] =	wrdreg s4  }
0xaa: {  	[dreg:$0x4] =	wrdreg $0xC0  }
0xab: {  	_ =	task [dreg:s6], $0x5FFFF  }
0xac: {  	[dreg:$0x1] =	wrdreg $0xFFFFFFFF  }
0xad: {  	[dreg:$0x0] =	wrdreg $0x60  }
0xae: {  	[dreg:$0x2] =	wrdreg s24  }
0xaf: {  	[dreg:$0x3] =	wrdreg $0x0  }
0xb0: {  	[dreg:$0x4] =	wrdreg $0x9  }
0xb1: {  	_ =	task.clear_ibuf [dreg:s6], $0x5FFFF;
	_ =	strace $0x9000004C  }
0xb2: {  	s29 =	simm.s32 $0x9;
	_ =	strace $0x8000004E  }
0xb3: {  	_ =	swait.ge [sflag:s29], $0x1  }
0xb4: {  	[sflag:s29] =	ssyncadd.s32 $0xFFFFFFFF  }
0xb5: {  	_ =	strace $0x9000004E  }
0xb6: {  	_ =	sfence  }
0xb7: {  	s30 =	sld [smem:$0x0];
	_ =	sdelay $0x2  }
0xb8: {  	s31 =	sshll.u32 s1, $0xD;
	s1 =	sshrl.u32 s1, $0x2  }
0xb9: {  	s3 =	sand.u32 $0x4000, s31;
	s1 =	sadd.s32 s1, s30  }
0xba: {  	s0 =	sor.u32 s3, s0;
	s1 =	sshll.u32 s1, $0x11  }
0xbb: {  	s0 =	sor.u32 s1, s0  }
0xbc: {  	s0 =	sadd.s32 $0x8F2B, s0  }
0xbd: {  	[sflag:s0] =	ssyncadd.remote.s32 $0x1  }
0xbe: {  	_ =	sfence.sel $0xFFFF  }
0xbf: {  	[dreg:$0x0] =	wrdreg $0xFFFFFFFF;
	(pc) =	sbr.abs _section_cstart, $3  }
0xc0: {  	[dreg:$0x1] =	wrdreg $0xFFFFFFFF  }
0xc1: {  	_ =	task.clear_ibuf [dreg:s6], $0x2FFFF;
	_ =	strace $0x9FFFFFFF  }
0xc2: {  	(tm) =	ssettm $0x7FFFFFFF  }
0xc3: {  	_ =	shalt  }
tec
execute0_lowered:
.L_overlay_start_1:
0x0: {  	(tag) =	ssettag $0x1  }
0x1: {  	s4 =	rddreg [dreg:$0x0];
	s2 =	stileid.u32  }
0x2: {  	s0 =	srdreg.scid;
	s8 =	smul.u32 $0x2710, s2  }
0x3: {  	s1 =	rddreg [dreg:$0x1];
	s26 =	smul.u32 $0x50000, s2  }
0x4: {  	s3 =	simm.s32 $0x0;
	s13 =	simm.s32 $0x123A00;
	s28 =	smul.u32 $0x2800, s2  }
0x5: {  	s14 =	simm.s32 $0x50;
	s6 =	sand.u32 $0x1, s0;
	s31 =	smul.u32 $0x27100, s2  }
0x6: {  	s15 =	simm.s32 $0x0;
	s0 =	rddreg [dreg:$0x2];
	s5 =	smul.u32 $0x271000, s6  }
0x7: {  	[smem:$0x7FF] =	sst s3;
	s30 =	sshll.u32 s2, $0x6;
	s7 =	smul.u32 $0x27100, s6  }
0x8: {  	_ =	strace $0x8000004D;
	s10 =	ssub.s32 $0x2, s6;
	p0 =	seq.s32 s6, $0x1  }
0x9: {  	s29 =	sshrl.u32 s10, $0x1;
	s13 =	simm.s32 @!p0 $0xFBA00;
	s9 =	sadd.s32 s5, s4  }
0xa: {  	s25 =	sadd.s32 s8, s7;
	s7 =	sshrl.u32 s26, $0x2;
	s8 =	sadd.s32 s28, s4  }
0xb: {  	s10 =	ssub.s32 s10, s29;
	s5 =	sshrl.u32 s25, $0x3;
	s12 =	sadd.s32 s7, s1  }
0xc: {  	s6 =	smax.u32 s10, $0x1;
	s9 =	sadd.s32 s31, s9;
	s7 =	sadd.s32 s13, s8  }
0xd: {  	s13 =	simm.s32 $0x14080;
	s11 =	sadd.s32 s5, s4;
	s4 =	sadd.s32 $0x86400, s8  }
0xe: {  	s5 =	sor.u32 $0x1C01, s30;
	s8 =	sadd.s32 $0xFA1A00, s9;
	s10 =	sshrl.u32 s12, $0x3  }
0xf: {  	s12 =	simm.s32 $0x14000;
	s9 =	sadd.s32 $0x17400, s11;
	s11 =	simm.s32 $0x1  }
.LBB2_1:
0x10: {  	[spmem:s10], [sflag:s5] =	dma.local [hbm:s4], $0x2800  }
0x11: {  	_ =	swait.ge [sflag:s11], $0x2800  }
0x12: {  	[sflag:s11] =	ssyncset.done $0x0  }
0x13: {  	[sflag:s11] =	ssyncadd.s32 $0xFFFFD800  }
0x14: {  	s16 =	sadd.s32 $0x0, s9;
	[bflag:$0x0] =	sbarrier.arrive $0xFFFF  }
0x15: {  	[tilespmem:s12], [sflag:$0x1] =	stream.linear.gather [hbm4b:s16+s3], $0x50, $0x38;
	[tilespmem:$0x16880] =	vst v63  }
0x16: {  	_ =	swait.ge [sflag:s11], $0x50  }
0x17: {  	[sflag:s11] =	ssyncset.done $0x0  }
0x18: {  	[sflag:s11] =	ssyncadd.s32 $0xFFFFFFB0  }
0x19: {  	[tilespmem:s13], [sflag:$0x1] =	stream.linear.gather [hbm4b:s8+s3], $0x2800, $0x38;
	[tilespmem:$0x16880] =	vst v63  }
0x1a: {  	_ =	swait.ge [sflag:s11], $0x2800  }
0x1b: {  	[sflag:s11] =	ssyncset.done $0x0  }
0x1c: {  	[sflag:s11] =	ssyncadd.s32 $0xFFFFD800  }
0x1d: {  	[spmem:s1] =	stream.indirect.scatter.add.f32 [tilespmem:s13], [sflag:$0x1], $0x80, s12, s14, $0xb8;
	[tilespmem:$0x16880] =	vst v63  }
0x1e: {  	s17 =	simm.s32 $0xA;
	_ =	swait.ge [sflag:s11], $0x2800  }
0x1f: {  	s18 =	simm.s32 $0x14;
	s16 =	sadd.s32 $0x500, s8;
	[sflag:s11] =	ssyncset.done $0x0  }
.LBB2_2:
0x20: {  	s19 =	sadd.s32 s17, s9  }
0x21: {  	[sflag:s11] =	ssyncadd.s32 $0xFFFFD800;
	s17 =	smov.u32 s18;
	s20 =	sadd.s32 $0xA, s18  }
0x22: {  	[tilespmem:s12], [sflag:$0x1] =	stream.linear.gather [hbm4b:s19+s3], $0x50, $0x38;
	[tilespmem:$0x16880] =	vst v63  }
0x23: {  	p0 =	sne.s32 s18, $0x4D8;
	_ =	swait.ge [sflag:s11], $0x50  }
0x24: {  	[sflag:s11] =	ssyncset.done $0x0  }
0x25: {  	[sflag:s11] =	ssyncadd.s32 $0xFFFFFFB0  }
0x26: {  	[tilespmem:s13], [sflag:$0x1] =	stream.linear.gather [hbm4b:s16+s3], $0x2800, $0x38;
	[tilespmem:$0x16880] =	vst v63  }
0x27: {  	_ =	swait.ge [sflag:s11], $0x2800  }
.Ltmp0:
0x28: {  	[sflag:s11] =	ssyncset.done $0x0;
	(pc) =	sbr.rel @p0 .LBB2_2-.Ltmp0, $4  }
0x29: {  	[sflag:s11] =	ssyncadd.s32 $0xFFFFD800  }
0x2a: {  	[spmem:s1] =	stream.indirect.scatter.add.f32 [tilespmem:s13], [sflag:$0x1], $0x80, s12, s14, $0xb8;
	[tilespmem:$0x16880] =	vst v63  }
0x2b: {  	_ =	swait.ge [sflag:s11], $0x2800  }
0x2c: {  	s18 =	smov.u32 s20;
	s16 =	sadd.s32 $0x500, s16;
	[sflag:s11] =	ssyncset.done $0x0  }
0x2d: {  	s17 =	sadd.s32 s17, s9;
	[sflag:s11] =	ssyncadd.s32 $0xFFFFD800  }
0x2e: {  	[tilespmem:s12], [sflag:$0x1] =	stream.linear.gather [hbm4b:s17+s3], $0x50, $0x38;
	[tilespmem:$0x16880] =	vst v63  }
0x2f: {  	_ =	swait.ge [sflag:s11], $0x50  }
0x30: {  	[sflag:s11] =	ssyncset.done $0x0  }
0x31: {  	[sflag:s11] =	ssyncadd.s32 $0xFFFFFFB0  }
0x32: {  	[tilespmem:s13], [sflag:$0x1] =	stream.linear.gather [hbm4b:s16+s3], $0x2800, $0x38;
	[tilespmem:$0x16880] =	vst v63  }
0x33: {  	_ =	swait.ge [sflag:s11], $0x2800  }
0x34: {  	[sflag:s11] =	ssyncset.done $0x0  }
0x35: {  	[sflag:s11] =	ssyncadd.s32 $0xFFFFD800  }
0x36: {  	[spmem:s1] =	stream.indirect.scatter.add.f32 [tilespmem:s13], [sflag:$0x1], $0x80, s12, s14, $0xb8;
	[tilespmem:$0x16880] =	vst v63  }
0x37: {  	_ =	swait.ge [sflag:s11], $0x2800  }
0x38: {  	s15 =	sadd.s32 $0x1, s15;
	[sflag:s11] =	ssyncset.done $0x0  }
0x39: {  	p0 =	sne.s32 s15, s6;
	[sflag:s11] =	ssyncadd.s32 $0xFFFFD800  }
.Ltmp1:
0x3a: {  	[bflag:$0x0] =	sbarrier.arrive $0xFFFF;
	(pc) =	sbr.rel @p0 .LBB2_1-.Ltmp1, $4  }
0x3b: {  	[hbm:s7], [sflag:s5] =	dma.local [spmem:s10], $0x2800  }
0x3c: {  	_ =	swait.ge [sflag:s11], $0x2800  }
0x3d: {  	[sflag:s11] =	ssyncset.done $0x0  }
0x3e: {  	[sflag:s11] =	ssyncadd.s32 $0xFFFFD800  }
0x3f: {  	_ =	sfence.sel $0x180000  }
0x40: {  	[bflag:$0x0] =	sbarrier.arrive $0xFFFF  }
0x41: {  	p0 =	sne.s32 s2, $0x0;
	_ =	strace $0x9000004D  }
0x42: {  	s0 =	sadd.s32 @!p0 $0x100000, s0;
	[bflag:$0x2] =	sbarrier.arrive $0xFFFF  }
0x43: {  	[sflag:s0] =	ssyncadd.tile.s32 @!p0 $0x1;
	_ =	shalt  }
.Lfunc_end2:
_tile_overlayer_lowered:
.L_overlay_start_2:
0x44: {  	(tag) =	ssettag $0x2  }
0x45: {  	s0 =	rddreg [dreg:$0x0];
	s2 =	stileid.u32  }
0x46: {  	s1 =	rddreg [dreg:$0x1];
	p0 =	sne.s32 s2, $0x0  }
0x47: {  	s3 =	rddreg [dreg:$0x2];
	[bflag:$0x3] =	sbarrier.arrive $0xFFFF;
	s2 =	simm.s32 @!p0 $0x1C01  }
0x48: {  	[timem:s3], [sflag:s2] =	dma.local @!p0 [hbm:s0], s1  }
0x49: {  	s0 =	simm.s32 @!p0 $0x1  }
0x4a: {  	_ =	swait.ge @!p0 [sflag:s0], s1  }
0x4b: {  	s1 =	ssub.s32 @!p0 $0x0, s1;
	[sflag:s0] =	ssyncset.done @!p0 $0x0  }
0x4c: {  	[sflag:s0] =	ssyncadd.s32 @!p0 s1  }
0x4d: {  	[bflag:$0x3] =	sbarrier.arrive $0xFFFF  }
0x4e: {  	_ =	shalt  }

// kernel: kernel.29.cloned.1.call-start
scs
__scs_entry_jumppad:
0x0: {  	(pc) =	sbr.rel $0x88, $3  }
0x1: {  	(tag) =	ssettag $0x0;
	lr =	simm.s32 $0x1  }
0x2: {  	[smem:$0x3F60] =	sst lr;
	_ =	strace $0xD0000000  }
0x3: {  	_ = 	snop  }
0x4: {  	_ = 	snop  }
0x5: {  	_ = 	snop  }
0x6: {  	_ = 	snop  }
0x7: {  	_ = 	snop  }
__scs_overlays_trampoline_lowered:
0x8: {  	[smem:$0x3F6F] =	sst s0  }
0x9: {  	[smem:$0x3F70] =	sst s1  }
0xa: {  	[smem:$0x3F71] =	sst s2  }
0xb: {  	[smem:$0x3F72] =	sst s3  }
0xc: {  	[smem:$0x3F73] =	sst s4  }
0xd: {  	[smem:$0x3F74] =	sst s5  }
0xe: {  	[smem:$0x3F75] =	sst s6  }
0xf: {  	[smem:$0x3F76] =	sst s7  }
0x10: {  	[smem:$0x3F77] =	sst s8  }
0x11: {  	[smem:$0x3F78] =	sst s9;
	s0 =	simm.s32 @!p0 $0x0  }
0x12: {  	s1 =	sld [smem:$0x3F5E];
	s0 =	simm.s32 @p0 $0x1  }
0x13: {  	[smem:$0x3F79] =	sst s0;
	s0 =	simm.s32 @!p1 $0x0  }
0x14: {  	s2 =	sld [smem:$0x3F5D];
	s0 =	simm.s32 @p1 $0x1  }
0x15: {  	[smem:$0x3F7A] =	sst s0;
	s0 =	simm.s32 @!p2 $0x0  }
0x16: {  	s3 =	sld [smem:$0x3FDB];
	s0 =	simm.s32 @p2 $0x1  }
0x17: {  	s4 =	simm.s32 $0x1BF5;
	[smem:$0x3F7C] =	sst s0  }
0x18: {  	s0 =	sld [smem:$0x3F5F];
	_ =	swait.ge [sflag:s4], $0x0  }
0x19: {  	s7 =	sld [smem:$0x3F60]  }
0x1a: {  	s8 =	sadd.s32 $0xFFFFE003, lr  }
0x1b: {  	s9 =	sadd.s32 $0xFFFFFEF7, lr;
	s5 =	simm.s32 $0xFFFFFFFF;
	p2 =	slt.u32 s8, $0xFFFFF086  }
0x1c: {  	p1 =	slt.u32 s9, $0xF7A;
	s5 =	simm.s32 @!p2 $0x0  }
0x1d: {  	s5 =	simm.s32 @p1 $0x1;
	p0 =	seq.s32 s7, s2  }
0x1e: {  	s7 =	smul.u32 @!p0 $0xF7A, s2;
	p2 =	seq.s32 @!p0 s5, $0x0  }
0x1f: {  	s9 =	smul.u32 $0xF7A, s1;
	s8 =	simm.s32 @!p0 $0x1BF5;
	p2 =	por !p2, p0  }
0x20: {  	[sflag:s8] =	ssyncset.s32 @!p0 $0xFFFFF086;
	s6 =	sadd.s32 @!p0 s3, s7;
	s7 =	simm.s32 @!p0 $0x108  }
0x21: {  	s3 =	sadd.s32 s3, s9;
	s6 =	sadd.s32 @!p0 $0x88, s6;
	s7 =	simm.s32 @p2 $0x1082  }
0x22: {  	[simem:s7], [sflag:s8] =	dma.local @!p0 [hbm:s6], $0xF7A  }
0x23: {  	s9 =	sor.u32 $0xD0000000, s2;
	s6 =	simm.s32 $0x108;
	_ =	swait.ge @!p0 [sflag:s8], $0x0  }
0x24: {  	s3 =	sadd.s32 $0x88, s3;
	s6 =	simm.s32 @!p1 $0x1082;
	[sflag:s4] =	ssyncset.s32 $0xFFFFF086  }
0x25: {  	[simem:s6], [sflag:s4] =	dma.local [hbm:s3], $0xF7A  }
0x26: {  	[smem:$0x3F60] =	sst s1;
	(tag) =	ssettag s2;
	_ =	strace s9  }
0x27: {  	s1 =	sld [smem:$0x3F70]  }
0x28: {  	s2 =	sld [smem:$0x3F71]  }
0x29: {  	s4 =	sld [smem:$0x3F73]  }
0x2a: {  	p0 =	seq.s32 s5, $0x0;
	s5 =	sld [smem:$0x3F74]  }
0x2b: {  	s6 =	sld [smem:$0x3F75]  }
0x2c: {  	s7 =	sld [smem:$0x3F76]  }
0x2d: {  	s3 =	simm.s32 $0x108;
	s8 =	sld [smem:$0x3F77]  }
0x2e: {  	s3 =	simm.s32 @!p0 $0x1082;
	s9 =	sld [smem:$0x3F78]  }
0x2f: {  	lr =	sadd.s32 s0, s3;
	s0 =	sld [smem:$0x3F6F]  }
0x30: {  	s3 =	sld [smem:$0x3F72]  }
0x31: {  	[smem:$0x3F7B] =	sst s10  }
0x32: {  	s10 =	sld [smem:$0x3F79];
	_ =	sdelay $0x3  }
0x33: {  	p0 =	seq.s32 s10, $0x1;
	s10 =	sld [smem:$0x3F7B];
	_ =	sdelay $0x3  }
0x34: {  	[smem:$0x3F7B] =	sst s10  }
0x35: {  	s10 =	sld [smem:$0x3F7A];
	_ =	sdelay $0x3  }
0x36: {  	p1 =	seq.s32 s10, $0x1;
	s10 =	sld [smem:$0x3F7B];
	_ =	sdelay $0x3  }
0x37: {  	[smem:$0x3F7B] =	sst s10  }
0x38: {  	s10 =	sld [smem:$0x3F7C]  }
0x39: {  	_ = 	snop;
	(pc) =	sbr.ind lr, $3  }
0x3a: {  	_ = 	snop  }
0x3b: {  	_ = 	snop  }
0x3c: {  	p2 =	seq.s32 s10, $0x1;
	s10 =	sld [smem:$0x3F7B]  }
0x3d: {  	_ =	shalt  }
0x3e: {  	_ =	shalt  }
0x3f: {  	_ =	shalt  }
0x40: {  	_ =	shalt  }
0x41: {  	_ =	shalt  }
0x42: {  	_ =	shalt  }
0x43: {  	_ =	shalt  }
0x44: {  	_ =	shalt  }
0x45: {  	_ =	shalt  }
0x46: {  	_ =	shalt  }
0x47: {  	_ =	shalt  }
0x48: {  	_ =	shalt  }
0x49: {  	_ =	shalt  }
0x4a: {  	_ =	shalt  }
0x4b: {  	_ =	shalt  }
0x4c: {  	_ =	shalt  }
0x4d: {  	_ =	shalt  }
0x4e: {  	_ =	shalt  }
0x4f: {  	_ =	shalt  }
0x50: {  	_ =	shalt  }
0x51: {  	_ =	shalt  }
0x52: {  	_ =	shalt  }
0x53: {  	_ =	shalt  }
0x54: {  	_ =	shalt  }
0x55: {  	_ =	shalt  }
0x56: {  	_ =	shalt  }
0x57: {  	_ =	shalt  }
0x58: {  	_ =	shalt  }
0x59: {  	_ =	shalt  }
0x5a: {  	_ =	shalt  }
0x5b: {  	_ =	shalt  }
0x5c: {  	_ =	shalt  }
0x5d: {  	_ =	shalt  }
0x5e: {  	_ =	shalt  }
0x5f: {  	_ =	shalt  }
0x60: {  	_ =	shalt  }
0x61: {  	_ =	shalt  }
0x62: {  	_ =	shalt  }
0x63: {  	_ =	shalt  }
0x64: {  	_ =	shalt  }
0x65: {  	_ =	shalt  }
0x66: {  	_ =	shalt  }
0x67: {  	_ =	shalt  }
0x68: {  	_ =	shalt  }
0x69: {  	_ =	shalt  }
0x6a: {  	_ =	shalt  }
0x6b: {  	_ =	shalt  }
0x6c: {  	_ =	shalt  }
0x6d: {  	_ =	shalt  }
0x6e: {  	_ =	shalt  }
0x6f: {  	_ =	shalt  }
0x70: {  	_ =	shalt  }
0x71: {  	_ =	shalt  }
0x72: {  	_ =	shalt  }
0x73: {  	_ =	shalt  }
0x74: {  	_ =	shalt  }
0x75: {  	_ =	shalt  }
0x76: {  	_ =	shalt  }
0x77: {  	_ =	shalt  }
0x78: {  	_ =	shalt  }
0x79: {  	_ =	shalt  }
0x7a: {  	_ =	shalt  }
0x7b: {  	_ =	shalt  }
0x7c: {  	_ =	shalt  }
0x7d: {  	_ =	shalt  }
0x7e: {  	_ =	shalt  }
0x7f: {  	_ =	shalt  }
0x80: {  	_ =	shalt  }
0x81: {  	_ =	shalt  }
0x82: {  	_ =	shalt  }
0x83: {  	_ =	shalt  }
0x84: {  	_ =	shalt  }
0x85: {  	_ =	shalt  }
0x86: {  	_ =	shalt  }
0x87: {  	_ =	shalt  }
.Lfunc_end0:
.L_simem_size_0:
called_computation.3_lowered:
.L_overlay_start_0:
0x88: {  	s2 =	sld [smem:$0x3FD9]  }
0x89: {  	s3 =	sld [smem:$0x3FFE];
	_ =	sdelay $0x1  }
0x8a: {  	s1 =	srdreg.scid  }
0x8b: {  	s0 =	sand.u32 $0x1, s1  }
0x8c: {  	s16 =	sshll.u32 s0, $0xA;
	s2 =	sadd.s32 s3, s2  }
0x8d: {  	s2 =	sadd.s32 s2, s16  }
0x8e: {  	[smem:$0x3F87] =	sst s2  }
0x8f: {  	_ = 	snop  }
0x90: {  	(tm) =	ssettm $0x1  }
0x91: {  	s17 =	sld [smem:$0x3FFB];
	_ =	sdelay $0x3  }
0x92: {  	_ =	strace s17  }
0x93: {  	s2 =	sld [smem:$0x3FFC];
	_ =	sdelay $0x3  }
0x94: {  	_ =	strace s2  }
0x95: {  	s2 =	sld [smem:$0x3FFD];
	_ =	sdelay $0x3  }
0x96: {  	_ =	strace s2  }
0x97: {  	_ =	strace $0x8FFFFFFF  }
0x98: {  	s18 =	sld [smem:$0x3FDB];
	_ =	sdelay $0x1  }
0x99: {  	s19 =	simm.s32 $_scs_section_size  }
0x9a: {  	s4 =	simm.s32 $_size__tile_overlayer_lowered;
	s5 =	simm.s32 $_tile_overlayer_lowered  }
0x9b: {  	s22 =	simm.s32 $0x1BFF;
	s21 =	sshll.u32 s5, $0x1;
	s2 =	sadd.s32 s19, s18  }
0x9c: {  	s6 =	simm.s32 $0x0;
	s20 =	sshll.u32 s4, $0x1;
	s4 =	sadd.s32 s21, s2  }
0x9d: {  	[timem:s6], [sflag:s22] =	dma.local [hbm:s4], s20  }
0x9e: {  	_ =	swait.ge [sflag:s22], s20  }
0x9f: {  	s3 =	ssub.s32 $0x0, s20;
	[sflag:s22] =	ssyncset.done $0x0  }
0xa0: {  	[sflag:s22] =	ssyncadd.s32 s3;
	_ =	sdelay $0x1  }
0xa1: {  	s23 =	simm.s32 $0x1B8B  }
0xa2: {  	_ =	swait.ge [sflag:s23], $0x1  }
0xa3: {  	[sflag:s23] =	ssyncset.done $0x0  }
0xa4: {  	s25 =	simm.s32 $0x1B8E;
	s24 =	sld [smem:$0x3FFE];
	[sflag:s23] =	ssyncadd.s32 $0xFFFFFFFF  }
0xa5: {  	s26 =	simm.s32 $execute0_lowered;
	[smem:$0x3FD2] =	sst s25  }
0xa6: {  	s4 =	sshll.u32 s26, $0x1;
	_ =	strace $0x8000004F;
	[dreg:$0x1] =	wrdreg $0xFFFFFFFF  }
0xa7: {  	s28 =	simm.s32 $_size_execute0_lowered;
	s2 =	sadd.s32 s2, s4;
	[dreg:$0x0] =	wrdreg $0x0  }
0xa8: {  	s4 =	sshll.u32 s28, $0x1;
	[dreg:$0x2] =	wrdreg s2  }
0xa9: {  	[dreg:$0x3] =	wrdreg s4  }
0xaa: {  	[dreg:$0x4] =	wrdreg $0xC0  }
0xab: {  	_ =	task [dreg:s6], $0x5FFFF  }
0xac: {  	[dreg:$0x1] =	wrdreg $0xFFFFFFFF  }
0xad: {  	[dreg:$0x0] =	wrdreg $0x60  }
0xae: {  	[dreg:$0x2] =	wrdreg s24  }
0xaf: {  	[dreg:$0x3] =	wrdreg $0x9  }
0xb0: {  	_ =	task.clear_ibuf [dreg:s6], $0x4FFFF;
	_ =	strace $0x9000004F  }
0xb1: {  	s29 =	simm.s32 $0x9;
	_ =	strace $0x80000051  }
0xb2: {  	_ =	swait.ge [sflag:s29], $0x1  }
0xb3: {  	[sflag:s29] =	ssyncadd.s32 $0xFFFFFFFF  }
0xb4: {  	_ =	strace $0x90000051  }
0xb5: {  	_ =	sfence  }
0xb6: {  	s30 =	sld [smem:$0x0];
	_ =	sdelay $0x2  }
0xb7: {  	s31 =	sshll.u32 s1, $0xD;
	s1 =	sshrl.u32 s1, $0x2  }
0xb8: {  	s3 =	sand.u32 $0x4000, s31;
	s1 =	sadd.s32 s1, s30  }
0xb9: {  	s0 =	sor.u32 s3, s0;
	s1 =	sshll.u32 s1, $0x11  }
0xba: {  	s0 =	sor.u32 s1, s0  }
0xbb: {  	s0 =	sadd.s32 $0x8F2B, s0  }
0xbc: {  	[sflag:s0] =	ssyncadd.remote.s32 $0x1  }
0xbd: {  	_ =	sfence.sel $0xFFFF  }
0xbe: {  	[dreg:$0x0] =	wrdreg $0xFFFFFFFF;
	(pc) =	sbr.abs _section_cstart, $3  }
0xbf: {  	[dreg:$0x1] =	wrdreg $0xFFFFFFFF  }
0xc0: {  	_ =	task.clear_ibuf [dreg:s6], $0x2FFFF;
	_ =	strace $0x9FFFFFFF  }
0xc1: {  	(tm) =	ssettm $0x7FFFFFFF  }
tec
execute0_lowered:
.L_overlay_start_1:
0x0: {  	(tag) =	ssettag $0x1  }
0x1: {  	s0 =	srdreg.scid;
	s5 =	rddreg [dreg:$0x0]  }
0x2: {  	s1 =	rddreg [dreg:$0x1];
	s2 =	simm.s32 $0x0;
	s10 =	simm.s32 $0x3  }
0x3: {  	s11 =	simm.s32 $0x80;
	s12 =	simm.s32 $0x50;
	s13 =	simm.s32 $0x100  }
0x4: {  	s14 =	simm.s32 $0x2900;
	s15 =	simm.s32 $0x1;
	s3 =	sand.u32 $0x1, s0  }
0x5: {  	s16 =	simm.s32 $0x2;
	s0 =	stileid.u32;
	s4 =	smul.u32 $0x27100, s3  }
0x6: {  	s17 =	simm.s32 $0x0;
	[smem:$0x7FF] =	sst s2;
	s6 =	smul.u32 $0x2710, s0  }
0x7: {  	s29 =	smul.u32 $0x271000, s3;
	_ =	strace $0x80000050;
	s31 =	ssub.s32 $0x2, s3  }
0x8: {  	s7 =	smul.u32 $0x27100, s0;
	s3 =	sadd.s32 $0xD4800, s5;
	s8 =	sshrl.u32 s31, $0x1  }
0x9: {  	s4 =	sadd.s32 s6, s4;
	s30 =	sadd.s32 s29, s5;
	s6 =	ssub.s32 s31, s8  }
0xa: {  	s4 =	sshrl.u32 s4, $0x3;
	s7 =	sadd.s32 s7, s30;
	s6 =	smax.u32 s6, $0x1  }
0xb: {  	s9 =	sadd.s32 s4, s5;
	s4 =	sadd.s32 $0xFBA00, s5;
	s5 =	sadd.s32 $0x122C00, s7  }
0xc: {  	s7 =	sadd.s32 $0xFA1A00, s7;
	s8 =	sadd.s32 $0xD600, s9;
	s9 =	sadd.s32 $0x2C200, s9  }
.LBB2_1:
0xd: {  	s18 =	sadd.s32 $0x0, s9  }
0xe: {  	[tilespmem:s2], [sflag:$0x3] =	stream.linear.gather [hbm4b:s18+s2], $0x50, $0x38;
	[tilespmem:$0x5100] =	vst v63  }
0xf: {  	_ =	swait.ge [sflag:s10], $0x50  }
0x10: {  	[sflag:s10] =	ssyncset.done $0x0  }
0x11: {  	s31 =	sadd.s32 $0x0, s8;
	[sflag:s10] =	ssyncadd.s32 $0xFFFFFFB0  }
0x12: {  	[tilespmem:s11], [sflag:$0x3] =	stream.linear.gather [hbm4b:s31+s2], $0x50, $0x38;
	[tilespmem:$0x5100] =	vst v63  }
0x13: {  	_ =	swait.ge [sflag:s10], $0x50  }
0x14: {  	[sflag:s10] =	ssyncset.done $0x0  }
0x15: {  	[sflag:s10] =	ssyncadd.s32 $0xFFFFFFB0  }
0x16: {  	[tilespmem:s13], [sflag:$0x1] =	stream.indirect.gather [hbm4b:s3+s12], $0x80, s2, s12, $0xb8;
	[tilespmem:$0x5100] =	vst v63  }
0x17: {  	_ = 	snop  }
0x18: {  	[tilespmem:s14], [sflag:$0x2] =	stream.indirect.gather [hbm4b:s4+s12], $0x80, s11, s12, $0xb8;
	[tilespmem:$0x5100] =	vst v63  }
0x19: {  	_ =	swait.ge [sflag:s15], $0x2800  }
0x1a: {  	[sflag:s15] =	ssyncset.done $0x0  }
0x1b: {  	[sflag:s15] =	ssyncadd.s32 $0xFFFFD800  }
0x1c: {  	_ =	swait.ge [sflag:s16], $0x2800  }
0x1d: {  	[sflag:s16] =	ssyncset.done $0x0  }
0x1e: {  	[sflag:s16] =	ssyncadd.s32 $0xFFFFD800  }
0x1f: {  	[hbm4b:s5+s2] =	stream.linear.scatter [tilespmem:s13], [sflag:$0x3], $0x2800, $0x38;
	[tilespmem:$0x5100] =	vst v63  }
0x20: {  	_ =	swait.ge [sflag:s10], $0x2800  }
0x21: {  	[sflag:s10] =	ssyncset.done $0x0  }
0x22: {  	[sflag:s10] =	ssyncadd.s32 $0xFFFFD800  }
0x23: {  	[hbm4b:s7+s2] =	stream.linear.scatter [tilespmem:s14], [sflag:$0x3], $0x2800, $0x38;
	[tilespmem:$0x5100] =	vst v63  }
0x24: {  	s20 =	simm.s32 $0xA;
	s21 =	simm.s32 $0x14;
	_ =	swait.ge [sflag:s10], $0x2800  }
0x25: {  	s19 =	sadd.s32 $0x500, s5;
	s18 =	sadd.s32 $0x500, s7;
	[sflag:s10] =	ssyncset.done $0x0  }
.LBB2_2:
0x26: {  	s22 =	sadd.s32 s20, s9  }
0x27: {  	[sflag:s10] =	ssyncadd.s32 $0xFFFFD800;
	s23 =	smov.u32 s21;
	s24 =	sadd.s32 $0xA, s21  }
0x28: {  	[tilespmem:s2], [sflag:$0x3] =	stream.linear.gather [hbm4b:s22+s2], $0x50, $0x38;
	[tilespmem:$0x5100] =	vst v63  }
0x29: {  	p0 =	sne.s32 s21, $0x4D8;
	_ =	swait.ge [sflag:s10], $0x50  }
0x2a: {  	[sflag:s10] =	ssyncset.done $0x0  }
0x2b: {  	s21 =	sadd.s32 s20, s8;
	s20 =	smov.u32 s23;
	[sflag:s10] =	ssyncadd.s32 $0xFFFFFFB0  }
0x2c: {  	[tilespmem:s11], [sflag:$0x3] =	stream.linear.gather [hbm4b:s21+s2], $0x50, $0x38;
	[tilespmem:$0x5100] =	vst v63  }
0x2d: {  	_ =	swait.ge [sflag:s10], $0x50  }
0x2e: {  	[sflag:s10] =	ssyncset.done $0x0  }
0x2f: {  	[sflag:s10] =	ssyncadd.s32 $0xFFFFFFB0  }
0x30: {  	[tilespmem:s13], [sflag:$0x1] =	stream.indirect.gather [hbm4b:s3+s12], $0x80, s2, s12, $0xb8;
	[tilespmem:$0x5100] =	vst v63  }
0x31: {  	_ = 	snop  }
0x32: {  	[tilespmem:s14], [sflag:$0x2] =	stream.indirect.gather [hbm4b:s4+s12], $0x80, s11, s12, $0xb8;
	[tilespmem:$0x5100] =	vst v63  }
0x33: {  	_ =	swait.ge [sflag:s15], $0x2800  }
0x34: {  	[sflag:s15] =	ssyncset.done $0x0  }
0x35: {  	[sflag:s15] =	ssyncadd.s32 $0xFFFFD800  }
0x36: {  	_ =	swait.ge [sflag:s16], $0x2800  }
0x37: {  	[sflag:s16] =	ssyncset.done $0x0  }
0x38: {  	[sflag:s16] =	ssyncadd.s32 $0xFFFFD800  }
0x39: {  	[hbm4b:s19+s2] =	stream.linear.scatter [tilespmem:s13], [sflag:$0x3], $0x2800, $0x38;
	[tilespmem:$0x5100] =	vst v63  }
0x3a: {  	_ =	swait.ge [sflag:s10], $0x2800  }
.Ltmp0:
0x3b: {  	[sflag:s10] =	ssyncset.done $0x0;
	(pc) =	sbr.rel @p0 .LBB2_2-.Ltmp0, $4  }
0x3c: {  	[sflag:s10] =	ssyncadd.s32 $0xFFFFD800  }
0x3d: {  	[hbm4b:s18+s2] =	stream.linear.scatter [tilespmem:s14], [sflag:$0x3], $0x2800, $0x38;
	[tilespmem:$0x5100] =	vst v63  }
0x3e: {  	s21 =	smov.u32 s24;
	_ =	swait.ge [sflag:s10], $0x2800  }
0x3f: {  	s19 =	sadd.s32 $0x500, s19;
	s18 =	sadd.s32 $0x500, s18;
	[sflag:s10] =	ssyncset.done $0x0  }
0x40: {  	s21 =	sadd.s32 s20, s9;
	[sflag:s10] =	ssyncadd.s32 $0xFFFFD800  }
0x41: {  	[tilespmem:s2], [sflag:$0x3] =	stream.linear.gather [hbm4b:s21+s2], $0x50, $0x38;
	[tilespmem:$0x5100] =	vst v63  }
0x42: {  	_ =	swait.ge [sflag:s10], $0x50  }
0x43: {  	[sflag:s10] =	ssyncset.done $0x0  }
0x44: {  	s31 =	sadd.s32 s20, s8;
	[sflag:s10] =	ssyncadd.s32 $0xFFFFFFB0  }
0x45: {  	[tilespmem:s11], [sflag:$0x3] =	stream.linear.gather [hbm4b:s31+s2], $0x50, $0x38;
	[tilespmem:$0x5100] =	vst v63  }
0x46: {  	_ =	swait.ge [sflag:s10], $0x50  }
0x47: {  	[sflag:s10] =	ssyncset.done $0x0  }
0x48: {  	[sflag:s10] =	ssyncadd.s32 $0xFFFFFFB0  }
0x49: {  	[tilespmem:s13], [sflag:$0x1] =	stream.indirect.gather [hbm4b:s3+s12], $0x80, s2, s12, $0xb8;
	[tilespmem:$0x5100] =	vst v63  }
0x4a: {  	_ = 	snop  }
0x4b: {  	[tilespmem:s14], [sflag:$0x2] =	stream.indirect.gather [hbm4b:s4+s12], $0x80, s11, s12, $0xb8;
	[tilespmem:$0x5100] =	vst v63  }
0x4c: {  	_ =	swait.ge [sflag:s15], $0x2800  }
0x4d: {  	[sflag:s15] =	ssyncset.done $0x0  }
0x4e: {  	[sflag:s15] =	ssyncadd.s32 $0xFFFFD800  }
0x4f: {  	_ =	swait.ge [sflag:s16], $0x2800  }
0x50: {  	[sflag:s16] =	ssyncset.done $0x0  }
0x51: {  	[sflag:s16] =	ssyncadd.s32 $0xFFFFD800  }
0x52: {  	[hbm4b:s19+s2] =	stream.linear.scatter [tilespmem:s13], [sflag:$0x3], $0x2800, $0x38;
	[tilespmem:$0x5100] =	vst v63  }
0x53: {  	s17 =	sadd.s32 $0x1, s17;
	_ =	swait.ge [sflag:s10], $0x2800  }
0x54: {  	p0 =	sne.s32 s17, s6;
	[sflag:s10] =	ssyncset.done $0x0  }
.Ltmp1:
0x55: {  	[sflag:s10] =	ssyncadd.s32 $0xFFFFD800;
	(pc) =	sbr.rel @p0 .LBB2_1-.Ltmp1, $4  }
0x56: {  	[hbm4b:s18+s2] =	stream.linear.scatter [tilespmem:s14], [sflag:$0x3], $0x2800, $0x38;
	[tilespmem:$0x5100] =	vst v63  }
0x57: {  	_ =	swait.ge [sflag:s10], $0x2800  }
0x58: {  	[sflag:s10] =	ssyncset.done $0x0  }
0x59: {  	[sflag:s10] =	ssyncadd.s32 $0xFFFFD800  }
0x5a: {  	_ =	sfence.sel $0x180000  }
0x5b: {  	[bflag:$0x0] =	sbarrier.arrive $0xFFFF  }
0x5c: {  	p0 =	sne.s32 s0, $0x0;
	_ =	strace $0x90000050  }
0x5d: {  	s0 =	sadd.s32 @!p0 $0x100000, s1;
	[bflag:$0x2] =	sbarrier.arrive $0xFFFF  }
0x5e: {  	[sflag:s0] =	ssyncadd.tile.s32 @!p0 $0x1;
	_ =	shalt  }
.Lfunc_end2:
_tile_overlayer_lowered:
.L_overlay_start_2:
0x5f: {  	(tag) =	ssettag $0x2  }
0x60: {  	s0 =	rddreg [dreg:$0x0];
	s2 =	stileid.u32  }
0x61: {  	s1 =	rddreg [dreg:$0x1];
	p0 =	sne.s32 s2, $0x0  }
0x62: {  	s3 =	rddreg [dreg:$0x2];
	[bflag:$0x3] =	sbarrier.arrive $0xFFFF;
	s2 =	simm.s32 @!p0 $0x1C03  }
0x63: {  	[timem:s3], [sflag:s2] =	dma.local @!p0 [hbm:s0], s1  }
0x64: {  	s0 =	simm.s32 @!p0 $0x3  }
0x65: {  	_ =	swait.ge @!p0 [sflag:s0], s1  }
0x66: {  	s1 =	ssub.s32 @!p0 $0x0, s1;
	[sflag:s0] =	ssyncset.done @!p0 $0x0  }
0x67: {  	[sflag:s0] =	ssyncadd.s32 @!p0 s1  }
0x68: {  	[bflag:$0x3] =	sbarrier.arrive $0xFFFF  }
0x69: {  	_ =	shalt  }

// kernel: kernel.32.cloned.1.call-start
scs
__scs_entry_jumppad:
0x0: {  	(pc) =	sbr.rel $0x88, $3  }
0x1: {  	(tag) =	ssettag $0x0;
	lr =	simm.s32 $0x1  }
0x2: {  	[smem:$0x3F60] =	sst lr;
	_ =	strace $0xD0000000  }
0x3: {  	_ = 	snop  }
0x4: {  	_ = 	snop  }
0x5: {  	_ = 	snop  }
0x6: {  	_ = 	snop  }
0x7: {  	_ = 	snop  }
__scs_overlays_trampoline_lowered:
0x8: {  	[smem:$0x3F6F] =	sst s0  }
0x9: {  	[smem:$0x3F70] =	sst s1  }
0xa: {  	[smem:$0x3F71] =	sst s2  }
0xb: {  	[smem:$0x3F72] =	sst s3  }
0xc: {  	[smem:$0x3F73] =	sst s4  }
0xd: {  	[smem:$0x3F74] =	sst s5  }
0xe: {  	[smem:$0x3F75] =	sst s6  }
0xf: {  	[smem:$0x3F76] =	sst s7  }
0x10: {  	[smem:$0x3F77] =	sst s8  }
0x11: {  	[smem:$0x3F78] =	sst s9;
	s0 =	simm.s32 @!p0 $0x0  }
0x12: {  	s1 =	sld [smem:$0x3F5E];
	s0 =	simm.s32 @p0 $0x1  }
0x13: {  	[smem:$0x3F79] =	sst s0;
	s0 =	simm.s32 @!p1 $0x0  }
0x14: {  	s2 =	sld [smem:$0x3F5D];
	s0 =	simm.s32 @p1 $0x1  }
0x15: {  	[smem:$0x3F7A] =	sst s0;
	s0 =	simm.s32 @!p2 $0x0  }
0x16: {  	s3 =	sld [smem:$0x3FDB];
	s0 =	simm.s32 @p2 $0x1  }
0x17: {  	s4 =	simm.s32 $0x1BF5;
	[smem:$0x3F7C] =	sst s0  }
0x18: {  	s0 =	sld [smem:$0x3F5F];
	_ =	swait.ge [sflag:s4], $0x0  }
0x19: {  	s7 =	sld [smem:$0x3F60]  }
0x1a: {  	s8 =	sadd.s32 $0xFFFFE003, lr  }
0x1b: {  	s9 =	sadd.s32 $0xFFFFFEF7, lr;
	s5 =	simm.s32 $0xFFFFFFFF;
	p2 =	slt.u32 s8, $0xFFFFF086  }
0x1c: {  	p1 =	slt.u32 s9, $0xF7A;
	s5 =	simm.s32 @!p2 $0x0  }
0x1d: {  	s5 =	simm.s32 @p1 $0x1;
	p0 =	seq.s32 s7, s2  }
0x1e: {  	s7 =	smul.u32 @!p0 $0xF7A, s2;
	p2 =	seq.s32 @!p0 s5, $0x0  }
0x1f: {  	s9 =	smul.u32 $0xF7A, s1;
	s8 =	simm.s32 @!p0 $0x1BF5;
	p2 =	por !p2, p0  }
0x20: {  	[sflag:s8] =	ssyncset.s32 @!p0 $0xFFFFF086;
	s6 =	sadd.s32 @!p0 s3, s7;
	s7 =	simm.s32 @!p0 $0x108  }
0x21: {  	s3 =	sadd.s32 s3, s9;
	s6 =	sadd.s32 @!p0 $0x88, s6;
	s7 =	simm.s32 @p2 $0x1082  }
0x22: {  	[simem:s7], [sflag:s8] =	dma.local @!p0 [hbm:s6], $0xF7A  }
0x23: {  	s9 =	sor.u32 $0xD0000000, s2;
	s6 =	simm.s32 $0x108;
	_ =	swait.ge @!p0 [sflag:s8], $0x0  }
0x24: {  	s3 =	sadd.s32 $0x88, s3;
	s6 =	simm.s32 @!p1 $0x1082;
	[sflag:s4] =	ssyncset.s32 $0xFFFFF086  }
0x25: {  	[simem:s6], [sflag:s4] =	dma.local [hbm:s3], $0xF7A  }
0x26: {  	[smem:$0x3F60] =	sst s1;
	(tag) =	ssettag s2;
	_ =	strace s9  }
0x27: {  	s1 =	sld [smem:$0x3F70]  }
0x28: {  	s2 =	sld [smem:$0x3F71]  }
0x29: {  	s4 =	sld [smem:$0x3F73]  }
0x2a: {  	p0 =	seq.s32 s5, $0x0;
	s5 =	sld [smem:$0x3F74]  }
0x2b: {  	s6 =	sld [smem:$0x3F75]  }
0x2c: {  	s7 =	sld [smem:$0x3F76]  }
0x2d: {  	s3 =	simm.s32 $0x108;
	s8 =	sld [smem:$0x3F77]  }
0x2e: {  	s3 =	simm.s32 @!p0 $0x1082;
	s9 =	sld [smem:$0x3F78]  }
0x2f: {  	lr =	sadd.s32 s0, s3;
	s0 =	sld [smem:$0x3F6F]  }
0x30: {  	s3 =	sld [smem:$0x3F72]  }
0x31: {  	[smem:$0x3F7B] =	sst s10  }
0x32: {  	s10 =	sld [smem:$0x3F79];
	_ =	sdelay $0x3  }
0x33: {  	p0 =	seq.s32 s10, $0x1;
	s10 =	sld [smem:$0x3F7B];
	_ =	sdelay $0x3  }
0x34: {  	[smem:$0x3F7B] =	sst s10  }
0x35: {  	s10 =	sld [smem:$0x3F7A];
	_ =	sdelay $0x3  }
0x36: {  	p1 =	seq.s32 s10, $0x1;
	s10 =	sld [smem:$0x3F7B];
	_ =	sdelay $0x3  }
0x37: {  	[smem:$0x3F7B] =	sst s10  }
0x38: {  	s10 =	sld [smem:$0x3F7C]  }
0x39: {  	_ = 	snop;
	(pc) =	sbr.ind lr, $3  }
0x3a: {  	_ = 	snop  }
0x3b: {  	_ = 	snop  }
0x3c: {  	p2 =	seq.s32 s10, $0x1;
	s10 =	sld [smem:$0x3F7B]  }
0x3d: {  	_ =	shalt  }
0x3e: {  	_ =	shalt  }
0x3f: {  	_ =	shalt  }
0x40: {  	_ =	shalt  }
0x41: {  	_ =	shalt  }
0x42: {  	_ =	shalt  }
0x43: {  	_ =	shalt  }
0x44: {  	_ =	shalt  }
0x45: {  	_ =	shalt  }
0x46: {  	_ =	shalt  }
0x47: {  	_ =	shalt  }
0x48: {  	_ =	shalt  }
0x49: {  	_ =	shalt  }
0x4a: {  	_ =	shalt  }
0x4b: {  	_ =	shalt  }
0x4c: {  	_ =	shalt  }
0x4d: {  	_ =	shalt  }
0x4e: {  	_ =	shalt  }
0x4f: {  	_ =	shalt  }
0x50: {  	_ =	shalt  }
0x51: {  	_ =	shalt  }
0x52: {  	_ =	shalt  }
0x53: {  	_ =	shalt  }
0x54: {  	_ =	shalt  }
0x55: {  	_ =	shalt  }
0x56: {  	_ =	shalt  }
0x57: {  	_ =	shalt  }
0x58: {  	_ =	shalt  }
0x59: {  	_ =	shalt  }
0x5a: {  	_ =	shalt  }
0x5b: {  	_ =	shalt  }
0x5c: {  	_ =	shalt  }
0x5d: {  	_ =	shalt  }
0x5e: {  	_ =	shalt  }
0x5f: {  	_ =	shalt  }
0x60: {  	_ =	shalt  }
0x61: {  	_ =	shalt  }
0x62: {  	_ =	shalt  }
0x63: {  	_ =	shalt  }
0x64: {  	_ =	shalt  }
0x65: {  	_ =	shalt  }
0x66: {  	_ =	shalt  }
0x67: {  	_ =	shalt  }
0x68: {  	_ =	shalt  }
0x69: {  	_ =	shalt  }
0x6a: {  	_ =	shalt  }
0x6b: {  	_ =	shalt  }
0x6c: {  	_ =	shalt  }
0x6d: {  	_ =	shalt  }
0x6e: {  	_ =	shalt  }
0x6f: {  	_ =	shalt  }
0x70: {  	_ =	shalt  }
0x71: {  	_ =	shalt  }
0x72: {  	_ =	shalt  }
0x73: {  	_ =	shalt  }
0x74: {  	_ =	shalt  }
0x75: {  	_ =	shalt  }
0x76: {  	_ =	shalt  }
0x77: {  	_ =	shalt  }
0x78: {  	_ =	shalt  }
0x79: {  	_ =	shalt  }
0x7a: {  	_ =	shalt  }
0x7b: {  	_ =	shalt  }
0x7c: {  	_ =	shalt  }
0x7d: {  	_ =	shalt  }
0x7e: {  	_ =	shalt  }
0x7f: {  	_ =	shalt  }
0x80: {  	_ =	shalt  }
0x81: {  	_ =	shalt  }
0x82: {  	_ =	shalt  }
0x83: {  	_ =	shalt  }
0x84: {  	_ =	shalt  }
0x85: {  	_ =	shalt  }
0x86: {  	_ =	shalt  }
0x87: {  	_ =	shalt  }
.Lfunc_end0:
.L_simem_size_0:
called_computation.4_lowered:
.L_overlay_start_0:
0x88: {  	s2 =	sld [smem:$0x3FD9]  }
0x89: {  	s3 =	sld [smem:$0x3FFE];
	_ =	sdelay $0x1  }
0x8a: {  	s1 =	srdreg.scid  }
0x8b: {  	s0 =	sand.u32 $0x1, s1  }
0x8c: {  	s16 =	sshll.u32 s0, $0xA;
	s2 =	sadd.s32 s3, s2  }
0x8d: {  	s2 =	sadd.s32 s2, s16  }
0x8e: {  	[smem:$0x3F87] =	sst s2  }
0x8f: {  	_ = 	snop  }
0x90: {  	(tm) =	ssettm $0x1  }
0x91: {  	s17 =	sld [smem:$0x3FFB];
	_ =	sdelay $0x3  }
0x92: {  	_ =	strace s17  }
0x93: {  	s2 =	sld [smem:$0x3FFC];
	_ =	sdelay $0x3  }
0x94: {  	_ =	strace s2  }
0x95: {  	s2 =	sld [smem:$0x3FFD];
	_ =	sdelay $0x3  }
0x96: {  	_ =	strace s2  }
0x97: {  	_ =	strace $0x8FFFFFFF  }
0x98: {  	s18 =	sld [smem:$0x3FDB];
	_ =	sdelay $0x1  }
0x99: {  	s19 =	simm.s32 $_scs_section_size  }
0x9a: {  	s4 =	simm.s32 $_size__tile_overlayer_lowered;
	s5 =	simm.s32 $_tile_overlayer_lowered  }
0x9b: {  	s22 =	simm.s32 $0x1BFF;
	s21 =	sshll.u32 s5, $0x1;
	s2 =	sadd.s32 s19, s18  }
0x9c: {  	s6 =	simm.s32 $0x0;
	s20 =	sshll.u32 s4, $0x1;
	s4 =	sadd.s32 s21, s2  }
0x9d: {  	[timem:s6], [sflag:s22] =	dma.local [hbm:s4], s20  }
0x9e: {  	_ =	swait.ge [sflag:s22], s20  }
0x9f: {  	s3 =	ssub.s32 $0x0, s20;
	[sflag:s22] =	ssyncset.done $0x0  }
0xa0: {  	[sflag:s22] =	ssyncadd.s32 s3;
	_ =	sdelay $0x1  }
0xa1: {  	s23 =	simm.s32 $0x1B8B  }
0xa2: {  	_ =	swait.ge [sflag:s23], $0x1  }
0xa3: {  	[sflag:s23] =	ssyncset.done $0x0  }
0xa4: {  	s25 =	simm.s32 $0x1B8E;
	s24 =	sld [smem:$0x3FFE];
	[sflag:s23] =	ssyncadd.s32 $0xFFFFFFFF  }
0xa5: {  	s26 =	simm.s32 $execute0_lowered;
	[smem:$0x3FD2] =	sst s25  }
0xa6: {  	s4 =	sshll.u32 s26, $0x1;
	_ =	strace $0x80000052;
	[dreg:$0x1] =	wrdreg $0xFFFFFFFF  }
0xa7: {  	s28 =	simm.s32 $_size_execute0_lowered;
	s2 =	sadd.s32 s2, s4;
	[dreg:$0x0] =	wrdreg $0x0  }
0xa8: {  	s4 =	sshll.u32 s28, $0x1;
	[dreg:$0x2] =	wrdreg s2  }
0xa9: {  	[dreg:$0x3] =	wrdreg s4  }
0xaa: {  	[dreg:$0x4] =	wrdreg $0xC0  }
0xab: {  	_ =	task [dreg:s6], $0x5FFFF  }
0xac: {  	[dreg:$0x1] =	wrdreg $0xFFFFFFFF  }
0xad: {  	[dreg:$0x0] =	wrdreg $0x60  }
0xae: {  	[dreg:$0x2] =	wrdreg s24  }
0xaf: {  	[dreg:$0x3] =	wrdreg $0x0  }
0xb0: {  	[dreg:$0x4] =	wrdreg $0x9  }
0xb1: {  	_ =	task.clear_ibuf [dreg:s6], $0x5FFFF;
	_ =	strace $0x90000052  }
0xb2: {  	s29 =	simm.s32 $0x9;
	_ =	strace $0x80000054  }
0xb3: {  	_ =	swait.ge [sflag:s29], $0x1  }
0xb4: {  	[sflag:s29] =	ssyncadd.s32 $0xFFFFFFFF  }
0xb5: {  	_ =	strace $0x90000054  }
0xb6: {  	_ =	sfence  }
0xb7: {  	s30 =	sld [smem:$0x0];
	_ =	sdelay $0x2  }
0xb8: {  	s31 =	sshll.u32 s1, $0xD;
	s1 =	sshrl.u32 s1, $0x2  }
0xb9: {  	s3 =	sand.u32 $0x4000, s31;
	s1 =	sadd.s32 s1, s30  }
0xba: {  	s0 =	sor.u32 s3, s0;
	s1 =	sshll.u32 s1, $0x11  }
0xbb: {  	s0 =	sor.u32 s1, s0  }
0xbc: {  	s0 =	sadd.s32 $0x8F2B, s0  }
0xbd: {  	[sflag:s0] =	ssyncadd.remote.s32 $0x1  }
0xbe: {  	_ =	sfence.sel $0xFFFF  }
0xbf: {  	[dreg:$0x0] =	wrdreg $0xFFFFFFFF;
	(pc) =	sbr.abs _section_cstart, $3  }
0xc0: {  	[dreg:$0x1] =	wrdreg $0xFFFFFFFF  }
0xc1: {  	_ =	task.clear_ibuf [dreg:s6], $0x2FFFF;
	_ =	strace $0x9FFFFFFF  }
0xc2: {  	(tm) =	ssettm $0x7FFFFFFF  }
0xc3: {  	_ =	shalt  }
tec
execute0_lowered:
.L_overlay_start_1:
0x0: {  	(tag) =	ssettag $0x1  }
0x1: {  	s4 =	rddreg [dreg:$0x0];
	s2 =	stileid.u32  }
0x2: {  	s0 =	srdreg.scid;
	s8 =	smul.u32 $0x2710, s2  }
0x3: {  	s1 =	rddreg [dreg:$0x1];
	s26 =	smul.u32 $0x50000, s2  }
0x4: {  	s3 =	simm.s32 $0x0;
	s13 =	simm.s32 $0xD6400;
	s28 =	smul.u32 $0x2800, s2  }
0x5: {  	s14 =	simm.s32 $0x50;
	s6 =	sand.u32 $0x1, s0;
	s31 =	smul.u32 $0x27100, s2  }
0x6: {  	s15 =	simm.s32 $0x0;
	s0 =	rddreg [dreg:$0x2];
	s5 =	smul.u32 $0x271000, s6  }
0x7: {  	[smem:$0x7FF] =	sst s3;
	s30 =	sshll.u32 s2, $0x6;
	s7 =	smul.u32 $0x27100, s6  }
0x8: {  	_ =	strace $0x80000053;
	s10 =	ssub.s32 $0x2, s6;
	p0 =	seq.s32 s6, $0x1  }
0x9: {  	s29 =	sshrl.u32 s10, $0x1;
	s13 =	simm.s32 @!p0 $0xAE400;
	s9 =	sadd.s32 s5, s4  }
0xa: {  	s25 =	sadd.s32 s8, s7;
	s7 =	sshrl.u32 s26, $0x2;
	s8 =	sadd.s32 s28, s4  }
0xb: {  	s10 =	ssub.s32 s10, s29;
	s5 =	sshrl.u32 s25, $0x3;
	s12 =	sadd.s32 s7, s1  }
0xc: {  	s6 =	smax.u32 s10, $0x1;
	s9 =	sadd.s32 s31, s9;
	s7 =	sadd.s32 s13, s8  }
0xd: {  	s13 =	simm.s32 $0x14080;
	s11 =	sadd.s32 s5, s4;
	s4 =	sadd.s32 $0x86400, s8  }
0xe: {  	s5 =	sor.u32 $0x1C01, s30;
	s8 =	sadd.s32 $0x1483A00, s9;
	s10 =	sshrl.u32 s12, $0x3  }
0xf: {  	s12 =	simm.s32 $0x14000;
	s9 =	sadd.s32 $0x17400, s11;
	s11 =	simm.s32 $0x1  }
.LBB2_1:
0x10: {  	[spmem:s10], [sflag:s5] =	dma.local [hbm:s4], $0x2800  }
0x11: {  	_ =	swait.ge [sflag:s11], $0x2800  }
0x12: {  	[sflag:s11] =	ssyncset.done $0x0  }
0x13: {  	[sflag:s11] =	ssyncadd.s32 $0xFFFFD800  }
0x14: {  	s16 =	sadd.s32 $0x0, s9;
	[bflag:$0x0] =	sbarrier.arrive $0xFFFF  }
0x15: {  	[tilespmem:s12], [sflag:$0x1] =	stream.linear.gather [hbm4b:s16+s3], $0x50, $0x38;
	[tilespmem:$0x16880] =	vst v63  }
0x16: {  	_ =	swait.ge [sflag:s11], $0x50  }
0x17: {  	[sflag:s11] =	ssyncset.done $0x0  }
0x18: {  	[sflag:s11] =	ssyncadd.s32 $0xFFFFFFB0  }
0x19: {  	[tilespmem:s13], [sflag:$0x1] =	stream.linear.gather [hbm4b:s8+s3], $0x2800, $0x38;
	[tilespmem:$0x16880] =	vst v63  }
0x1a: {  	_ =	swait.ge [sflag:s11], $0x2800  }
0x1b: {  	[sflag:s11] =	ssyncset.done $0x0  }
0x1c: {  	[sflag:s11] =	ssyncadd.s32 $0xFFFFD800  }
0x1d: {  	[spmem:s1] =	stream.indirect.scatter.add.f32 [tilespmem:s13], [sflag:$0x1], $0x80, s12, s14, $0xb8;
	[tilespmem:$0x16880] =	vst v63  }
0x1e: {  	s17 =	simm.s32 $0xA;
	_ =	swait.ge [sflag:s11], $0x2800  }
0x1f: {  	s18 =	simm.s32 $0x14;
	s16 =	sadd.s32 $0x500, s8;
	[sflag:s11] =	ssyncset.done $0x0  }
.LBB2_2:
0x20: {  	s19 =	sadd.s32 s17, s9  }
0x21: {  	[sflag:s11] =	ssyncadd.s32 $0xFFFFD800;
	s17 =	smov.u32 s18;
	s20 =	sadd.s32 $0xA, s18  }
0x22: {  	[tilespmem:s12], [sflag:$0x1] =	stream.linear.gather [hbm4b:s19+s3], $0x50, $0x38;
	[tilespmem:$0x16880] =	vst v63  }
0x23: {  	p0 =	sne.s32 s18, $0x4D8;
	_ =	swait.ge [sflag:s11], $0x50  }
0x24: {  	[sflag:s11] =	ssyncset.done $0x0  }
0x25: {  	[sflag:s11] =	ssyncadd.s32 $0xFFFFFFB0  }
0x26: {  	[tilespmem:s13], [sflag:$0x1] =	stream.linear.gather [hbm4b:s16+s3], $0x2800, $0x38;
	[tilespmem:$0x16880] =	vst v63  }
0x27: {  	_ =	swait.ge [sflag:s11], $0x2800  }
.Ltmp0:
0x28: {  	[sflag:s11] =	ssyncset.done $0x0;
	(pc) =	sbr.rel @p0 .LBB2_2-.Ltmp0, $4  }
0x29: {  	[sflag:s11] =	ssyncadd.s32 $0xFFFFD800  }
0x2a: {  	[spmem:s1] =	stream.indirect.scatter.add.f32 [tilespmem:s13], [sflag:$0x1], $0x80, s12, s14, $0xb8;
	[tilespmem:$0x16880] =	vst v63  }
0x2b: {  	_ =	swait.ge [sflag:s11], $0x2800  }
0x2c: {  	s18 =	smov.u32 s20;
	s16 =	sadd.s32 $0x500, s16;
	[sflag:s11] =	ssyncset.done $0x0  }
0x2d: {  	s17 =	sadd.s32 s17, s9;
	[sflag:s11] =	ssyncadd.s32 $0xFFFFD800  }
0x2e: {  	[tilespmem:s12], [sflag:$0x1] =	stream.linear.gather [hbm4b:s17+s3], $0x50, $0x38;
	[tilespmem:$0x16880] =	vst v63  }
0x2f: {  	_ =	swait.ge [sflag:s11], $0x50  }
0x30: {  	[sflag:s11] =	ssyncset.done $0x0  }
0x31: {  	[sflag:s11] =	ssyncadd.s32 $0xFFFFFFB0  }
0x32: {  	[tilespmem:s13], [sflag:$0x1] =	stream.linear.gather [hbm4b:s16+s3], $0x2800, $0x38;
	[tilespmem:$0x16880] =	vst v63  }
0x33: {  	_ =	swait.ge [sflag:s11], $0x2800  }
0x34: {  	[sflag:s11] =	ssyncset.done $0x0  }
0x35: {  	[sflag:s11] =	ssyncadd.s32 $0xFFFFD800  }
0x36: {  	[spmem:s1] =	stream.indirect.scatter.add.f32 [tilespmem:s13], [sflag:$0x1], $0x80, s12, s14, $0xb8;
	[tilespmem:$0x16880] =	vst v63  }
0x37: {  	_ =	swait.ge [sflag:s11], $0x2800  }
0x38: {  	s15 =	sadd.s32 $0x1, s15;
	[sflag:s11] =	ssyncset.done $0x0  }
0x39: {  	p0 =	sne.s32 s15, s6;
	[sflag:s11] =	ssyncadd.s32 $0xFFFFD800  }
.Ltmp1:
0x3a: {  	[bflag:$0x0] =	sbarrier.arrive $0xFFFF;
	(pc) =	sbr.rel @p0 .LBB2_1-.Ltmp1, $4  }
0x3b: {  	[hbm:s7], [sflag:s5] =	dma.local [spmem:s10], $0x2800  }
0x3c: {  	_ =	swait.ge [sflag:s11], $0x2800  }
0x3d: {  	[sflag:s11] =	ssyncset.done $0x0  }
0x3e: {  	[sflag:s11] =	ssyncadd.s32 $0xFFFFD800  }
0x3f: {  	_ =	sfence.sel $0x180000  }
0x40: {  	[bflag:$0x0] =	sbarrier.arrive $0xFFFF  }
0x41: {  	p0 =	sne.s32 s2, $0x0;
	_ =	strace $0x90000053  }
0x42: {  	s0 =	sadd.s32 @!p0 $0x100000, s0;
	[bflag:$0x2] =	sbarrier.arrive $0xFFFF  }
0x43: {  	[sflag:s0] =	ssyncadd.tile.s32 @!p0 $0x1;
	_ =	shalt  }
.Lfunc_end2:
_tile_overlayer_lowered:
.L_overlay_start_2:
0x44: {  	(tag) =	ssettag $0x2  }
0x45: {  	s0 =	rddreg [dreg:$0x0];
	s2 =	stileid.u32  }
0x46: {  	s1 =	rddreg [dreg:$0x1];
	p0 =	sne.s32 s2, $0x0  }
0x47: {  	s3 =	rddreg [dreg:$0x2];
	[bflag:$0x3] =	sbarrier.arrive $0xFFFF;
	s2 =	simm.s32 @!p0 $0x1C01  }
0x48: {  	[timem:s3], [sflag:s2] =	dma.local @!p0 [hbm:s0], s1  }
0x49: {  	s0 =	simm.s32 @!p0 $0x1  }
0x4a: {  	_ =	swait.ge @!p0 [sflag:s0], s1  }
0x4b: {  	s1 =	ssub.s32 @!p0 $0x0, s1;
	[sflag:s0] =	ssyncset.done @!p0 $0x0  }
0x4c: {  	[sflag:s0] =	ssyncadd.s32 @!p0 s1  }
0x4d: {  	[bflag:$0x3] =	sbarrier.arrive $0xFFFF  }
0x4e: {  	_ =	shalt  }

</sc_bundles>
